<compile_context>
chip_gen: v7x
topology: tpu7x:2x2x1
jax: 0.10.2.dev20260603
libtpu: 0.0.44.dev20260713+nightly
codegen_flags: <defaults>
</compile_context>

<pallas_src>
import functools

import jax
import jax.numpy as jnp
from jax import lax
from jax.experimental import pallas as pl
from jax.experimental.pallas import tpu as pltpu
from jax.experimental.pallas import tpu_sc as plsc

NUM_EMBEDDINGS = 1024
CODE_DIM = 256
NUM_CODEBOOKS = 4
COMMITMENT_COST = 0.25
EPS = 1e-10

def _vq_tc_body(z_ref, e_ref, idx_ref, idxt_ref, commit_ref, ppl_ref,
                counts_scr, commit_scr, e2_scr):
    i = pl.program_id(0)
    e = e_ref[...]
    K, Dc = e.shape
    Rb = z_ref.shape[0]

    @pl.when(i == 0)
    def _pre():
        e2_scr[...] = jnp.sum(e * e, axis=1, keepdims=True).reshape(1, -1)

    e2 = e2_scr[...]
    iota_f = lax.broadcasted_iota(jnp.int32, (1, K), 1).astype(jnp.float32)
    ones_r = jnp.ones((1, Rb), jnp.bfloat16)
    idx_cols = []
    tile_counts = jnp.zeros((1, K), jnp.float32)
    tile_commit = jnp.zeros((), jnp.float32)
    for c in range(NUM_CODEBOOKS):
        zc = z_ref[:, c * Dc:(c + 1) * Dc]
        z2 = jnp.sum(zc * zc, axis=1, keepdims=True)
        s_neg = lax.dot_general(zc * -2.0, e, (((1,), (1,)), ((), ())),
                                preferred_element_type=jnp.float32)
        d = (z2 + s_neg) + e2
        md = jnp.min(d, axis=1, keepdims=True)
        idxf = jnp.min(jnp.where(d == md, iota_f, 2048.0), axis=1,
                       keepdims=True)
        idxi = idxf.astype(jnp.int32)
        idx_cols.append(idxi)
        idxt_ref[:, c, :] = idxi.reshape(Rb // 128, 128)
        onehot = (iota_f == idxf).astype(jnp.bfloat16)
        tile_counts += lax.dot_general(ones_r, onehot,
                                       (((1,), (0,)), ((), ())),
                                       preferred_element_type=jnp.float32)
        tile_commit += jnp.sum(md)
    idx_ref[...] = jnp.concatenate(idx_cols, axis=1)

    @pl.when(i == 0)
    def _init():
        counts_scr[...] = tile_counts
        commit_scr[0] = tile_commit

    @pl.when(i > 0)
    def _acc():
        counts_scr[...] += tile_counts
        commit_scr[0] += tile_commit

    @pl.when(i == pl.num_programs(0) - 1)
    def _fin():
        total_rows = Rb * NUM_CODEBOOKS * pl.num_programs(0)
        p = counts_scr[...] / total_rows
        ent = -jnp.sum(p * jnp.log(p + EPS), axis=1, keepdims=True)
        ppl_ref[...] = jnp.exp(ent)
        commit_ref[...] = jnp.full((1, 1), commit_scr[0], jnp.float32)


ROWS_BT_PER_TILE = 2048


def _vq_distance_argmin(z_bt, embed):
    nb, ld = z_bt.shape
    k, dc = embed.shape
    g = nb // ROWS_BT_PER_TILE
    rt = ROWS_BT_PER_TILE // 128
    idx, idxt, commit, ppl = pl.pallas_call(
        _vq_tc_body,
        grid=(g,),
        in_specs=[
            pl.BlockSpec((ROWS_BT_PER_TILE, ld), lambda i: (i, 0)),
            pl.BlockSpec((k, dc), lambda i: (0, 0)),
        ],
        out_specs=[
            pl.BlockSpec((ROWS_BT_PER_TILE, NUM_CODEBOOKS), lambda i: (i, 0)),
            pl.BlockSpec((rt, NUM_CODEBOOKS, 128), lambda i: (i, 0, 0)),
            pl.BlockSpec((1, 1), lambda i: (0, 0)),
            pl.BlockSpec((1, 1), lambda i: (0, 0)),
        ],
        out_shape=[
            jax.ShapeDtypeStruct((nb, NUM_CODEBOOKS), jnp.int32),
            jax.ShapeDtypeStruct((nb // 128, NUM_CODEBOOKS, 128), jnp.int32),
            jax.ShapeDtypeStruct((1, 1), jnp.float32),
            jax.ShapeDtypeStruct((1, 1), jnp.float32),
        ],
        scratch_shapes=[
            pltpu.VMEM((1, k), jnp.float32),
            pltpu.SMEM((1,), jnp.float32),
            pltpu.VMEM((1, k), jnp.float32),
        ],
        compiler_params=pltpu.CompilerParams(
            dimension_semantics=("arbitrary",)),
    )(z_bt, embed)
    return idx, idxt, commit[0, 0], ppl[0, 0]



_SC_ROWS = 32


def _make_sc_gather(nb, ld, dc):
    info = plsc.get_sparse_core_info()
    nw = info.num_cores * info.num_subcores
    rows_per_w = nb // nw
    n_ch = rows_per_w // _SC_ROWS
    ncb = ld // dc
    mesh = plsc.VectorSubcoreMesh(core_axis_name="c", subcore_axis_name="s")

    @functools.partial(
        pl.kernel, mesh=mesh,
        out_type=jax.ShapeDtypeStruct((nb, ld), jnp.float32),
        scratch_types=[
            pltpu.VMEM((nb // 128 // nw, ncb, 128), jnp.int32),
            pltpu.VMEM((_SC_ROWS, ld), jnp.float32),
            pltpu.VMEM((_SC_ROWS, ld), jnp.float32),
            pltpu.SemaphoreType.DMA,
            pltpu.SemaphoreType.DMA,
            pltpu.SemaphoreType.DMA,
            pltpu.SemaphoreType.DMA,
        ],
    )
    def _gather(idx_hbm, table_hbm, out_hbm, idx_v, buf_a, buf_b, sem_a,
                sem_b, wsem_a, wsem_b):
        wid = lax.axis_index("s") * info.num_cores + lax.axis_index("c")
        base = wid * rows_per_w
        mrows = nb // 128 // nw
        pltpu.sync_copy(idx_hbm.at[pl.ds(mrows * wid, mrows)], idx_v)

        cpr = 128 // _SC_ROWS

        def chunk_gathers(m, buf, sem):
            j = m // cpr
            off = (m % cpr) * _SC_ROWS
            return [
                pltpu.async_copy(
                    table_hbm.at[idx_v.at[j, c, pl.ds(off, _SC_ROWS)]],
                    buf.at[:, pl.ds(c * dc, dc)], sem)
                for c in range(ncb)
            ]

        bufs = (buf_a, buf_b)
        gsems = (sem_a, sem_b)
        wsems = (wsem_a, wsem_b)
        pending_g = [chunk_gathers(0, buf_a, sem_a),
                     chunk_gathers(1, buf_b, sem_b)]
        final_wbs = []
        for m in range(n_ch):
            b = m % 2
            for cp in pending_g[b]:
                cp.wait()
            wb = pltpu.async_copy(
                bufs[b], out_hbm.at[pl.ds(base + m * _SC_ROWS, _SC_ROWS)],
                wsems[b])
            if m + 2 < n_ch:
                wb.wait()
                pending_g[b] = chunk_gathers(m + 2, bufs[b], gsems[b])
            else:
                final_wbs.append(wb)
        for wb in final_wbs:
            wb.wait()

    return _gather


def kernel(z_bt, embed):
    k, dc = embed.shape
    nb, ld = z_bt.shape

    indices, idx_t, commit_sum, perplexity = _vq_distance_argmin(z_bt, embed)

    quantized_st = _make_sc_gather(nb, ld, dc)(idx_t, embed)

    commitment_loss = commit_sum / z_bt.size
    codebook_loss = jnp.zeros((), dtype=z_bt.dtype)
    loss = COMMITMENT_COST * commitment_loss
    return (quantized_st, indices, loss, codebook_loss, commitment_loss,
            perplexity)

# --- scband reference (transcript-rebuilt; emitter-appended) ---
"""Pipeline reference for scband-vector-quantizer-61177514164810 (READ-ONLY COPY).

The authoritative reference and input builder live on the scoring server;
editing this copy changes nothing except your own understanding.
"""

import jax, jax.numpy as jnp
import numpy as np

NUM_EMBEDDINGS = 1024
CODE_DIM = 256
NUM_CODEBOOKS = 4
LATENT_DIM = NUM_CODEBOOKS * CODE_DIM
COMMITMENT_COST = 0.25
CODEBOOK_COST = 1.0
EPS = 1e-10


def setup_inputs(seed: int = 0) -> dict:
    key = jax.random.key(seed)
    k1, k2 = jax.random.split(key)
    z_bt = jax.random.normal(k1, (8192, LATENT_DIM), dtype=jnp.float32)
    lim = 1.0 / NUM_EMBEDDINGS
    embed = jax.random.uniform(k2, (NUM_EMBEDDINGS, CODE_DIM), dtype=jnp.float32, minval=-lim, maxval=lim)
    return {"z_bt": z_bt, "embed": embed}


def reference(z_bt, embed):
    K, Dc = embed.shape
    z_codes = z_bt.reshape(-1, NUM_CODEBOOKS, Dc)
    flat_z = z_codes.reshape(-1, Dc)
    # squared euclidean distances: ||z||^2 - 2 z e^T + ||e||^2
    distances = (jnp.sum(flat_z ** 2, axis=1, keepdims=True)
                 - 2.0 * flat_z @ embed.T
                 + jnp.sum(embed ** 2, axis=1)[None, :])
    flat_indices = jnp.argmin(distances, axis=1)
    quantized_flat = jnp.take(embed, flat_indices, axis=0)
    quantized_bt = quantized_flat.reshape(-1, LATENT_DIM)
    # use_ema=True and eval mode: no EMA update, codebook_loss = 0
    codebook_loss = jnp.zeros((), dtype=z_bt.dtype)
    commitment_loss = jnp.mean((jax.lax.stop_gradient(quantized_bt) - z_bt) ** 2)
    loss = CODEBOOK_COST * codebook_loss + COMMITMENT_COST * commitment_loss
    quantized_st = z_bt + jax.lax.stop_gradient(quantized_bt - z_bt)
    # avg_probs = one_hot(indices).mean(0) computed via bincount (same math, avoids huge one-hot)
    counts = jnp.bincount(flat_indices, length=K).astype(z_bt.dtype)
    avg_probs = counts / flat_indices.shape[0]
    perplexity = jnp.exp(-jnp.sum(avg_probs * jnp.log(avg_probs + EPS)))
    indices = flat_indices.reshape(-1, NUM_CODEBOOKS)
    return quantized_st, indices, loss, codebook_loss, commitment_loss, perplexity

if __name__ == "__main__":
    import jax
    _d = setup_inputs()
    print(jax.jit(kernel)(*tuple(_d.values())))

</pallas_src>

<mosaic_0001>
#map = affine_map<(d0, d1) -> (0, 0, 0)>
#map1 = affine_map<(d0, d1) -> (0, 0)>
module attributes {stable_mosaic.version = 14 : i64} {
  func.func @_gather(%arg0: i32, %arg1: i32, %arg2: memref<64x4x128xi32, #tpu.memory_space<hbm>>, %arg3: memref<1024x256xf32, #tpu.memory_space<hbm>>, %arg4: memref<8192x1024xf32, #tpu.memory_space<hbm>>, %arg5: memref<2x4x128xi32, #tpu.memory_space<vmem>>, %arg6: memref<32x1024xf32, #tpu.memory_space<vmem>>, %arg7: memref<32x1024xf32, #tpu.memory_space<vmem>>, %arg8: memref<!tpu.dma_semaphore, #tpu.memory_space<semaphore_mem>>, %arg9: memref<!tpu.dma_semaphore, #tpu.memory_space<semaphore_mem>>, %arg10: memref<!tpu.dma_semaphore, #tpu.memory_space<semaphore_mem>>, %arg11: memref<!tpu.dma_semaphore, #tpu.memory_space<semaphore_mem>>) attributes {dimension_semantics = [#tpu.dimension_semantics<core_parallel>, #tpu.dimension_semantics<subcore_parallel>], iteration_bounds = array<i64: 2, 16>, scalar_prefetch = 0 : i64, scratch_operands = 7 : i64, tpu.core_type = #tpu.core_type<sc_vector_subcore>, window_params = [{transform_indices = #map}, {transform_indices = #map1}, {transform_indices = #map1}]} {
    %mul3A = arith.constant 2 : i32
    %mul3A_0 = arith.muli %arg1, %mul3A : i32
    %add3A = arith.addi %mul3A_0, %arg0 : i32
    %mul3A_1 = arith.constant 256 : i32
    %mul3A_2 = arith.muli %add3A, %mul3A_1 : i32
    %mul3A_3 = arith.constant 2 : i32
    %mul3A_4 = arith.muli %mul3A_3, %add3A : i32
    "tpu.region"() ({
      %run_scoped3A = tpu.sem_alloc : memref<!tpu.dma_semaphore, #tpu.memory_space<semaphore_mem>>
      %dma_start3A_787 = arith.constant 0 : i32
      %dma_start3A_788 = arith.constant 0 : i32
      %dma_start3A_789 = tpu.memref_slice %arg2[%mul3A_4, %dma_start3A_787, %dma_start3A_788] : memref<64x4x128xi32, #tpu.memory_space<hbm>> -> memref<2x4x128xi32, #tpu.memory_space<hbm>>
      %dma_start3A_790 = arith.constant 0 : i32
      %dma_start3A_791 = arith.constant 0 : i32
      %dma_start3A_792 = tpu.memref_slice %arg2[%mul3A_4, %dma_start3A_790, %dma_start3A_791] : memref<64x4x128xi32, #tpu.memory_space<hbm>> -> memref<2x4x128xi32, #tpu.memory_space<hbm>>
      tpu.enqueue_dma source(%dma_start3A_792 : memref<2x4x128xi32, #tpu.memory_space<hbm>>) target(%arg5 : memref<2x4x128xi32, #tpu.memory_space<vmem>>) target_semaphore(%run_scoped3A : memref<!tpu.dma_semaphore, #tpu.memory_space<semaphore_mem>>)
      %dma_wait3A_793 = arith.constant 0 : i32
      %dma_wait3A_794 = arith.constant 0 : i32
      %dma_wait3A_795 = tpu.memref_slice %arg2[%mul3A_4, %dma_wait3A_793, %dma_wait3A_794] : memref<64x4x128xi32, #tpu.memory_space<hbm>> -> memref<2x4x128xi32, #tpu.memory_space<hbm>>
      %dma_wait3A_796 = arith.constant 0 : i32
      %dma_wait3A_797 = arith.constant 0 : i32
      %dma_wait3A_798 = tpu.memref_slice %arg2[%mul3A_4, %dma_wait3A_796, %dma_wait3A_797] : memref<64x4x128xi32, #tpu.memory_space<hbm>> -> memref<2x4x128xi32, #tpu.memory_space<hbm>>
      tpu.wait_dma2 semaphore(%run_scoped3A : memref<!tpu.dma_semaphore, #tpu.memory_space<semaphore_mem>>) src(%dma_wait3A_798 : memref<2x4x128xi32, #tpu.memory_space<hbm>>) dst(%arg5 : memref<2x4x128xi32, #tpu.memory_space<vmem>>)
      tpu.yield
    }) : () -> ()
    %dma_start3A = arith.constant 0 : i32
    %dma_start3A_5 = arith.constant 0 : i32
    %dma_start3A_6 = arith.constant 0 : i32
    %dma_start3A_7 = arith.constant 0 : i32
    %dma_start3A_8 = tpu.memref_slice %arg6[%dma_start3A_6, %dma_start3A_7] : memref<32x1024xf32, #tpu.memory_space<vmem>> -> memref<32x256xf32, #tpu.memory_space<vmem>>
    %dma_start3A_9 = arith.constant 0 : i32
    %dma_start3A_10 = tpu.memref_slice %arg5[%dma_start3A, %dma_start3A_5, %dma_start3A_9] : memref<2x4x128xi32, #tpu.memory_space<vmem>> -> memref<1x1x32xi32, #tpu.memory_space<vmem>>
    %dma_start3A_11 = tpu.memref_squeeze %dma_start3A_10 : memref<1x1x32xi32, #tpu.memory_space<vmem>> -> memref<32xi32, #tpu.memory_space<vmem>>
    %dma_start3A_12 = arith.constant 0 : i32
    %dma_start3A_13 = arith.constant 0 : i32
    %dma_start3A_14 = tpu.memref_slice %arg3[%dma_start3A_12, %dma_start3A_13] : memref<1024x256xf32, #tpu.memory_space<hbm>> -> memref<1024x256xf32, #tpu.memory_space<hbm>>
    tpu.enqueue_indirect_dma source(%dma_start3A_14 : memref<1024x256xf32, #tpu.memory_space<hbm>>) target(%dma_start3A_8 : memref<32x256xf32, #tpu.memory_space<vmem>>) offsets(%dma_start3A_11 : memref<32xi32, #tpu.memory_space<vmem>>) semaphore(%arg8 : memref<!tpu.dma_semaphore, #tpu.memory_space<semaphore_mem>>)
    %dma_start3A_15 = arith.constant 0 : i32
    %dma_start3A_16 = arith.constant 1 : i32
    %dma_start3A_17 = arith.constant 0 : i32
    %dma_start3A_18 = arith.constant 256 : i32
    %dma_start3A_19 = tpu.memref_slice %arg6[%dma_start3A_17, %dma_start3A_18] : memref<32x1024xf32, #tpu.memory_space<vmem>> -> memref<32x256xf32, #tpu.memory_space<vmem>>
    %dma_start3A_20 = arith.constant 0 : i32
    %dma_start3A_21 = tpu.memref_slice %arg5[%dma_start3A_15, %dma_start3A_16, %dma_start3A_20] : memref<2x4x128xi32, #tpu.memory_space<vmem>> -> memref<1x1x32xi32, #tpu.memory_space<vmem>>
    %dma_start3A_22 = tpu.memref_squeeze %dma_start3A_21 : memref<1x1x32xi32, #tpu.memory_space<vmem>> -> memref<32xi32, #tpu.memory_space<vmem>>
    %dma_start3A_23 = arith.constant 0 : i32
    %dma_start3A_24 = arith.constant 0 : i32
    %dma_start3A_25 = tpu.memref_slice %arg3[%dma_start3A_23, %dma_start3A_24] : memref<1024x256xf32, #tpu.memory_space<hbm>> -> memref<1024x256xf32, #tpu.memory_space<hbm>>
    tpu.enqueue_indirect_dma source(%dma_start3A_25 : memref<1024x256xf32, #tpu.memory_space<hbm>>) target(%dma_start3A_19 : memref<32x256xf32, #tpu.memory_space<vmem>>) offsets(%dma_start3A_22 : memref<32xi32, #tpu.memory_space<vmem>>) semaphore(%arg8 : memref<!tpu.dma_semaphore, #tpu.memory_space<semaphore_mem>>)
    %dma_start3A_26 = arith.constant 0 : i32
    %dma_start3A_27 = arith.constant 2 : i32
    %dma_start3A_28 = arith.constant 0 : i32
    %dma_start3A_29 = arith.constant 512 : i32
    %dma_start3A_30 = tpu.memref_slice %arg6[%dma_start3A_28, %dma_start3A_29] : memref<32x1024xf32, #tpu.memory_space<vmem>> -> memref<32x256xf32, #tpu.memory_space<vmem>>
    %dma_start3A_31 = arith.constant 0 : i32
    %dma_start3A_32 = tpu.memref_slice %arg5[%dma_start3A_26, %dma_start3A_27, %dma_start3A_31] : memref<2x4x128xi32, #tpu.memory_space<vmem>> -> memref<1x1x32xi32, #tpu.memory_space<vmem>>
    %dma_start3A_33 = tpu.memref_squeeze %dma_start3A_32 : memref<1x1x32xi32, #tpu.memory_space<vmem>> -> memref<32xi32, #tpu.memory_space<vmem>>
    %dma_start3A_34 = arith.constant 0 : i32
    %dma_start3A_35 = arith.constant 0 : i32
    %dma_start3A_36 = tpu.memref_slice %arg3[%dma_start3A_34, %dma_start3A_35] : memref<1024x256xf32, #tpu.memory_space<hbm>> -> memref<1024x256xf32, #tpu.memory_space<hbm>>
    tpu.enqueue_indirect_dma source(%dma_start3A_36 : memref<1024x256xf32, #tpu.memory_space<hbm>>) target(%dma_start3A_30 : memref<32x256xf32, #tpu.memory_space<vmem>>) offsets(%dma_start3A_33 : memref<32xi32, #tpu.memory_space<vmem>>) semaphore(%arg8 : memref<!tpu.dma_semaphore, #tpu.memory_space<semaphore_mem>>)
    %dma_start3A_37 = arith.constant 0 : i32
    %dma_start3A_38 = arith.constant 3 : i32
    %dma_start3A_39 = arith.constant 0 : i32
    %dma_start3A_40 = arith.constant 768 : i32
    %dma_start3A_41 = tpu.memref_slice %arg6[%dma_start3A_39, %dma_start3A_40] : memref<32x1024xf32, #tpu.memory_space<vmem>> -> memref<32x256xf32, #tpu.memory_space<vmem>>
    %dma_start3A_42 = arith.constant 0 : i32
    %dma_start3A_43 = tpu.memref_slice %arg5[%dma_start3A_37, %dma_start3A_38, %dma_start3A_42] : memref<2x4x128xi32, #tpu.memory_space<vmem>> -> memref<1x1x32xi32, #tpu.memory_space<vmem>>
    %dma_start3A_44 = tpu.memref_squeeze %dma_start3A_43 : memref<1x1x32xi32, #tpu.memory_space<vmem>> -> memref<32xi32, #tpu.memory_space<vmem>>
    %dma_start3A_45 = arith.constant 0 : i32
    %dma_start3A_46 = arith.constant 0 : i32
    %dma_start3A_47 = tpu.memref_slice %arg3[%dma_start3A_45, %dma_start3A_46] : memref<1024x256xf32, #tpu.memory_space<hbm>> -> memref<1024x256xf32, #tpu.memory_space<hbm>>
    tpu.enqueue_indirect_dma source(%dma_start3A_47 : memref<1024x256xf32, #tpu.memory_space<hbm>>) target(%dma_start3A_41 : memref<32x256xf32, #tpu.memory_space<vmem>>) offsets(%dma_start3A_44 : memref<32xi32, #tpu.memory_space<vmem>>) semaphore(%arg8 : memref<!tpu.dma_semaphore, #tpu.memory_space<semaphore_mem>>)
    %dma_start3A_48 = arith.constant 0 : i32
    %dma_start3A_49 = arith.constant 0 : i32
    %dma_start3A_50 = arith.constant 0 : i32
    %dma_start3A_51 = arith.constant 0 : i32
    %dma_start3A_52 = tpu.memref_slice %arg7[%dma_start3A_50, %dma_start3A_51] : memref<32x1024xf32, #tpu.memory_space<vmem>> -> memref<32x256xf32, #tpu.memory_space<vmem>>
    %dma_start3A_53 = arith.constant 32 : i32
    %dma_start3A_54 = tpu.memref_slice %arg5[%dma_start3A_48, %dma_start3A_49, %dma_start3A_53] : memref<2x4x128xi32, #tpu.memory_space<vmem>> -> memref<1x1x32xi32, #tpu.memory_space<vmem>>
    %dma_start3A_55 = tpu.memref_squeeze %dma_start3A_54 : memref<1x1x32xi32, #tpu.memory_space<vmem>> -> memref<32xi32, #tpu.memory_space<vmem>>
    %dma_start3A_56 = arith.constant 0 : i32
    %dma_start3A_57 = arith.constant 0 : i32
    %dma_start3A_58 = tpu.memref_slice %arg3[%dma_start3A_56, %dma_start3A_57] : memref<1024x256xf32, #tpu.memory_space<hbm>> -> memref<1024x256xf32, #tpu.memory_space<hbm>>
    tpu.enqueue_indirect_dma source(%dma_start3A_58 : memref<1024x256xf32, #tpu.memory_space<hbm>>) target(%dma_start3A_52 : memref<32x256xf32, #tpu.memory_space<vmem>>) offsets(%dma_start3A_55 : memref<32xi32, #tpu.memory_space<vmem>>) semaphore(%arg9 : memref<!tpu.dma_semaphore, #tpu.memory_space<semaphore_mem>>)
    %dma_start3A_59 = arith.constant 0 : i32
    %dma_start3A_60 = arith.constant 1 : i32
    %dma_start3A_61 = arith.constant 0 : i32
    %dma_start3A_62 = arith.constant 256 : i32
    %dma_start3A_63 = tpu.memref_slice %arg7[%dma_start3A_61, %dma_start3A_62] : memref<32x1024xf32, #tpu.memory_space<vmem>> -> memref<32x256xf32, #tpu.memory_space<vmem>>
    %dma_start3A_64 = arith.constant 32 : i32
    %dma_start3A_65 = tpu.memref_slice %arg5[%dma_start3A_59, %dma_start3A_60, %dma_start3A_64] : memref<2x4x128xi32, #tpu.memory_space<vmem>> -> memref<1x1x32xi32, #tpu.memory_space<vmem>>
    %dma_start3A_66 = tpu.memref_squeeze %dma_start3A_65 : memref<1x1x32xi32, #tpu.memory_space<vmem>> -> memref<32xi32, #tpu.memory_space<vmem>>
    %dma_start3A_67 = arith.constant 0 : i32
    %dma_start3A_68 = arith.constant 0 : i32
    %dma_start3A_69 = tpu.memref_slice %arg3[%dma_start3A_67, %dma_start3A_68] : memref<1024x256xf32, #tpu.memory_space<hbm>> -> memref<1024x256xf32, #tpu.memory_space<hbm>>
    tpu.enqueue_indirect_dma source(%dma_start3A_69 : memref<1024x256xf32, #tpu.memory_space<hbm>>) target(%dma_start3A_63 : memref<32x256xf32, #tpu.memory_space<vmem>>) offsets(%dma_start3A_66 : memref<32xi32, #tpu.memory_space<vmem>>) semaphore(%arg9 : memref<!tpu.dma_semaphore, #tpu.memory_space<semaphore_mem>>)
    %dma_start3A_70 = arith.constant 0 : i32
    %dma_start3A_71 = arith.constant 2 : i32
    %dma_start3A_72 = arith.constant 0 : i32
    %dma_start3A_73 = arith.constant 512 : i32
    %dma_start3A_74 = tpu.memref_slice %arg7[%dma_start3A_72, %dma_start3A_73] : memref<32x1024xf32, #tpu.memory_space<vmem>> -> memref<32x256xf32, #tpu.memory_space<vmem>>
    %dma_start3A_75 = arith.constant 32 : i32
    %dma_start3A_76 = tpu.memref_slice %arg5[%dma_start3A_70, %dma_start3A_71, %dma_start3A_75] : memref<2x4x128xi32, #tpu.memory_space<vmem>> -> memref<1x1x32xi32, #tpu.memory_space<vmem>>
    %dma_start3A_77 = tpu.memref_squeeze %dma_start3A_76 : memref<1x1x32xi32, #tpu.memory_space<vmem>> -> memref<32xi32, #tpu.memory_space<vmem>>
    %dma_start3A_78 = arith.constant 0 : i32
    %dma_start3A_79 = arith.constant 0 : i32
    %dma_start3A_80 = tpu.memref_slice %arg3[%dma_start3A_78, %dma_start3A_79] : memref<1024x256xf32, #tpu.memory_space<hbm>> -> memref<1024x256xf32, #tpu.memory_space<hbm>>
    tpu.enqueue_indirect_dma source(%dma_start3A_80 : memref<1024x256xf32, #tpu.memory_space<hbm>>) target(%dma_start3A_74 : memref<32x256xf32, #tpu.memory_space<vmem>>) offsets(%dma_start3A_77 : memref<32xi32, #tpu.memory_space<vmem>>) semaphore(%arg9 : memref<!tpu.dma_semaphore, #tpu.memory_space<semaphore_mem>>)
    %dma_start3A_81 = arith.constant 0 : i32
    %dma_start3A_82 = arith.constant 3 : i32
    %dma_start3A_83 = arith.constant 0 : i32
    %dma_start3A_84 = arith.constant 768 : i32
    %dma_start3A_85 = tpu.memref_slice %arg7[%dma_start3A_83, %dma_start3A_84] : memref<32x1024xf32, #tpu.memory_space<vmem>> -> memref<32x256xf32, #tpu.memory_space<vmem>>
    %dma_start3A_86 = arith.constant 32 : i32
    %dma_start3A_87 = tpu.memref_slice %arg5[%dma_start3A_81, %dma_start3A_82, %dma_start3A_86] : memref<2x4x128xi32, #tpu.memory_space<vmem>> -> memref<1x1x32xi32, #tpu.memory_space<vmem>>
    %dma_start3A_88 = tpu.memref_squeeze %dma_start3A_87 : memref<1x1x32xi32, #tpu.memory_space<vmem>> -> memref<32xi32, #tpu.memory_space<vmem>>
    %dma_start3A_89 = arith.constant 0 : i32
    %dma_start3A_90 = arith.constant 0 : i32
    %dma_start3A_91 = tpu.memref_slice %arg3[%dma_start3A_89, %dma_start3A_90] : memref<1024x256xf32, #tpu.memory_space<hbm>> -> memref<1024x256xf32, #tpu.memory_space<hbm>>
    tpu.enqueue_indirect_dma source(%dma_start3A_91 : memref<1024x256xf32, #tpu.memory_space<hbm>>) target(%dma_start3A_85 : memref<32x256xf32, #tpu.memory_space<vmem>>) offsets(%dma_start3A_88 : memref<32xi32, #tpu.memory_space<vmem>>) semaphore(%arg9 : memref<!tpu.dma_semaphore, #tpu.memory_space<semaphore_mem>>)
    %dma_wait3A = arith.constant 0 : i32
    %dma_wait3A_92 = arith.constant 0 : i32
    %dma_wait3A_93 = arith.constant 0 : i32
    %dma_wait3A_94 = arith.constant 0 : i32
    %dma_wait3A_95 = tpu.memref_slice %arg6[%dma_wait3A_93, %dma_wait3A_94] : memref<32x1024xf32, #tpu.memory_space<vmem>> -> memref<32x256xf32, #tpu.memory_space<vmem>>
    %dma_wait3A_96 = arith.constant 0 : i32
    %dma_wait3A_97 = tpu.memref_slice %arg5[%dma_wait3A, %dma_wait3A_92, %dma_wait3A_96] : memref<2x4x128xi32, #tpu.memory_space<vmem>> -> memref<1x1x32xi32, #tpu.memory_space<vmem>>
    %dma_wait3A_98 = tpu.memref_squeeze %dma_wait3A_97 : memref<1x1x32xi32, #tpu.memory_space<vmem>> -> memref<32xi32, #tpu.memory_space<vmem>>
    %dma_wait3A_99 = arith.constant 0 : i32
    %dma_wait3A_100 = arith.constant 0 : i32
    %dma_wait3A_101 = tpu.memref_slice %arg3[%dma_wait3A_99, %dma_wait3A_100] : memref<1024x256xf32, #tpu.memory_space<hbm>> -> memref<1024x256xf32, #tpu.memory_space<hbm>>
    tpu.wait_indirect_dma semaphore(%arg8 : memref<!tpu.dma_semaphore, #tpu.memory_space<semaphore_mem>>) src(%dma_wait3A_101 : memref<1024x256xf32, #tpu.memory_space<hbm>>) dst(%dma_wait3A_95 : memref<32x256xf32, #tpu.memory_space<vmem>>)
    %dma_wait3A_102 = arith.constant 0 : i32
    %dma_wait3A_103 = arith.constant 1 : i32
    %dma_wait3A_104 = arith.constant 0 : i32
    %dma_wait3A_105 = arith.constant 256 : i32
    %dma_wait3A_106 = tpu.memref_slice %arg6[%dma_wait3A_104, %dma_wait3A_105] : memref<32x1024xf32, #tpu.memory_space<vmem>> -> memref<32x256xf32, #tpu.memory_space<vmem>>
    %dma_wait3A_107 = arith.constant 0 : i32
    %dma_wait3A_108 = tpu.memref_slice %arg5[%dma_wait3A_102, %dma_wait3A_103, %dma_wait3A_107] : memref<2x4x128xi32, #tpu.memory_space<vmem>> -> memref<1x1x32xi32, #tpu.memory_space<vmem>>
    %dma_wait3A_109 = tpu.memref_squeeze %dma_wait3A_108 : memref<1x1x32xi32, #tpu.memory_space<vmem>> -> memref<32xi32, #tpu.memory_space<vmem>>
    %dma_wait3A_110 = arith.constant 0 : i32
    %dma_wait3A_111 = arith.constant 0 : i32
    %dma_wait3A_112 = tpu.memref_slice %arg3[%dma_wait3A_110, %dma_wait3A_111] : memref<1024x256xf32, #tpu.memory_space<hbm>> -> memref<1024x256xf32, #tpu.memory_space<hbm>>
    tpu.wait_indirect_dma semaphore(%arg8 : memref<!tpu.dma_semaphore, #tpu.memory_space<semaphore_mem>>) src(%dma_wait3A_112 : memref<1024x256xf32, #tpu.memory_space<hbm>>) dst(%dma_wait3A_106 : memref<32x256xf32, #tpu.memory_space<vmem>>)
    %dma_wait3A_113 = arith.constant 0 : i32
    %dma_wait3A_114 = arith.constant 2 : i32
    %dma_wait3A_115 = arith.constant 0 : i32
    %dma_wait3A_116 = arith.constant 512 : i32
    %dma_wait3A_117 = tpu.memref_slice %arg6[%dma_wait3A_115, %dma_wait3A_116] : memref<32x1024xf32, #tpu.memory_space<vmem>> -> memref<32x256xf32, #tpu.memory_space<vmem>>
    %dma_wait3A_118 = arith.constant 0 : i32
    %dma_wait3A_119 = tpu.memref_slice %arg5[%dma_wait3A_113, %dma_wait3A_114, %dma_wait3A_118] : memref<2x4x128xi32, #tpu.memory_space<vmem>> -> memref<1x1x32xi32, #tpu.memory_space<vmem>>
    %dma_wait3A_120 = tpu.memref_squeeze %dma_wait3A_119 : memref<1x1x32xi32, #tpu.memory_space<vmem>> -> memref<32xi32, #tpu.memory_space<vmem>>
    %dma_wait3A_121 = arith.constant 0 : i32
    %dma_wait3A_122 = arith.constant 0 : i32
    %dma_wait3A_123 = tpu.memref_slice %arg3[%dma_wait3A_121, %dma_wait3A_122] : memref<1024x256xf32, #tpu.memory_space<hbm>> -> memref<1024x256xf32, #tpu.memory_space<hbm>>
    tpu.wait_indirect_dma semaphore(%arg8 : memref<!tpu.dma_semaphore, #tpu.memory_space<semaphore_mem>>) src(%dma_wait3A_123 : memref<1024x256xf32, #tpu.memory_space<hbm>>) dst(%dma_wait3A_117 : memref<32x256xf32, #tpu.memory_space<vmem>>)
    %dma_wait3A_124 = arith.constant 0 : i32
    %dma_wait3A_125 = arith.constant 3 : i32
    %dma_wait3A_126 = arith.constant 0 : i32
    %dma_wait3A_127 = arith.constant 768 : i32
    %dma_wait3A_128 = tpu.memref_slice %arg6[%dma_wait3A_126, %dma_wait3A_127] : memref<32x1024xf32, #tpu.memory_space<vmem>> -> memref<32x256xf32, #tpu.memory_space<vmem>>
    %dma_wait3A_129 = arith.constant 0 : i32
    %dma_wait3A_130 = tpu.memref_slice %arg5[%dma_wait3A_124, %dma_wait3A_125, %dma_wait3A_129] : memref<2x4x128xi32, #tpu.memory_space<vmem>> -> memref<1x1x32xi32, #tpu.memory_space<vmem>>
    %dma_wait3A_131 = tpu.memref_squeeze %dma_wait3A_130 : memref<1x1x32xi32, #tpu.memory_space<vmem>> -> memref<32xi32, #tpu.memory_space<vmem>>
    %dma_wait3A_132 = arith.constant 0 : i32
    %dma_wait3A_133 = arith.constant 0 : i32
    %dma_wait3A_134 = tpu.memref_slice %arg3[%dma_wait3A_132, %dma_wait3A_133] : memref<1024x256xf32, #tpu.memory_space<hbm>> -> memref<1024x256xf32, #tpu.memory_space<hbm>>
    tpu.wait_indirect_dma semaphore(%arg8 : memref<!tpu.dma_semaphore, #tpu.memory_space<semaphore_mem>>) src(%dma_wait3A_134 : memref<1024x256xf32, #tpu.memory_space<hbm>>) dst(%dma_wait3A_128 : memref<32x256xf32, #tpu.memory_space<vmem>>)
    %add3A_135 = arith.constant 0 : i32
    %add3A_136 = arith.addi %mul3A_2, %add3A_135 : i32
    %dma_start3A_137 = arith.constant 0 : i32
    %dma_start3A_138 = tpu.memref_slice %arg4[%add3A_136, %dma_start3A_137] : memref<8192x1024xf32, #tpu.memory_space<hbm>> -> memref<32x1024xf32, #tpu.memory_space<hbm>>
    %dma_start3A_139 = arith.constant 0 : i32
    %dma_start3A_140 = tpu.memref_slice %arg4[%add3A_136, %dma_start3A_139] : memref<8192x1024xf32, #tpu.memory_space<hbm>> -> memref<32x1024xf32, #tpu.memory_space<hbm>>
    tpu.enqueue_dma source(%arg6 : memref<32x1024xf32, #tpu.memory_space<vmem>>) target(%dma_start3A_140 : memref<32x1024xf32, #tpu.memory_space<hbm>>) target_semaphore(%arg10 : memref<!tpu.dma_semaphore, #tpu.memory_space<semaphore_mem>>)
    %dma_wait3A_141 = arith.constant 0 : i32
    %dma_wait3A_142 = tpu.memref_slice %arg4[%add3A_136, %dma_wait3A_141] : memref<8192x1024xf32, #tpu.memory_space<hbm>> -> memref<32x1024xf32, #tpu.memory_space<hbm>>
    %dma_wait3A_143 = arith.constant 0 : i32
    %dma_wait3A_144 = tpu.memref_slice %arg4[%add3A_136, %dma_wait3A_143] : memref<8192x1024xf32, #tpu.memory_space<hbm>> -> memref<32x1024xf32, #tpu.memory_space<hbm>>
    tpu.wait_dma2 semaphore(%arg10 : memref<!tpu.dma_semaphore, #tpu.memory_space<semaphore_mem>>) src(%arg6 : memref<32x1024xf32, #tpu.memory_space<vmem>>) dst(%dma_wait3A_144 : memref<32x1024xf32, #tpu.memory_space<hbm>>)
    %dma_start3A_145 = arith.constant 0 : i32
    %dma_start3A_146 = arith.constant 0 : i32
    %dma_start3A_147 = arith.constant 0 : i32
    %dma_start3A_148 = arith.constant 0 : i32
    %dma_start3A_149 = tpu.memref_slice %arg6[%dma_start3A_147, %dma_start3A_148] : memref<32x1024xf32, #tpu.memory_space<vmem>> -> memref<32x256xf32, #tpu.memory_space<vmem>>
    %dma_start3A_150 = arith.constant 64 : i32
    %dma_start3A_151 = tpu.memref_slice %arg5[%dma_start3A_145, %dma_start3A_146, %dma_start3A_150] : memref<2x4x128xi32, #tpu.memory_space<vmem>> -> memref<1x1x32xi32, #tpu.memory_space<vmem>>
    %dma_start3A_152 = tpu.memref_squeeze %dma_start3A_151 : memref<1x1x32xi32, #tpu.memory_space<vmem>> -> memref<32xi32, #tpu.memory_space<vmem>>
    %dma_start3A_153 = arith.constant 0 : i32
    %dma_start3A_154 = arith.constant 0 : i32
    %dma_start3A_155 = tpu.memref_slice %arg3[%dma_start3A_153, %dma_start3A_154] : memref<1024x256xf32, #tpu.memory_space<hbm>> -> memref<1024x256xf32, #tpu.memory_space<hbm>>
    tpu.enqueue_indirect_dma source(%dma_start3A_155 : memref<1024x256xf32, #tpu.memory_space<hbm>>) target(%dma_start3A_149 : memref<32x256xf32, #tpu.memory_space<vmem>>) offsets(%dma_start3A_152 : memref<32xi32, #tpu.memory_space<vmem>>) semaphore(%arg8 : memref<!tpu.dma_semaphore, #tpu.memory_space<semaphore_mem>>)
    %dma_start3A_156 = arith.constant 0 : i32
    %dma_start3A_157 = arith.constant 1 : i32
    %dma_start3A_158 = arith.constant 0 : i32
    %dma_start3A_159 = arith.constant 256 : i32
    %dma_start3A_160 = tpu.memref_slice %arg6[%dma_start3A_158, %dma_start3A_159] : memref<32x1024xf32, #tpu.memory_space<vmem>> -> memref<32x256xf32, #tpu.memory_space<vmem>>
    %dma_start3A_161 = arith.constant 64 : i32
    %dma_start3A_162 = tpu.memref_slice %arg5[%dma_start3A_156, %dma_start3A_157, %dma_start3A_161] : memref<2x4x128xi32, #tpu.memory_space<vmem>> -> memref<1x1x32xi32, #tpu.memory_space<vmem>>
    %dma_start3A_163 = tpu.memref_squeeze %dma_start3A_162 : memref<1x1x32xi32, #tpu.memory_space<vmem>> -> memref<32xi32, #tpu.memory_space<vmem>>
    %dma_start3A_164 = arith.constant 0 : i32
    %dma_start3A_165 = arith.constant 0 : i32
    %dma_start3A_166 = tpu.memref_slice %arg3[%dma_start3A_164, %dma_start3A_165] : memref<1024x256xf32, #tpu.memory_space<hbm>> -> memref<1024x256xf32, #tpu.memory_space<hbm>>
    tpu.enqueue_indirect_dma source(%dma_start3A_166 : memref<1024x256xf32, #tpu.memory_space<hbm>>) target(%dma_start3A_160 : memref<32x256xf32, #tpu.memory_space<vmem>>) offsets(%dma_start3A_163 : memref<32xi32, #tpu.memory_space<vmem>>) semaphore(%arg8 : memref<!tpu.dma_semaphore, #tpu.memory_space<semaphore_mem>>)
    %dma_start3A_167 = arith.constant 0 : i32
    %dma_start3A_168 = arith.constant 2 : i32
    %dma_start3A_169 = arith.constant 0 : i32
    %dma_start3A_170 = arith.constant 512 : i32
    %dma_start3A_171 = tpu.memref_slice %arg6[%dma_start3A_169, %dma_start3A_170] : memref<32x1024xf32, #tpu.memory_space<vmem>> -> memref<32x256xf32, #tpu.memory_space<vmem>>
    %dma_start3A_172 = arith.constant 64 : i32
    %dma_start3A_173 = tpu.memref_slice %arg5[%dma_start3A_167, %dma_start3A_168, %dma_start3A_172] : memref<2x4x128xi32, #tpu.memory_space<vmem>> -> memref<1x1x32xi32, #tpu.memory_space<vmem>>
    %dma_start3A_174 = tpu.memref_squeeze %dma_start3A_173 : memref<1x1x32xi32, #tpu.memory_space<vmem>> -> memref<32xi32, #tpu.memory_space<vmem>>
    %dma_start3A_175 = arith.constant 0 : i32
    %dma_start3A_176 = arith.constant 0 : i32
    %dma_start3A_177 = tpu.memref_slice %arg3[%dma_start3A_175, %dma_start3A_176] : memref<1024x256xf32, #tpu.memory_space<hbm>> -> memref<1024x256xf32, #tpu.memory_space<hbm>>
    tpu.enqueue_indirect_dma source(%dma_start3A_177 : memref<1024x256xf32, #tpu.memory_space<hbm>>) target(%dma_start3A_171 : memref<32x256xf32, #tpu.memory_space<vmem>>) offsets(%dma_start3A_174 : memref<32xi32, #tpu.memory_space<vmem>>) semaphore(%arg8 : memref<!tpu.dma_semaphore, #tpu.memory_space<semaphore_mem>>)
    %dma_start3A_178 = arith.constant 0 : i32
    %dma_start3A_179 = arith.constant 3 : i32
    %dma_start3A_180 = arith.constant 0 : i32
    %dma_start3A_181 = arith.constant 768 : i32
    %dma_start3A_182 = tpu.memref_slice %arg6[%dma_start3A_180, %dma_start3A_181] : memref<32x1024xf32, #tpu.memory_space<vmem>> -> memref<32x256xf32, #tpu.memory_space<vmem>>
    %dma_start3A_183 = arith.constant 64 : i32
    %dma_start3A_184 = tpu.memref_slice %arg5[%dma_start3A_178, %dma_start3A_179, %dma_start3A_183] : memref<2x4x128xi32, #tpu.memory_space<vmem>> -> memref<1x1x32xi32, #tpu.memory_space<vmem>>
    %dma_start3A_185 = tpu.memref_squeeze %dma_start3A_184 : memref<1x1x32xi32, #tpu.memory_space<vmem>> -> memref<32xi32, #tpu.memory_space<vmem>>
    %dma_start3A_186 = arith.constant 0 : i32
    %dma_start3A_187 = arith.constant 0 : i32
    %dma_start3A_188 = tpu.memref_slice %arg3[%dma_start3A_186, %dma_start3A_187] : memref<1024x256xf32, #tpu.memory_space<hbm>> -> memref<1024x256xf32, #tpu.memory_space<hbm>>
    tpu.enqueue_indirect_dma source(%dma_start3A_188 : memref<1024x256xf32, #tpu.memory_space<hbm>>) target(%dma_start3A_182 : memref<32x256xf32, #tpu.memory_space<vmem>>) offsets(%dma_start3A_185 : memref<32xi32, #tpu.memory_space<vmem>>) semaphore(%arg8 : memref<!tpu.dma_semaphore, #tpu.memory_space<semaphore_mem>>)
    %dma_wait3A_189 = arith.constant 0 : i32
    %dma_wait3A_190 = arith.constant 0 : i32
    %dma_wait3A_191 = arith.constant 0 : i32
    %dma_wait3A_192 = arith.constant 0 : i32
    %dma_wait3A_193 = tpu.memref_slice %arg7[%dma_wait3A_191, %dma_wait3A_192] : memref<32x1024xf32, #tpu.memory_space<vmem>> -> memref<32x256xf32, #tpu.memory_space<vmem>>
    %dma_wait3A_194 = arith.constant 32 : i32
    %dma_wait3A_195 = tpu.memref_slice %arg5[%dma_wait3A_189, %dma_wait3A_190, %dma_wait3A_194] : memref<2x4x128xi32, #tpu.memory_space<vmem>> -> memref<1x1x32xi32, #tpu.memory_space<vmem>>
    %dma_wait3A_196 = tpu.memref_squeeze %dma_wait3A_195 : memref<1x1x32xi32, #tpu.memory_space<vmem>> -> memref<32xi32, #tpu.memory_space<vmem>>
    %dma_wait3A_197 = arith.constant 0 : i32
    %dma_wait3A_198 = arith.constant 0 : i32
    %dma_wait3A_199 = tpu.memref_slice %arg3[%dma_wait3A_197, %dma_wait3A_198] : memref<1024x256xf32, #tpu.memory_space<hbm>> -> memref<1024x256xf32, #tpu.memory_space<hbm>>
    tpu.wait_indirect_dma semaphore(%arg9 : memref<!tpu.dma_semaphore, #tpu.memory_space<semaphore_mem>>) src(%dma_wait3A_199 : memref<1024x256xf32, #tpu.memory_space<hbm>>) dst(%dma_wait3A_193 : memref<32x256xf32, #tpu.memory_space<vmem>>)
    %dma_wait3A_200 = arith.constant 0 : i32
    %dma_wait3A_201 = arith.constant 1 : i32
    %dma_wait3A_202 = arith.constant 0 : i32
    %dma_wait3A_203 = arith.constant 256 : i32
    %dma_wait3A_204 = tpu.memref_slice %arg7[%dma_wait3A_202, %dma_wait3A_203] : memref<32x1024xf32, #tpu.memory_space<vmem>> -> memref<32x256xf32, #tpu.memory_space<vmem>>
    %dma_wait3A_205 = arith.constant 32 : i32
    %dma_wait3A_206 = tpu.memref_slice %arg5[%dma_wait3A_200, %dma_wait3A_201, %dma_wait3A_205] : memref<2x4x128xi32, #tpu.memory_space<vmem>> -> memref<1x1x32xi32, #tpu.memory_space<vmem>>
    %dma_wait3A_207 = tpu.memref_squeeze %dma_wait3A_206 : memref<1x1x32xi32, #tpu.memory_space<vmem>> -> memref<32xi32, #tpu.memory_space<vmem>>
    %dma_wait3A_208 = arith.constant 0 : i32
    %dma_wait3A_209 = arith.constant 0 : i32
    %dma_wait3A_210 = tpu.memref_slice %arg3[%dma_wait3A_208, %dma_wait3A_209] : memref<1024x256xf32, #tpu.memory_space<hbm>> -> memref<1024x256xf32, #tpu.memory_space<hbm>>
    tpu.wait_indirect_dma semaphore(%arg9 : memref<!tpu.dma_semaphore, #tpu.memory_space<semaphore_mem>>) src(%dma_wait3A_210 : memref<1024x256xf32, #tpu.memory_space<hbm>>) dst(%dma_wait3A_204 : memref<32x256xf32, #tpu.memory_space<vmem>>)
    %dma_wait3A_211 = arith.constant 0 : i32
    %dma_wait3A_212 = arith.constant 2 : i32
    %dma_wait3A_213 = arith.constant 0 : i32
    %dma_wait3A_214 = arith.constant 512 : i32
    %dma_wait3A_215 = tpu.memref_slice %arg7[%dma_wait3A_213, %dma_wait3A_214] : memref<32x1024xf32, #tpu.memory_space<vmem>> -> memref<32x256xf32, #tpu.memory_space<vmem>>
    %dma_wait3A_216 = arith.constant 32 : i32
    %dma_wait3A_217 = tpu.memref_slice %arg5[%dma_wait3A_211, %dma_wait3A_212, %dma_wait3A_216] : memref<2x4x128xi32, #tpu.memory_space<vmem>> -> memref<1x1x32xi32, #tpu.memory_space<vmem>>
    %dma_wait3A_218 = tpu.memref_squeeze %dma_wait3A_217 : memref<1x1x32xi32, #tpu.memory_space<vmem>> -> memref<32xi32, #tpu.memory_space<vmem>>
    %dma_wait3A_219 = arith.constant 0 : i32
    %dma_wait3A_220 = arith.constant 0 : i32
    %dma_wait3A_221 = tpu.memref_slice %arg3[%dma_wait3A_219, %dma_wait3A_220] : memref<1024x256xf32, #tpu.memory_space<hbm>> -> memref<1024x256xf32, #tpu.memory_space<hbm>>
    tpu.wait_indirect_dma semaphore(%arg9 : memref<!tpu.dma_semaphore, #tpu.memory_space<semaphore_mem>>) src(%dma_wait3A_221 : memref<1024x256xf32, #tpu.memory_space<hbm>>) dst(%dma_wait3A_215 : memref<32x256xf32, #tpu.memory_space<vmem>>)
    %dma_wait3A_222 = arith.constant 0 : i32
    %dma_wait3A_223 = arith.constant 3 : i32
    %dma_wait3A_224 = arith.constant 0 : i32
    %dma_wait3A_225 = arith.constant 768 : i32
    %dma_wait3A_226 = tpu.memref_slice %arg7[%dma_wait3A_224, %dma_wait3A_225] : memref<32x1024xf32, #tpu.memory_space<vmem>> -> memref<32x256xf32, #tpu.memory_space<vmem>>
    %dma_wait3A_227 = arith.constant 32 : i32
    %dma_wait3A_228 = tpu.memref_slice %arg5[%dma_wait3A_222, %dma_wait3A_223, %dma_wait3A_227] : memref<2x4x128xi32, #tpu.memory_space<vmem>> -> memref<1x1x32xi32, #tpu.memory_space<vmem>>
    %dma_wait3A_229 = tpu.memref_squeeze %dma_wait3A_228 : memref<1x1x32xi32, #tpu.memory_space<vmem>> -> memref<32xi32, #tpu.memory_space<vmem>>
    %dma_wait3A_230 = arith.constant 0 : i32
    %dma_wait3A_231 = arith.constant 0 : i32
    %dma_wait3A_232 = tpu.memref_slice %arg3[%dma_wait3A_230, %dma_wait3A_231] : memref<1024x256xf32, #tpu.memory_space<hbm>> -> memref<1024x256xf32, #tpu.memory_space<hbm>>
    tpu.wait_indirect_dma semaphore(%arg9 : memref<!tpu.dma_semaphore, #tpu.memory_space<semaphore_mem>>) src(%dma_wait3A_232 : memref<1024x256xf32, #tpu.memory_space<hbm>>) dst(%dma_wait3A_226 : memref<32x256xf32, #tpu.memory_space<vmem>>)
    %add3A_233 = arith.constant 32 : i32
    %add3A_234 = arith.addi %mul3A_2, %add3A_233 : i32
    %dma_start3A_235 = arith.constant 0 : i32
    %dma_start3A_236 = tpu.memref_slice %arg4[%add3A_234, %dma_start3A_235] : memref<8192x1024xf32, #tpu.memory_space<hbm>> -> memref<32x1024xf32, #tpu.memory_space<hbm>>
    %dma_start3A_237 = arith.constant 0 : i32
    %dma_start3A_238 = tpu.memref_slice %arg4[%add3A_234, %dma_start3A_237] : memref<8192x1024xf32, #tpu.memory_space<hbm>> -> memref<32x1024xf32, #tpu.memory_space<hbm>>
    tpu.enqueue_dma source(%arg7 : memref<32x1024xf32, #tpu.memory_space<vmem>>) target(%dma_start3A_238 : memref<32x1024xf32, #tpu.memory_space<hbm>>) target_semaphore(%arg11 : memref<!tpu.dma_semaphore, #tpu.memory_space<semaphore_mem>>)
    %dma_wait3A_239 = arith.constant 0 : i32
    %dma_wait3A_240 = tpu.memref_slice %arg4[%add3A_234, %dma_wait3A_239] : memref<8192x1024xf32, #tpu.memory_space<hbm>> -> memref<32x1024xf32, #tpu.memory_space<hbm>>
    %dma_wait3A_241 = arith.constant 0 : i32
    %dma_wait3A_242 = tpu.memref_slice %arg4[%add3A_234, %dma_wait3A_241] : memref<8192x1024xf32, #tpu.memory_space<hbm>> -> memref<32x1024xf32, #tpu.memory_space<hbm>>
    tpu.wait_dma2 semaphore(%arg11 : memref<!tpu.dma_semaphore, #tpu.memory_space<semaphore_mem>>) src(%arg7 : memref<32x1024xf32, #tpu.memory_space<vmem>>) dst(%dma_wait3A_242 : memref<32x1024xf32, #tpu.memory_space<hbm>>)
    %dma_start3A_243 = arith.constant 0 : i32
    %dma_start3A_244 = arith.constant 0 : i32
    %dma_start3A_245 = arith.constant 0 : i32
    %dma_start3A_246 = arith.constant 0 : i32
    %dma_start3A_247 = tpu.memref_slice %arg7[%dma_start3A_245, %dma_start3A_246] : memref<32x1024xf32, #tpu.memory_space<vmem>> -> memref<32x256xf32, #tpu.memory_space<vmem>>
    %dma_start3A_248 = arith.constant 96 : i32
    %dma_start3A_249 = tpu.memref_slice %arg5[%dma_start3A_243, %dma_start3A_244, %dma_start3A_248] : memref<2x4x128xi32, #tpu.memory_space<vmem>> -> memref<1x1x32xi32, #tpu.memory_space<vmem>>
    %dma_start3A_250 = tpu.memref_squeeze %dma_start3A_249 : memref<1x1x32xi32, #tpu.memory_space<vmem>> -> memref<32xi32, #tpu.memory_space<vmem>>
    %dma_start3A_251 = arith.constant 0 : i32
    %dma_start3A_252 = arith.constant 0 : i32
    %dma_start3A_253 = tpu.memref_slice %arg3[%dma_start3A_251, %dma_start3A_252] : memref<1024x256xf32, #tpu.memory_space<hbm>> -> memref<1024x256xf32, #tpu.memory_space<hbm>>
    tpu.enqueue_indirect_dma source(%dma_start3A_253 : memref<1024x256xf32, #tpu.memory_space<hbm>>) target(%dma_start3A_247 : memref<32x256xf32, #tpu.memory_space<vmem>>) offsets(%dma_start3A_250 : memref<32xi32, #tpu.memory_space<vmem>>) semaphore(%arg9 : memref<!tpu.dma_semaphore, #tpu.memory_space<semaphore_mem>>)
    %dma_start3A_254 = arith.constant 0 : i32
    %dma_start3A_255 = arith.constant 1 : i32
    %dma_start3A_256 = arith.constant 0 : i32
    %dma_start3A_257 = arith.constant 256 : i32
    %dma_start3A_258 = tpu.memref_slice %arg7[%dma_start3A_256, %dma_start3A_257] : memref<32x1024xf32, #tpu.memory_space<vmem>> -> memref<32x256xf32, #tpu.memory_space<vmem>>
    %dma_start3A_259 = arith.constant 96 : i32
    %dma_start3A_260 = tpu.memref_slice %arg5[%dma_start3A_254, %dma_start3A_255, %dma_start3A_259] : memref<2x4x128xi32, #tpu.memory_space<vmem>> -> memref<1x1x32xi32, #tpu.memory_space<vmem>>
    %dma_start3A_261 = tpu.memref_squeeze %dma_start3A_260 : memref<1x1x32xi32, #tpu.memory_space<vmem>> -> memref<32xi32, #tpu.memory_space<vmem>>
    %dma_start3A_262 = arith.constant 0 : i32
    %dma_start3A_263 = arith.constant 0 : i32
    %dma_start3A_264 = tpu.memref_slice %arg3[%dma_start3A_262, %dma_start3A_263] : memref<1024x256xf32, #tpu.memory_space<hbm>> -> memref<1024x256xf32, #tpu.memory_space<hbm>>
    tpu.enqueue_indirect_dma source(%dma_start3A_264 : memref<1024x256xf32, #tpu.memory_space<hbm>>) target(%dma_start3A_258 : memref<32x256xf32, #tpu.memory_space<vmem>>) offsets(%dma_start3A_261 : memref<32xi32, #tpu.memory_space<vmem>>) semaphore(%arg9 : memref<!tpu.dma_semaphore, #tpu.memory_space<semaphore_mem>>)
    %dma_start3A_265 = arith.constant 0 : i32
    %dma_start3A_266 = arith.constant 2 : i32
    %dma_start3A_267 = arith.constant 0 : i32
    %dma_start3A_268 = arith.constant 512 : i32
    %dma_start3A_269 = tpu.memref_slice %arg7[%dma_start3A_267, %dma_start3A_268] : memref<32x1024xf32, #tpu.memory_space<vmem>> -> memref<32x256xf32, #tpu.memory_space<vmem>>
    %dma_start3A_270 = arith.constant 96 : i32
    %dma_start3A_271 = tpu.memref_slice %arg5[%dma_start3A_265, %dma_start3A_266, %dma_start3A_270] : memref<2x4x128xi32, #tpu.memory_space<vmem>> -> memref<1x1x32xi32, #tpu.memory_space<vmem>>
    %dma_start3A_272 = tpu.memref_squeeze %dma_start3A_271 : memref<1x1x32xi32, #tpu.memory_space<vmem>> -> memref<32xi32, #tpu.memory_space<vmem>>
    %dma_start3A_273 = arith.constant 0 : i32
    %dma_start3A_274 = arith.constant 0 : i32
    %dma_start3A_275 = tpu.memref_slice %arg3[%dma_start3A_273, %dma_start3A_274] : memref<1024x256xf32, #tpu.memory_space<hbm>> -> memref<1024x256xf32, #tpu.memory_space<hbm>>
    tpu.enqueue_indirect_dma source(%dma_start3A_275 : memref<1024x256xf32, #tpu.memory_space<hbm>>) target(%dma_start3A_269 : memref<32x256xf32, #tpu.memory_space<vmem>>) offsets(%dma_start3A_272 : memref<32xi32, #tpu.memory_space<vmem>>) semaphore(%arg9 : memref<!tpu.dma_semaphore, #tpu.memory_space<semaphore_mem>>)
    %dma_start3A_276 = arith.constant 0 : i32
    %dma_start3A_277 = arith.constant 3 : i32
    %dma_start3A_278 = arith.constant 0 : i32
    %dma_start3A_279 = arith.constant 768 : i32
    %dma_start3A_280 = tpu.memref_slice %arg7[%dma_start3A_278, %dma_start3A_279] : memref<32x1024xf32, #tpu.memory_space<vmem>> -> memref<32x256xf32, #tpu.memory_space<vmem>>
    %dma_start3A_281 = arith.constant 96 : i32
    %dma_start3A_282 = tpu.memref_slice %arg5[%dma_start3A_276, %dma_start3A_277, %dma_start3A_281] : memref<2x4x128xi32, #tpu.memory_space<vmem>> -> memref<1x1x32xi32, #tpu.memory_space<vmem>>
    %dma_start3A_283 = tpu.memref_squeeze %dma_start3A_282 : memref<1x1x32xi32, #tpu.memory_space<vmem>> -> memref<32xi32, #tpu.memory_space<vmem>>
    %dma_start3A_284 = arith.constant 0 : i32
    %dma_start3A_285 = arith.constant 0 : i32
    %dma_start3A_286 = tpu.memref_slice %arg3[%dma_start3A_284, %dma_start3A_285] : memref<1024x256xf32, #tpu.memory_space<hbm>> -> memref<1024x256xf32, #tpu.memory_space<hbm>>
    tpu.enqueue_indirect_dma source(%dma_start3A_286 : memref<1024x256xf32, #tpu.memory_space<hbm>>) target(%dma_start3A_280 : memref<32x256xf32, #tpu.memory_space<vmem>>) offsets(%dma_start3A_283 : memref<32xi32, #tpu.memory_space<vmem>>) semaphore(%arg9 : memref<!tpu.dma_semaphore, #tpu.memory_space<semaphore_mem>>)
    %dma_wait3A_287 = arith.constant 0 : i32
    %dma_wait3A_288 = arith.constant 0 : i32
    %dma_wait3A_289 = arith.constant 0 : i32
    %dma_wait3A_290 = arith.constant 0 : i32
    %dma_wait3A_291 = tpu.memref_slice %arg6[%dma_wait3A_289, %dma_wait3A_290] : memref<32x1024xf32, #tpu.memory_space<vmem>> -> memref<32x256xf32, #tpu.memory_space<vmem>>
    %dma_wait3A_292 = arith.constant 64 : i32
    %dma_wait3A_293 = tpu.memref_slice %arg5[%dma_wait3A_287, %dma_wait3A_288, %dma_wait3A_292] : memref<2x4x128xi32, #tpu.memory_space<vmem>> -> memref<1x1x32xi32, #tpu.memory_space<vmem>>
    %dma_wait3A_294 = tpu.memref_squeeze %dma_wait3A_293 : memref<1x1x32xi32, #tpu.memory_space<vmem>> -> memref<32xi32, #tpu.memory_space<vmem>>
    %dma_wait3A_295 = arith.constant 0 : i32
    %dma_wait3A_296 = arith.constant 0 : i32
    %dma_wait3A_297 = tpu.memref_slice %arg3[%dma_wait3A_295, %dma_wait3A_296] : memref<1024x256xf32, #tpu.memory_space<hbm>> -> memref<1024x256xf32, #tpu.memory_space<hbm>>
    tpu.wait_indirect_dma semaphore(%arg8 : memref<!tpu.dma_semaphore, #tpu.memory_space<semaphore_mem>>) src(%dma_wait3A_297 : memref<1024x256xf32, #tpu.memory_space<hbm>>) dst(%dma_wait3A_291 : memref<32x256xf32, #tpu.memory_space<vmem>>)
    %dma_wait3A_298 = arith.constant 0 : i32
    %dma_wait3A_299 = arith.constant 1 : i32
    %dma_wait3A_300 = arith.constant 0 : i32
    %dma_wait3A_301 = arith.constant 256 : i32
    %dma_wait3A_302 = tpu.memref_slice %arg6[%dma_wait3A_300, %dma_wait3A_301] : memref<32x1024xf32, #tpu.memory_space<vmem>> -> memref<32x256xf32, #tpu.memory_space<vmem>>
    %dma_wait3A_303 = arith.constant 64 : i32
    %dma_wait3A_304 = tpu.memref_slice %arg5[%dma_wait3A_298, %dma_wait3A_299, %dma_wait3A_303] : memref<2x4x128xi32, #tpu.memory_space<vmem>> -> memref<1x1x32xi32, #tpu.memory_space<vmem>>
    %dma_wait3A_305 = tpu.memref_squeeze %dma_wait3A_304 : memref<1x1x32xi32, #tpu.memory_space<vmem>> -> memref<32xi32, #tpu.memory_space<vmem>>
    %dma_wait3A_306 = arith.constant 0 : i32
    %dma_wait3A_307 = arith.constant 0 : i32
    %dma_wait3A_308 = tpu.memref_slice %arg3[%dma_wait3A_306, %dma_wait3A_307] : memref<1024x256xf32, #tpu.memory_space<hbm>> -> memref<1024x256xf32, #tpu.memory_space<hbm>>
    tpu.wait_indirect_dma semaphore(%arg8 : memref<!tpu.dma_semaphore, #tpu.memory_space<semaphore_mem>>) src(%dma_wait3A_308 : memref<1024x256xf32, #tpu.memory_space<hbm>>) dst(%dma_wait3A_302 : memref<32x256xf32, #tpu.memory_space<vmem>>)
    %dma_wait3A_309 = arith.constant 0 : i32
    %dma_wait3A_310 = arith.constant 2 : i32
    %dma_wait3A_311 = arith.constant 0 : i32
    %dma_wait3A_312 = arith.constant 512 : i32
    %dma_wait3A_313 = tpu.memref_slice %arg6[%dma_wait3A_311, %dma_wait3A_312] : memref<32x1024xf32, #tpu.memory_space<vmem>> -> memref<32x256xf32, #tpu.memory_space<vmem>>
    %dma_wait3A_314 = arith.constant 64 : i32
    %dma_wait3A_315 = tpu.memref_slice %arg5[%dma_wait3A_309, %dma_wait3A_310, %dma_wait3A_314] : memref<2x4x128xi32, #tpu.memory_space<vmem>> -> memref<1x1x32xi32, #tpu.memory_space<vmem>>
    %dma_wait3A_316 = tpu.memref_squeeze %dma_wait3A_315 : memref<1x1x32xi32, #tpu.memory_space<vmem>> -> memref<32xi32, #tpu.memory_space<vmem>>
    %dma_wait3A_317 = arith.constant 0 : i32
    %dma_wait3A_318 = arith.constant 0 : i32
    %dma_wait3A_319 = tpu.memref_slice %arg3[%dma_wait3A_317, %dma_wait3A_318] : memref<1024x256xf32, #tpu.memory_space<hbm>> -> memref<1024x256xf32, #tpu.memory_space<hbm>>
    tpu.wait_indirect_dma semaphore(%arg8 : memref<!tpu.dma_semaphore, #tpu.memory_space<semaphore_mem>>) src(%dma_wait3A_319 : memref<1024x256xf32, #tpu.memory_space<hbm>>) dst(%dma_wait3A_313 : memref<32x256xf32, #tpu.memory_space<vmem>>)
    %dma_wait3A_320 = arith.constant 0 : i32
    %dma_wait3A_321 = arith.constant 3 : i32
    %dma_wait3A_322 = arith.constant 0 : i32
    %dma_wait3A_323 = arith.constant 768 : i32
    %dma_wait3A_324 = tpu.memref_slice %arg6[%dma_wait3A_322, %dma_wait3A_323] : memref<32x1024xf32, #tpu.memory_space<vmem>> -> memref<32x256xf32, #tpu.memory_space<vmem>>
    %dma_wait3A_325 = arith.constant 64 : i32
    %dma_wait3A_326 = tpu.memref_slice %arg5[%dma_wait3A_320, %dma_wait3A_321, %dma_wait3A_325] : memref<2x4x128xi32, #tpu.memory_space<vmem>> -> memref<1x1x32xi32, #tpu.memory_space<vmem>>
    %dma_wait3A_327 = tpu.memref_squeeze %dma_wait3A_326 : memref<1x1x32xi32, #tpu.memory_space<vmem>> -> memref<32xi32, #tpu.memory_space<vmem>>
    %dma_wait3A_328 = arith.constant 0 : i32
    %dma_wait3A_329 = arith.constant 0 : i32
    %dma_wait3A_330 = tpu.memref_slice %arg3[%dma_wait3A_328, %dma_wait3A_329] : memref<1024x256xf32, #tpu.memory_space<hbm>> -> memref<1024x256xf32, #tpu.memory_space<hbm>>
    tpu.wait_indirect_dma semaphore(%arg8 : memref<!tpu.dma_semaphore, #tpu.memory_space<semaphore_mem>>) src(%dma_wait3A_330 : memref<1024x256xf32, #tpu.memory_space<hbm>>) dst(%dma_wait3A_324 : memref<32x256xf32, #tpu.memory_space<vmem>>)
    %add3A_331 = arith.constant 64 : i32
    %add3A_332 = arith.addi %mul3A_2, %add3A_331 : i32
    %dma_start3A_333 = arith.constant 0 : i32
    %dma_start3A_334 = tpu.memref_slice %arg4[%add3A_332, %dma_start3A_333] : memref<8192x1024xf32, #tpu.memory_space<hbm>> -> memref<32x1024xf32, #tpu.memory_space<hbm>>
    %dma_start3A_335 = arith.constant 0 : i32
    %dma_start3A_336 = tpu.memref_slice %arg4[%add3A_332, %dma_start3A_335] : memref<8192x1024xf32, #tpu.memory_space<hbm>> -> memref<32x1024xf32, #tpu.memory_space<hbm>>
    tpu.enqueue_dma source(%arg6 : memref<32x1024xf32, #tpu.memory_space<vmem>>) target(%dma_start3A_336 : memref<32x1024xf32, #tpu.memory_space<hbm>>) target_semaphore(%arg10 : memref<!tpu.dma_semaphore, #tpu.memory_space<semaphore_mem>>)
    %dma_wait3A_337 = arith.constant 0 : i32
    %dma_wait3A_338 = tpu.memref_slice %arg4[%add3A_332, %dma_wait3A_337] : memref<8192x1024xf32, #tpu.memory_space<hbm>> -> memref<32x1024xf32, #tpu.memory_space<hbm>>
    %dma_wait3A_339 = arith.constant 0 : i32
    %dma_wait3A_340 = tpu.memref_slice %arg4[%add3A_332, %dma_wait3A_339] : memref<8192x1024xf32, #tpu.memory_space<hbm>> -> memref<32x1024xf32, #tpu.memory_space<hbm>>
    tpu.wait_dma2 semaphore(%arg10 : memref<!tpu.dma_semaphore, #tpu.memory_space<semaphore_mem>>) src(%arg6 : memref<32x1024xf32, #tpu.memory_space<vmem>>) dst(%dma_wait3A_340 : memref<32x1024xf32, #tpu.memory_space<hbm>>)
    %dma_start3A_341 = arith.constant 1 : i32
    %dma_start3A_342 = arith.constant 0 : i32
    %dma_start3A_343 = arith.constant 0 : i32
    %dma_start3A_344 = arith.constant 0 : i32
    %dma_start3A_345 = tpu.memref_slice %arg6[%dma_start3A_343, %dma_start3A_344] : memref<32x1024xf32, #tpu.memory_space<vmem>> -> memref<32x256xf32, #tpu.memory_space<vmem>>
    %dma_start3A_346 = arith.constant 0 : i32
    %dma_start3A_347 = tpu.memref_slice %arg5[%dma_start3A_341, %dma_start3A_342, %dma_start3A_346] : memref<2x4x128xi32, #tpu.memory_space<vmem>> -> memref<1x1x32xi32, #tpu.memory_space<vmem>>
    %dma_start3A_348 = tpu.memref_squeeze %dma_start3A_347 : memref<1x1x32xi32, #tpu.memory_space<vmem>> -> memref<32xi32, #tpu.memory_space<vmem>>
    %dma_start3A_349 = arith.constant 0 : i32
    %dma_start3A_350 = arith.constant 0 : i32
    %dma_start3A_351 = tpu.memref_slice %arg3[%dma_start3A_349, %dma_start3A_350] : memref<1024x256xf32, #tpu.memory_space<hbm>> -> memref<1024x256xf32, #tpu.memory_space<hbm>>
    tpu.enqueue_indirect_dma source(%dma_start3A_351 : memref<1024x256xf32, #tpu.memory_space<hbm>>) target(%dma_start3A_345 : memref<32x256xf32, #tpu.memory_space<vmem>>) offsets(%dma_start3A_348 : memref<32xi32, #tpu.memory_space<vmem>>) semaphore(%arg8 : memref<!tpu.dma_semaphore, #tpu.memory_space<semaphore_mem>>)
    %dma_start3A_352 = arith.constant 1 : i32
    %dma_start3A_353 = arith.constant 1 : i32
    %dma_start3A_354 = arith.constant 0 : i32
    %dma_start3A_355 = arith.constant 256 : i32
    %dma_start3A_356 = tpu.memref_slice %arg6[%dma_start3A_354, %dma_start3A_355] : memref<32x1024xf32, #tpu.memory_space<vmem>> -> memref<32x256xf32, #tpu.memory_space<vmem>>
    %dma_start3A_357 = arith.constant 0 : i32
    %dma_start3A_358 = tpu.memref_slice %arg5[%dma_start3A_352, %dma_start3A_353, %dma_start3A_357] : memref<2x4x128xi32, #tpu.memory_space<vmem>> -> memref<1x1x32xi32, #tpu.memory_space<vmem>>
    %dma_start3A_359 = tpu.memref_squeeze %dma_start3A_358 : memref<1x1x32xi32, #tpu.memory_space<vmem>> -> memref<32xi32, #tpu.memory_space<vmem>>
    %dma_start3A_360 = arith.constant 0 : i32
    %dma_start3A_361 = arith.constant 0 : i32
    %dma_start3A_362 = tpu.memref_slice %arg3[%dma_start3A_360, %dma_start3A_361] : memref<1024x256xf32, #tpu.memory_space<hbm>> -> memref<1024x256xf32, #tpu.memory_space<hbm>>
    tpu.enqueue_indirect_dma source(%dma_start3A_362 : memref<1024x256xf32, #tpu.memory_space<hbm>>) target(%dma_start3A_356 : memref<32x256xf32, #tpu.memory_space<vmem>>) offsets(%dma_start3A_359 : memref<32xi32, #tpu.memory_space<vmem>>) semaphore(%arg8 : memref<!tpu.dma_semaphore, #tpu.memory_space<semaphore_mem>>)
    %dma_start3A_363 = arith.constant 1 : i32
    %dma_start3A_364 = arith.constant 2 : i32
    %dma_start3A_365 = arith.constant 0 : i32
    %dma_start3A_366 = arith.constant 512 : i32
    %dma_start3A_367 = tpu.memref_slice %arg6[%dma_start3A_365, %dma_start3A_366] : memref<32x1024xf32, #tpu.memory_space<vmem>> -> memref<32x256xf32, #tpu.memory_space<vmem>>
    %dma_start3A_368 = arith.constant 0 : i32
    %dma_start3A_369 = tpu.memref_slice %arg5[%dma_start3A_363, %dma_start3A_364, %dma_start3A_368] : memref<2x4x128xi32, #tpu.memory_space<vmem>> -> memref<1x1x32xi32, #tpu.memory_space<vmem>>
    %dma_start3A_370 = tpu.memref_squeeze %dma_start3A_369 : memref<1x1x32xi32, #tpu.memory_space<vmem>> -> memref<32xi32, #tpu.memory_space<vmem>>
    %dma_start3A_371 = arith.constant 0 : i32
    %dma_start3A_372 = arith.constant 0 : i32
    %dma_start3A_373 = tpu.memref_slice %arg3[%dma_start3A_371, %dma_start3A_372] : memref<1024x256xf32, #tpu.memory_space<hbm>> -> memref<1024x256xf32, #tpu.memory_space<hbm>>
    tpu.enqueue_indirect_dma source(%dma_start3A_373 : memref<1024x256xf32, #tpu.memory_space<hbm>>) target(%dma_start3A_367 : memref<32x256xf32, #tpu.memory_space<vmem>>) offsets(%dma_start3A_370 : memref<32xi32, #tpu.memory_space<vmem>>) semaphore(%arg8 : memref<!tpu.dma_semaphore, #tpu.memory_space<semaphore_mem>>)
    %dma_start3A_374 = arith.constant 1 : i32
    %dma_start3A_375 = arith.constant 3 : i32
    %dma_start3A_376 = arith.constant 0 : i32
    %dma_start3A_377 = arith.constant 768 : i32
    %dma_start3A_378 = tpu.memref_slice %arg6[%dma_start3A_376, %dma_start3A_377] : memref<32x1024xf32, #tpu.memory_space<vmem>> -> memref<32x256xf32, #tpu.memory_space<vmem>>
    %dma_start3A_379 = arith.constant 0 : i32
    %dma_start3A_380 = tpu.memref_slice %arg5[%dma_start3A_374, %dma_start3A_375, %dma_start3A_379] : memref<2x4x128xi32, #tpu.memory_space<vmem>> -> memref<1x1x32xi32, #tpu.memory_space<vmem>>
    %dma_start3A_381 = tpu.memref_squeeze %dma_start3A_380 : memref<1x1x32xi32, #tpu.memory_space<vmem>> -> memref<32xi32, #tpu.memory_space<vmem>>
    %dma_start3A_382 = arith.constant 0 : i32
    %dma_start3A_383 = arith.constant 0 : i32
    %dma_start3A_384 = tpu.memref_slice %arg3[%dma_start3A_382, %dma_start3A_383] : memref<1024x256xf32, #tpu.memory_space<hbm>> -> memref<1024x256xf32, #tpu.memory_space<hbm>>
    tpu.enqueue_indirect_dma source(%dma_start3A_384 : memref<1024x256xf32, #tpu.memory_space<hbm>>) target(%dma_start3A_378 : memref<32x256xf32, #tpu.memory_space<vmem>>) offsets(%dma_start3A_381 : memref<32xi32, #tpu.memory_space<vmem>>) semaphore(%arg8 : memref<!tpu.dma_semaphore, #tpu.memory_space<semaphore_mem>>)
    %dma_wait3A_385 = arith.constant 0 : i32
    %dma_wait3A_386 = arith.constant 0 : i32
    %dma_wait3A_387 = arith.constant 0 : i32
    %dma_wait3A_388 = arith.constant 0 : i32
    %dma_wait3A_389 = tpu.memref_slice %arg7[%dma_wait3A_387, %dma_wait3A_388] : memref<32x1024xf32, #tpu.memory_space<vmem>> -> memref<32x256xf32, #tpu.memory_space<vmem>>
    %dma_wait3A_390 = arith.constant 96 : i32
    %dma_wait3A_391 = tpu.memref_slice %arg5[%dma_wait3A_385, %dma_wait3A_386, %dma_wait3A_390] : memref<2x4x128xi32, #tpu.memory_space<vmem>> -> memref<1x1x32xi32, #tpu.memory_space<vmem>>
    %dma_wait3A_392 = tpu.memref_squeeze %dma_wait3A_391 : memref<1x1x32xi32, #tpu.memory_space<vmem>> -> memref<32xi32, #tpu.memory_space<vmem>>
    %dma_wait3A_393 = arith.constant 0 : i32
    %dma_wait3A_394 = arith.constant 0 : i32
    %dma_wait3A_395 = tpu.memref_slice %arg3[%dma_wait3A_393, %dma_wait3A_394] : memref<1024x256xf32, #tpu.memory_space<hbm>> -> memref<1024x256xf32, #tpu.memory_space<hbm>>
    tpu.wait_indirect_dma semaphore(%arg9 : memref<!tpu.dma_semaphore, #tpu.memory_space<semaphore_mem>>) src(%dma_wait3A_395 : memref<1024x256xf32, #tpu.memory_space<hbm>>) dst(%dma_wait3A_389 : memref<32x256xf32, #tpu.memory_space<vmem>>)
    %dma_wait3A_396 = arith.constant 0 : i32
    %dma_wait3A_397 = arith.constant 1 : i32
    %dma_wait3A_398 = arith.constant 0 : i32
    %dma_wait3A_399 = arith.constant 256 : i32
    %dma_wait3A_400 = tpu.memref_slice %arg7[%dma_wait3A_398, %dma_wait3A_399] : memref<32x1024xf32, #tpu.memory_space<vmem>> -> memref<32x256xf32, #tpu.memory_space<vmem>>
    %dma_wait3A_401 = arith.constant 96 : i32
    %dma_wait3A_402 = tpu.memref_slice %arg5[%dma_wait3A_396, %dma_wait3A_397, %dma_wait3A_401] : memref<2x4x128xi32, #tpu.memory_space<vmem>> -> memref<1x1x32xi32, #tpu.memory_space<vmem>>
    %dma_wait3A_403 = tpu.memref_squeeze %dma_wait3A_402 : memref<1x1x32xi32, #tpu.memory_space<vmem>> -> memref<32xi32, #tpu.memory_space<vmem>>
    %dma_wait3A_404 = arith.constant 0 : i32
    %dma_wait3A_405 = arith.constant 0 : i32
    %dma_wait3A_406 = tpu.memref_slice %arg3[%dma_wait3A_404, %dma_wait3A_405] : memref<1024x256xf32, #tpu.memory_space<hbm>> -> memref<1024x256xf32, #tpu.memory_space<hbm>>
    tpu.wait_indirect_dma semaphore(%arg9 : memref<!tpu.dma_semaphore, #tpu.memory_space<semaphore_mem>>) src(%dma_wait3A_406 : memref<1024x256xf32, #tpu.memory_space<hbm>>) dst(%dma_wait3A_400 : memref<32x256xf32, #tpu.memory_space<vmem>>)
    %dma_wait3A_407 = arith.constant 0 : i32
    %dma_wait3A_408 = arith.constant 2 : i32
    %dma_wait3A_409 = arith.constant 0 : i32
    %dma_wait3A_410 = arith.constant 512 : i32
    %dma_wait3A_411 = tpu.memref_slice %arg7[%dma_wait3A_409, %dma_wait3A_410] : memref<32x1024xf32, #tpu.memory_space<vmem>> -> memref<32x256xf32, #tpu.memory_space<vmem>>
    %dma_wait3A_412 = arith.constant 96 : i32
    %dma_wait3A_413 = tpu.memref_slice %arg5[%dma_wait3A_407, %dma_wait3A_408, %dma_wait3A_412] : memref<2x4x128xi32, #tpu.memory_space<vmem>> -> memref<1x1x32xi32, #tpu.memory_space<vmem>>
    %dma_wait3A_414 = tpu.memref_squeeze %dma_wait3A_413 : memref<1x1x32xi32, #tpu.memory_space<vmem>> -> memref<32xi32, #tpu.memory_space<vmem>>
    %dma_wait3A_415 = arith.constant 0 : i32
    %dma_wait3A_416 = arith.constant 0 : i32
    %dma_wait3A_417 = tpu.memref_slice %arg3[%dma_wait3A_415, %dma_wait3A_416] : memref<1024x256xf32, #tpu.memory_space<hbm>> -> memref<1024x256xf32, #tpu.memory_space<hbm>>
    tpu.wait_indirect_dma semaphore(%arg9 : memref<!tpu.dma_semaphore, #tpu.memory_space<semaphore_mem>>) src(%dma_wait3A_417 : memref<1024x256xf32, #tpu.memory_space<hbm>>) dst(%dma_wait3A_411 : memref<32x256xf32, #tpu.memory_space<vmem>>)
    %dma_wait3A_418 = arith.constant 0 : i32
    %dma_wait3A_419 = arith.constant 3 : i32
    %dma_wait3A_420 = arith.constant 0 : i32
    %dma_wait3A_421 = arith.constant 768 : i32
    %dma_wait3A_422 = tpu.memref_slice %arg7[%dma_wait3A_420, %dma_wait3A_421] : memref<32x1024xf32, #tpu.memory_space<vmem>> -> memref<32x256xf32, #tpu.memory_space<vmem>>
    %dma_wait3A_423 = arith.constant 96 : i32
    %dma_wait3A_424 = tpu.memref_slice %arg5[%dma_wait3A_418, %dma_wait3A_419, %dma_wait3A_423] : memref<2x4x128xi32, #tpu.memory_space<vmem>> -> memref<1x1x32xi32, #tpu.memory_space<vmem>>
    %dma_wait3A_425 = tpu.memref_squeeze %dma_wait3A_424 : memref<1x1x32xi32, #tpu.memory_space<vmem>> -> memref<32xi32, #tpu.memory_space<vmem>>
    %dma_wait3A_426 = arith.constant 0 : i32
    %dma_wait3A_427 = arith.constant 0 : i32
    %dma_wait3A_428 = tpu.memref_slice %arg3[%dma_wait3A_426, %dma_wait3A_427] : memref<1024x256xf32, #tpu.memory_space<hbm>> -> memref<1024x256xf32, #tpu.memory_space<hbm>>
    tpu.wait_indirect_dma semaphore(%arg9 : memref<!tpu.dma_semaphore, #tpu.memory_space<semaphore_mem>>) src(%dma_wait3A_428 : memref<1024x256xf32, #tpu.memory_space<hbm>>) dst(%dma_wait3A_422 : memref<32x256xf32, #tpu.memory_space<vmem>>)
    %add3A_429 = arith.constant 96 : i32
    %add3A_430 = arith.addi %mul3A_2, %add3A_429 : i32
    %dma_start3A_431 = arith.constant 0 : i32
    %dma_start3A_432 = tpu.memref_slice %arg4[%add3A_430, %dma_start3A_431] : memref<8192x1024xf32, #tpu.memory_space<hbm>> -> memref<32x1024xf32, #tpu.memory_space<hbm>>
    %dma_start3A_433 = arith.constant 0 : i32
    %dma_start3A_434 = tpu.memref_slice %arg4[%add3A_430, %dma_start3A_433] : memref<8192x1024xf32, #tpu.memory_space<hbm>> -> memref<32x1024xf32, #tpu.memory_space<hbm>>
    tpu.enqueue_dma source(%arg7 : memref<32x1024xf32, #tpu.memory_space<vmem>>) target(%dma_start3A_434 : memref<32x1024xf32, #tpu.memory_space<hbm>>) target_semaphore(%arg11 : memref<!tpu.dma_semaphore, #tpu.memory_space<semaphore_mem>>)
    %dma_wait3A_435 = arith.constant 0 : i32
    %dma_wait3A_436 = tpu.memref_slice %arg4[%add3A_430, %dma_wait3A_435] : memref<8192x1024xf32, #tpu.memory_space<hbm>> -> memref<32x1024xf32, #tpu.memory_space<hbm>>
    %dma_wait3A_437 = arith.constant 0 : i32
    %dma_wait3A_438 = tpu.memref_slice %arg4[%add3A_430, %dma_wait3A_437] : memref<8192x1024xf32, #tpu.memory_space<hbm>> -> memref<32x1024xf32, #tpu.memory_space<hbm>>
    tpu.wait_dma2 semaphore(%arg11 : memref<!tpu.dma_semaphore, #tpu.memory_space<semaphore_mem>>) src(%arg7 : memref<32x1024xf32, #tpu.memory_space<vmem>>) dst(%dma_wait3A_438 : memref<32x1024xf32, #tpu.memory_space<hbm>>)
    %dma_start3A_439 = arith.constant 1 : i32
    %dma_start3A_440 = arith.constant 0 : i32
    %dma_start3A_441 = arith.constant 0 : i32
    %dma_start3A_442 = arith.constant 0 : i32
    %dma_start3A_443 = tpu.memref_slice %arg7[%dma_start3A_441, %dma_start3A_442] : memref<32x1024xf32, #tpu.memory_space<vmem>> -> memref<32x256xf32, #tpu.memory_space<vmem>>
    %dma_start3A_444 = arith.constant 32 : i32
    %dma_start3A_445 = tpu.memref_slice %arg5[%dma_start3A_439, %dma_start3A_440, %dma_start3A_444] : memref<2x4x128xi32, #tpu.memory_space<vmem>> -> memref<1x1x32xi32, #tpu.memory_space<vmem>>
    %dma_start3A_446 = tpu.memref_squeeze %dma_start3A_445 : memref<1x1x32xi32, #tpu.memory_space<vmem>> -> memref<32xi32, #tpu.memory_space<vmem>>
    %dma_start3A_447 = arith.constant 0 : i32
    %dma_start3A_448 = arith.constant 0 : i32
    %dma_start3A_449 = tpu.memref_slice %arg3[%dma_start3A_447, %dma_start3A_448] : memref<1024x256xf32, #tpu.memory_space<hbm>> -> memref<1024x256xf32, #tpu.memory_space<hbm>>
    tpu.enqueue_indirect_dma source(%dma_start3A_449 : memref<1024x256xf32, #tpu.memory_space<hbm>>) target(%dma_start3A_443 : memref<32x256xf32, #tpu.memory_space<vmem>>) offsets(%dma_start3A_446 : memref<32xi32, #tpu.memory_space<vmem>>) semaphore(%arg9 : memref<!tpu.dma_semaphore, #tpu.memory_space<semaphore_mem>>)
    %dma_start3A_450 = arith.constant 1 : i32
    %dma_start3A_451 = arith.constant 1 : i32
    %dma_start3A_452 = arith.constant 0 : i32
    %dma_start3A_453 = arith.constant 256 : i32
    %dma_start3A_454 = tpu.memref_slice %arg7[%dma_start3A_452, %dma_start3A_453] : memref<32x1024xf32, #tpu.memory_space<vmem>> -> memref<32x256xf32, #tpu.memory_space<vmem>>
    %dma_start3A_455 = arith.constant 32 : i32
    %dma_start3A_456 = tpu.memref_slice %arg5[%dma_start3A_450, %dma_start3A_451, %dma_start3A_455] : memref<2x4x128xi32, #tpu.memory_space<vmem>> -> memref<1x1x32xi32, #tpu.memory_space<vmem>>
    %dma_start3A_457 = tpu.memref_squeeze %dma_start3A_456 : memref<1x1x32xi32, #tpu.memory_space<vmem>> -> memref<32xi32, #tpu.memory_space<vmem>>
    %dma_start3A_458 = arith.constant 0 : i32
    %dma_start3A_459 = arith.constant 0 : i32
    %dma_start3A_460 = tpu.memref_slice %arg3[%dma_start3A_458, %dma_start3A_459] : memref<1024x256xf32, #tpu.memory_space<hbm>> -> memref<1024x256xf32, #tpu.memory_space<hbm>>
    tpu.enqueue_indirect_dma source(%dma_start3A_460 : memref<1024x256xf32, #tpu.memory_space<hbm>>) target(%dma_start3A_454 : memref<32x256xf32, #tpu.memory_space<vmem>>) offsets(%dma_start3A_457 : memref<32xi32, #tpu.memory_space<vmem>>) semaphore(%arg9 : memref<!tpu.dma_semaphore, #tpu.memory_space<semaphore_mem>>)
    %dma_start3A_461 = arith.constant 1 : i32
    %dma_start3A_462 = arith.constant 2 : i32
    %dma_start3A_463 = arith.constant 0 : i32
    %dma_start3A_464 = arith.constant 512 : i32
    %dma_start3A_465 = tpu.memref_slice %arg7[%dma_start3A_463, %dma_start3A_464] : memref<32x1024xf32, #tpu.memory_space<vmem>> -> memref<32x256xf32, #tpu.memory_space<vmem>>
    %dma_start3A_466 = arith.constant 32 : i32
    %dma_start3A_467 = tpu.memref_slice %arg5[%dma_start3A_461, %dma_start3A_462, %dma_start3A_466] : memref<2x4x128xi32, #tpu.memory_space<vmem>> -> memref<1x1x32xi32, #tpu.memory_space<vmem>>
    %dma_start3A_468 = tpu.memref_squeeze %dma_start3A_467 : memref<1x1x32xi32, #tpu.memory_space<vmem>> -> memref<32xi32, #tpu.memory_space<vmem>>
    %dma_start3A_469 = arith.constant 0 : i32
    %dma_start3A_470 = arith.constant 0 : i32
    %dma_start3A_471 = tpu.memref_slice %arg3[%dma_start3A_469, %dma_start3A_470] : memref<1024x256xf32, #tpu.memory_space<hbm>> -> memref<1024x256xf32, #tpu.memory_space<hbm>>
    tpu.enqueue_indirect_dma source(%dma_start3A_471 : memref<1024x256xf32, #tpu.memory_space<hbm>>) target(%dma_start3A_465 : memref<32x256xf32, #tpu.memory_space<vmem>>) offsets(%dma_start3A_468 : memref<32xi32, #tpu.memory_space<vmem>>) semaphore(%arg9 : memref<!tpu.dma_semaphore, #tpu.memory_space<semaphore_mem>>)
    %dma_start3A_472 = arith.constant 1 : i32
    %dma_start3A_473 = arith.constant 3 : i32
    %dma_start3A_474 = arith.constant 0 : i32
    %dma_start3A_475 = arith.constant 768 : i32
    %dma_start3A_476 = tpu.memref_slice %arg7[%dma_start3A_474, %dma_start3A_475] : memref<32x1024xf32, #tpu.memory_space<vmem>> -> memref<32x256xf32, #tpu.memory_space<vmem>>
    %dma_start3A_477 = arith.constant 32 : i32
    %dma_start3A_478 = tpu.memref_slice %arg5[%dma_start3A_472, %dma_start3A_473, %dma_start3A_477] : memref<2x4x128xi32, #tpu.memory_space<vmem>> -> memref<1x1x32xi32, #tpu.memory_space<vmem>>
    %dma_start3A_479 = tpu.memref_squeeze %dma_start3A_478 : memref<1x1x32xi32, #tpu.memory_space<vmem>> -> memref<32xi32, #tpu.memory_space<vmem>>
    %dma_start3A_480 = arith.constant 0 : i32
    %dma_start3A_481 = arith.constant 0 : i32
    %dma_start3A_482 = tpu.memref_slice %arg3[%dma_start3A_480, %dma_start3A_481] : memref<1024x256xf32, #tpu.memory_space<hbm>> -> memref<1024x256xf32, #tpu.memory_space<hbm>>
    tpu.enqueue_indirect_dma source(%dma_start3A_482 : memref<1024x256xf32, #tpu.memory_space<hbm>>) target(%dma_start3A_476 : memref<32x256xf32, #tpu.memory_space<vmem>>) offsets(%dma_start3A_479 : memref<32xi32, #tpu.memory_space<vmem>>) semaphore(%arg9 : memref<!tpu.dma_semaphore, #tpu.memory_space<semaphore_mem>>)
    %dma_wait3A_483 = arith.constant 1 : i32
    %dma_wait3A_484 = arith.constant 0 : i32
    %dma_wait3A_485 = arith.constant 0 : i32
    %dma_wait3A_486 = arith.constant 0 : i32
    %dma_wait3A_487 = tpu.memref_slice %arg6[%dma_wait3A_485, %dma_wait3A_486] : memref<32x1024xf32, #tpu.memory_space<vmem>> -> memref<32x256xf32, #tpu.memory_space<vmem>>
    %dma_wait3A_488 = arith.constant 0 : i32
    %dma_wait3A_489 = tpu.memref_slice %arg5[%dma_wait3A_483, %dma_wait3A_484, %dma_wait3A_488] : memref<2x4x128xi32, #tpu.memory_space<vmem>> -> memref<1x1x32xi32, #tpu.memory_space<vmem>>
    %dma_wait3A_490 = tpu.memref_squeeze %dma_wait3A_489 : memref<1x1x32xi32, #tpu.memory_space<vmem>> -> memref<32xi32, #tpu.memory_space<vmem>>
    %dma_wait3A_491 = arith.constant 0 : i32
    %dma_wait3A_492 = arith.constant 0 : i32
    %dma_wait3A_493 = tpu.memref_slice %arg3[%dma_wait3A_491, %dma_wait3A_492] : memref<1024x256xf32, #tpu.memory_space<hbm>> -> memref<1024x256xf32, #tpu.memory_space<hbm>>
    tpu.wait_indirect_dma semaphore(%arg8 : memref<!tpu.dma_semaphore, #tpu.memory_space<semaphore_mem>>) src(%dma_wait3A_493 : memref<1024x256xf32, #tpu.memory_space<hbm>>) dst(%dma_wait3A_487 : memref<32x256xf32, #tpu.memory_space<vmem>>)
    %dma_wait3A_494 = arith.constant 1 : i32
    %dma_wait3A_495 = arith.constant 1 : i32
    %dma_wait3A_496 = arith.constant 0 : i32
    %dma_wait3A_497 = arith.constant 256 : i32
    %dma_wait3A_498 = tpu.memref_slice %arg6[%dma_wait3A_496, %dma_wait3A_497] : memref<32x1024xf32, #tpu.memory_space<vmem>> -> memref<32x256xf32, #tpu.memory_space<vmem>>
    %dma_wait3A_499 = arith.constant 0 : i32
    %dma_wait3A_500 = tpu.memref_slice %arg5[%dma_wait3A_494, %dma_wait3A_495, %dma_wait3A_499] : memref<2x4x128xi32, #tpu.memory_space<vmem>> -> memref<1x1x32xi32, #tpu.memory_space<vmem>>
    %dma_wait3A_501 = tpu.memref_squeeze %dma_wait3A_500 : memref<1x1x32xi32, #tpu.memory_space<vmem>> -> memref<32xi32, #tpu.memory_space<vmem>>
    %dma_wait3A_502 = arith.constant 0 : i32
    %dma_wait3A_503 = arith.constant 0 : i32
    %dma_wait3A_504 = tpu.memref_slice %arg3[%dma_wait3A_502, %dma_wait3A_503] : memref<1024x256xf32, #tpu.memory_space<hbm>> -> memref<1024x256xf32, #tpu.memory_space<hbm>>
    tpu.wait_indirect_dma semaphore(%arg8 : memref<!tpu.dma_semaphore, #tpu.memory_space<semaphore_mem>>) src(%dma_wait3A_504 : memref<1024x256xf32, #tpu.memory_space<hbm>>) dst(%dma_wait3A_498 : memref<32x256xf32, #tpu.memory_space<vmem>>)
    %dma_wait3A_505 = arith.constant 1 : i32
    %dma_wait3A_506 = arith.constant 2 : i32
    %dma_wait3A_507 = arith.constant 0 : i32
    %dma_wait3A_508 = arith.constant 512 : i32
    %dma_wait3A_509 = tpu.memref_slice %arg6[%dma_wait3A_507, %dma_wait3A_508] : memref<32x1024xf32, #tpu.memory_space<vmem>> -> memref<32x256xf32, #tpu.memory_space<vmem>>
    %dma_wait3A_510 = arith.constant 0 : i32
    %dma_wait3A_511 = tpu.memref_slice %arg5[%dma_wait3A_505, %dma_wait3A_506, %dma_wait3A_510] : memref<2x4x128xi32, #tpu.memory_space<vmem>> -> memref<1x1x32xi32, #tpu.memory_space<vmem>>
    %dma_wait3A_512 = tpu.memref_squeeze %dma_wait3A_511 : memref<1x1x32xi32, #tpu.memory_space<vmem>> -> memref<32xi32, #tpu.memory_space<vmem>>
    %dma_wait3A_513 = arith.constant 0 : i32
    %dma_wait3A_514 = arith.constant 0 : i32
    %dma_wait3A_515 = tpu.memref_slice %arg3[%dma_wait3A_513, %dma_wait3A_514] : memref<1024x256xf32, #tpu.memory_space<hbm>> -> memref<1024x256xf32, #tpu.memory_space<hbm>>
    tpu.wait_indirect_dma semaphore(%arg8 : memref<!tpu.dma_semaphore, #tpu.memory_space<semaphore_mem>>) src(%dma_wait3A_515 : memref<1024x256xf32, #tpu.memory_space<hbm>>) dst(%dma_wait3A_509 : memref<32x256xf32, #tpu.memory_space<vmem>>)
    %dma_wait3A_516 = arith.constant 1 : i32
    %dma_wait3A_517 = arith.constant 3 : i32
    %dma_wait3A_518 = arith.constant 0 : i32
    %dma_wait3A_519 = arith.constant 768 : i32
    %dma_wait3A_520 = tpu.memref_slice %arg6[%dma_wait3A_518, %dma_wait3A_519] : memref<32x1024xf32, #tpu.memory_space<vmem>> -> memref<32x256xf32, #tpu.memory_space<vmem>>
    %dma_wait3A_521 = arith.constant 0 : i32
    %dma_wait3A_522 = tpu.memref_slice %arg5[%dma_wait3A_516, %dma_wait3A_517, %dma_wait3A_521] : memref<2x4x128xi32, #tpu.memory_space<vmem>> -> memref<1x1x32xi32, #tpu.memory_space<vmem>>
    %dma_wait3A_523 = tpu.memref_squeeze %dma_wait3A_522 : memref<1x1x32xi32, #tpu.memory_space<vmem>> -> memref<32xi32, #tpu.memory_space<vmem>>
    %dma_wait3A_524 = arith.constant 0 : i32
    %dma_wait3A_525 = arith.constant 0 : i32
    %dma_wait3A_526 = tpu.memref_slice %arg3[%dma_wait3A_524, %dma_wait3A_525] : memref<1024x256xf32, #tpu.memory_space<hbm>> -> memref<1024x256xf32, #tpu.memory_space<hbm>>
    tpu.wait_indirect_dma semaphore(%arg8 : memref<!tpu.dma_semaphore, #tpu.memory_space<semaphore_mem>>) src(%dma_wait3A_526 : memref<1024x256xf32, #tpu.memory_space<hbm>>) dst(%dma_wait3A_520 : memref<32x256xf32, #tpu.memory_space<vmem>>)
    %add3A_527 = arith.constant 128 : i32
    %add3A_528 = arith.addi %mul3A_2, %add3A_527 : i32
    %dma_start3A_529 = arith.constant 0 : i32
    %dma_start3A_530 = tpu.memref_slice %arg4[%add3A_528, %dma_start3A_529] : memref<8192x1024xf32, #tpu.memory_space<hbm>> -> memref<32x1024xf32, #tpu.memory_space<hbm>>
    %dma_start3A_531 = arith.constant 0 : i32
    %dma_start3A_532 = tpu.memref_slice %arg4[%add3A_528, %dma_start3A_531] : memref<8192x1024xf32, #tpu.memory_space<hbm>> -> memref<32x1024xf32, #tpu.memory_space<hbm>>
    tpu.enqueue_dma source(%arg6 : memref<32x1024xf32, #tpu.memory_space<vmem>>) target(%dma_start3A_532 : memref<32x1024xf32, #tpu.memory_space<hbm>>) target_semaphore(%arg10 : memref<!tpu.dma_semaphore, #tpu.memory_space<semaphore_mem>>)
    %dma_wait3A_533 = arith.constant 0 : i32
    %dma_wait3A_534 = tpu.memref_slice %arg4[%add3A_528, %dma_wait3A_533] : memref<8192x1024xf32, #tpu.memory_space<hbm>> -> memref<32x1024xf32, #tpu.memory_space<hbm>>
    %dma_wait3A_535 = arith.constant 0 : i32
    %dma_wait3A_536 = tpu.memref_slice %arg4[%add3A_528, %dma_wait3A_535] : memref<8192x1024xf32, #tpu.memory_space<hbm>> -> memref<32x1024xf32, #tpu.memory_space<hbm>>
    tpu.wait_dma2 semaphore(%arg10 : memref<!tpu.dma_semaphore, #tpu.memory_space<semaphore_mem>>) src(%arg6 : memref<32x1024xf32, #tpu.memory_space<vmem>>) dst(%dma_wait3A_536 : memref<32x1024xf32, #tpu.memory_space<hbm>>)
    %dma_start3A_537 = arith.constant 1 : i32
    %dma_start3A_538 = arith.constant 0 : i32
    %dma_start3A_539 = arith.constant 0 : i32
    %dma_start3A_540 = arith.constant 0 : i32
    %dma_start3A_541 = tpu.memref_slice %arg6[%dma_start3A_539, %dma_start3A_540] : memref<32x1024xf32, #tpu.memory_space<vmem>> -> memref<32x256xf32, #tpu.memory_space<vmem>>
    %dma_start3A_542 = arith.constant 64 : i32
    %dma_start3A_543 = tpu.memref_slice %arg5[%dma_start3A_537, %dma_start3A_538, %dma_start3A_542] : memref<2x4x128xi32, #tpu.memory_space<vmem>> -> memref<1x1x32xi32, #tpu.memory_space<vmem>>
    %dma_start3A_544 = tpu.memref_squeeze %dma_start3A_543 : memref<1x1x32xi32, #tpu.memory_space<vmem>> -> memref<32xi32, #tpu.memory_space<vmem>>
    %dma_start3A_545 = arith.constant 0 : i32
    %dma_start3A_546 = arith.constant 0 : i32
    %dma_start3A_547 = tpu.memref_slice %arg3[%dma_start3A_545, %dma_start3A_546] : memref<1024x256xf32, #tpu.memory_space<hbm>> -> memref<1024x256xf32, #tpu.memory_space<hbm>>
    tpu.enqueue_indirect_dma source(%dma_start3A_547 : memref<1024x256xf32, #tpu.memory_space<hbm>>) target(%dma_start3A_541 : memref<32x256xf32, #tpu.memory_space<vmem>>) offsets(%dma_start3A_544 : memref<32xi32, #tpu.memory_space<vmem>>) semaphore(%arg8 : memref<!tpu.dma_semaphore, #tpu.memory_space<semaphore_mem>>)
    %dma_start3A_548 = arith.constant 1 : i32
    %dma_start3A_549 = arith.constant 1 : i32
    %dma_start3A_550 = arith.constant 0 : i32
    %dma_start3A_551 = arith.constant 256 : i32
    %dma_start3A_552 = tpu.memref_slice %arg6[%dma_start3A_550, %dma_start3A_551] : memref<32x1024xf32, #tpu.memory_space<vmem>> -> memref<32x256xf32, #tpu.memory_space<vmem>>
    %dma_start3A_553 = arith.constant 64 : i32
    %dma_start3A_554 = tpu.memref_slice %arg5[%dma_start3A_548, %dma_start3A_549, %dma_start3A_553] : memref<2x4x128xi32, #tpu.memory_space<vmem>> -> memref<1x1x32xi32, #tpu.memory_space<vmem>>
    %dma_start3A_555 = tpu.memref_squeeze %dma_start3A_554 : memref<1x1x32xi32, #tpu.memory_space<vmem>> -> memref<32xi32, #tpu.memory_space<vmem>>
    %dma_start3A_556 = arith.constant 0 : i32
    %dma_start3A_557 = arith.constant 0 : i32
    %dma_start3A_558 = tpu.memref_slice %arg3[%dma_start3A_556, %dma_start3A_557] : memref<1024x256xf32, #tpu.memory_space<hbm>> -> memref<1024x256xf32, #tpu.memory_space<hbm>>
    tpu.enqueue_indirect_dma source(%dma_start3A_558 : memref<1024x256xf32, #tpu.memory_space<hbm>>) target(%dma_start3A_552 : memref<32x256xf32, #tpu.memory_space<vmem>>) offsets(%dma_start3A_555 : memref<32xi32, #tpu.memory_space<vmem>>) semaphore(%arg8 : memref<!tpu.dma_semaphore, #tpu.memory_space<semaphore_mem>>)
    %dma_start3A_559 = arith.constant 1 : i32
    %dma_start3A_560 = arith.constant 2 : i32
    %dma_start3A_561 = arith.constant 0 : i32
    %dma_start3A_562 = arith.constant 512 : i32
    %dma_start3A_563 = tpu.memref_slice %arg6[%dma_start3A_561, %dma_start3A_562] : memref<32x1024xf32, #tpu.memory_space<vmem>> -> memref<32x256xf32, #tpu.memory_space<vmem>>
    %dma_start3A_564 = arith.constant 64 : i32
    %dma_start3A_565 = tpu.memref_slice %arg5[%dma_start3A_559, %dma_start3A_560, %dma_start3A_564] : memref<2x4x128xi32, #tpu.memory_space<vmem>> -> memref<1x1x32xi32, #tpu.memory_space<vmem>>
    %dma_start3A_566 = tpu.memref_squeeze %dma_start3A_565 : memref<1x1x32xi32, #tpu.memory_space<vmem>> -> memref<32xi32, #tpu.memory_space<vmem>>
    %dma_start3A_567 = arith.constant 0 : i32
    %dma_start3A_568 = arith.constant 0 : i32
    %dma_start3A_569 = tpu.memref_slice %arg3[%dma_start3A_567, %dma_start3A_568] : memref<1024x256xf32, #tpu.memory_space<hbm>> -> memref<1024x256xf32, #tpu.memory_space<hbm>>
    tpu.enqueue_indirect_dma source(%dma_start3A_569 : memref<1024x256xf32, #tpu.memory_space<hbm>>) target(%dma_start3A_563 : memref<32x256xf32, #tpu.memory_space<vmem>>) offsets(%dma_start3A_566 : memref<32xi32, #tpu.memory_space<vmem>>) semaphore(%arg8 : memref<!tpu.dma_semaphore, #tpu.memory_space<semaphore_mem>>)
    %dma_start3A_570 = arith.constant 1 : i32
    %dma_start3A_571 = arith.constant 3 : i32
    %dma_start3A_572 = arith.constant 0 : i32
    %dma_start3A_573 = arith.constant 768 : i32
    %dma_start3A_574 = tpu.memref_slice %arg6[%dma_start3A_572, %dma_start3A_573] : memref<32x1024xf32, #tpu.memory_space<vmem>> -> memref<32x256xf32, #tpu.memory_space<vmem>>
    %dma_start3A_575 = arith.constant 64 : i32
    %dma_start3A_576 = tpu.memref_slice %arg5[%dma_start3A_570, %dma_start3A_571, %dma_start3A_575] : memref<2x4x128xi32, #tpu.memory_space<vmem>> -> memref<1x1x32xi32, #tpu.memory_space<vmem>>
    %dma_start3A_577 = tpu.memref_squeeze %dma_start3A_576 : memref<1x1x32xi32, #tpu.memory_space<vmem>> -> memref<32xi32, #tpu.memory_space<vmem>>
    %dma_start3A_578 = arith.constant 0 : i32
    %dma_start3A_579 = arith.constant 0 : i32
    %dma_start3A_580 = tpu.memref_slice %arg3[%dma_start3A_578, %dma_start3A_579] : memref<1024x256xf32, #tpu.memory_space<hbm>> -> memref<1024x256xf32, #tpu.memory_space<hbm>>
    tpu.enqueue_indirect_dma source(%dma_start3A_580 : memref<1024x256xf32, #tpu.memory_space<hbm>>) target(%dma_start3A_574 : memref<32x256xf32, #tpu.memory_space<vmem>>) offsets(%dma_start3A_577 : memref<32xi32, #tpu.memory_space<vmem>>) semaphore(%arg8 : memref<!tpu.dma_semaphore, #tpu.memory_space<semaphore_mem>>)
    %dma_wait3A_581 = arith.constant 1 : i32
    %dma_wait3A_582 = arith.constant 0 : i32
    %dma_wait3A_583 = arith.constant 0 : i32
    %dma_wait3A_584 = arith.constant 0 : i32
    %dma_wait3A_585 = tpu.memref_slice %arg7[%dma_wait3A_583, %dma_wait3A_584] : memref<32x1024xf32, #tpu.memory_space<vmem>> -> memref<32x256xf32, #tpu.memory_space<vmem>>
    %dma_wait3A_586 = arith.constant 32 : i32
    %dma_wait3A_587 = tpu.memref_slice %arg5[%dma_wait3A_581, %dma_wait3A_582, %dma_wait3A_586] : memref<2x4x128xi32, #tpu.memory_space<vmem>> -> memref<1x1x32xi32, #tpu.memory_space<vmem>>
    %dma_wait3A_588 = tpu.memref_squeeze %dma_wait3A_587 : memref<1x1x32xi32, #tpu.memory_space<vmem>> -> memref<32xi32, #tpu.memory_space<vmem>>
    %dma_wait3A_589 = arith.constant 0 : i32
    %dma_wait3A_590 = arith.constant 0 : i32
    %dma_wait3A_591 = tpu.memref_slice %arg3[%dma_wait3A_589, %dma_wait3A_590] : memref<1024x256xf32, #tpu.memory_space<hbm>> -> memref<1024x256xf32, #tpu.memory_space<hbm>>
    tpu.wait_indirect_dma semaphore(%arg9 : memref<!tpu.dma_semaphore, #tpu.memory_space<semaphore_mem>>) src(%dma_wait3A_591 : memref<1024x256xf32, #tpu.memory_space<hbm>>) dst(%dma_wait3A_585 : memref<32x256xf32, #tpu.memory_space<vmem>>)
    %dma_wait3A_592 = arith.constant 1 : i32
    %dma_wait3A_593 = arith.constant 1 : i32
    %dma_wait3A_594 = arith.constant 0 : i32
    %dma_wait3A_595 = arith.constant 256 : i32
    %dma_wait3A_596 = tpu.memref_slice %arg7[%dma_wait3A_594, %dma_wait3A_595] : memref<32x1024xf32, #tpu.memory_space<vmem>> -> memref<32x256xf32, #tpu.memory_space<vmem>>
    %dma_wait3A_597 = arith.constant 32 : i32
    %dma_wait3A_598 = tpu.memref_slice %arg5[%dma_wait3A_592, %dma_wait3A_593, %dma_wait3A_597] : memref<2x4x128xi32, #tpu.memory_space<vmem>> -> memref<1x1x32xi32, #tpu.memory_space<vmem>>
    %dma_wait3A_599 = tpu.memref_squeeze %dma_wait3A_598 : memref<1x1x32xi32, #tpu.memory_space<vmem>> -> memref<32xi32, #tpu.memory_space<vmem>>
    %dma_wait3A_600 = arith.constant 0 : i32
    %dma_wait3A_601 = arith.constant 0 : i32
    %dma_wait3A_602 = tpu.memref_slice %arg3[%dma_wait3A_600, %dma_wait3A_601] : memref<1024x256xf32, #tpu.memory_space<hbm>> -> memref<1024x256xf32, #tpu.memory_space<hbm>>
    tpu.wait_indirect_dma semaphore(%arg9 : memref<!tpu.dma_semaphore, #tpu.memory_space<semaphore_mem>>) src(%dma_wait3A_602 : memref<1024x256xf32, #tpu.memory_space<hbm>>) dst(%dma_wait3A_596 : memref<32x256xf32, #tpu.memory_space<vmem>>)
    %dma_wait3A_603 = arith.constant 1 : i32
    %dma_wait3A_604 = arith.constant 2 : i32
    %dma_wait3A_605 = arith.constant 0 : i32
    %dma_wait3A_606 = arith.constant 512 : i32
    %dma_wait3A_607 = tpu.memref_slice %arg7[%dma_wait3A_605, %dma_wait3A_606] : memref<32x1024xf32, #tpu.memory_space<vmem>> -> memref<32x256xf32, #tpu.memory_space<vmem>>
    %dma_wait3A_608 = arith.constant 32 : i32
    %dma_wait3A_609 = tpu.memref_slice %arg5[%dma_wait3A_603, %dma_wait3A_604, %dma_wait3A_608] : memref<2x4x128xi32, #tpu.memory_space<vmem>> -> memref<1x1x32xi32, #tpu.memory_space<vmem>>
    %dma_wait3A_610 = tpu.memref_squeeze %dma_wait3A_609 : memref<1x1x32xi32, #tpu.memory_space<vmem>> -> memref<32xi32, #tpu.memory_space<vmem>>
    %dma_wait3A_611 = arith.constant 0 : i32
    %dma_wait3A_612 = arith.constant 0 : i32
    %dma_wait3A_613 = tpu.memref_slice %arg3[%dma_wait3A_611, %dma_wait3A_612] : memref<1024x256xf32, #tpu.memory_space<hbm>> -> memref<1024x256xf32, #tpu.memory_space<hbm>>
    tpu.wait_indirect_dma semaphore(%arg9 : memref<!tpu.dma_semaphore, #tpu.memory_space<semaphore_mem>>) src(%dma_wait3A_613 : memref<1024x256xf32, #tpu.memory_space<hbm>>) dst(%dma_wait3A_607 : memref<32x256xf32, #tpu.memory_space<vmem>>)
    %dma_wait3A_614 = arith.constant 1 : i32
    %dma_wait3A_615 = arith.constant 3 : i32
    %dma_wait3A_616 = arith.constant 0 : i32
    %dma_wait3A_617 = arith.constant 768 : i32
    %dma_wait3A_618 = tpu.memref_slice %arg7[%dma_wait3A_616, %dma_wait3A_617] : memref<32x1024xf32, #tpu.memory_space<vmem>> -> memref<32x256xf32, #tpu.memory_space<vmem>>
    %dma_wait3A_619 = arith.constant 32 : i32
    %dma_wait3A_620 = tpu.memref_slice %arg5[%dma_wait3A_614, %dma_wait3A_615, %dma_wait3A_619] : memref<2x4x128xi32, #tpu.memory_space<vmem>> -> memref<1x1x32xi32, #tpu.memory_space<vmem>>
    %dma_wait3A_621 = tpu.memref_squeeze %dma_wait3A_620 : memref<1x1x32xi32, #tpu.memory_space<vmem>> -> memref<32xi32, #tpu.memory_space<vmem>>
    %dma_wait3A_622 = arith.constant 0 : i32
    %dma_wait3A_623 = arith.constant 0 : i32
    %dma_wait3A_624 = tpu.memref_slice %arg3[%dma_wait3A_622, %dma_wait3A_623] : memref<1024x256xf32, #tpu.memory_space<hbm>> -> memref<1024x256xf32, #tpu.memory_space<hbm>>
    tpu.wait_indirect_dma semaphore(%arg9 : memref<!tpu.dma_semaphore, #tpu.memory_space<semaphore_mem>>) src(%dma_wait3A_624 : memref<1024x256xf32, #tpu.memory_space<hbm>>) dst(%dma_wait3A_618 : memref<32x256xf32, #tpu.memory_space<vmem>>)
    %add3A_625 = arith.constant 160 : i32
    %add3A_626 = arith.addi %mul3A_2, %add3A_625 : i32
    %dma_start3A_627 = arith.constant 0 : i32
    %dma_start3A_628 = tpu.memref_slice %arg4[%add3A_626, %dma_start3A_627] : memref<8192x1024xf32, #tpu.memory_space<hbm>> -> memref<32x1024xf32, #tpu.memory_space<hbm>>
    %dma_start3A_629 = arith.constant 0 : i32
    %dma_start3A_630 = tpu.memref_slice %arg4[%add3A_626, %dma_start3A_629] : memref<8192x1024xf32, #tpu.memory_space<hbm>> -> memref<32x1024xf32, #tpu.memory_space<hbm>>
    tpu.enqueue_dma source(%arg7 : memref<32x1024xf32, #tpu.memory_space<vmem>>) target(%dma_start3A_630 : memref<32x1024xf32, #tpu.memory_space<hbm>>) target_semaphore(%arg11 : memref<!tpu.dma_semaphore, #tpu.memory_space<semaphore_mem>>)
    %dma_wait3A_631 = arith.constant 0 : i32
    %dma_wait3A_632 = tpu.memref_slice %arg4[%add3A_626, %dma_wait3A_631] : memref<8192x1024xf32, #tpu.memory_space<hbm>> -> memref<32x1024xf32, #tpu.memory_space<hbm>>
    %dma_wait3A_633 = arith.constant 0 : i32
    %dma_wait3A_634 = tpu.memref_slice %arg4[%add3A_626, %dma_wait3A_633] : memref<8192x1024xf32, #tpu.memory_space<hbm>> -> memref<32x1024xf32, #tpu.memory_space<hbm>>
    tpu.wait_dma2 semaphore(%arg11 : memref<!tpu.dma_semaphore, #tpu.memory_space<semaphore_mem>>) src(%arg7 : memref<32x1024xf32, #tpu.memory_space<vmem>>) dst(%dma_wait3A_634 : memref<32x1024xf32, #tpu.memory_space<hbm>>)
    %dma_start3A_635 = arith.constant 1 : i32
    %dma_start3A_636 = arith.constant 0 : i32
    %dma_start3A_637 = arith.constant 0 : i32
    %dma_start3A_638 = arith.constant 0 : i32
    %dma_start3A_639 = tpu.memref_slice %arg7[%dma_start3A_637, %dma_start3A_638] : memref<32x1024xf32, #tpu.memory_space<vmem>> -> memref<32x256xf32, #tpu.memory_space<vmem>>
    %dma_start3A_640 = arith.constant 96 : i32
    %dma_start3A_641 = tpu.memref_slice %arg5[%dma_start3A_635, %dma_start3A_636, %dma_start3A_640] : memref<2x4x128xi32, #tpu.memory_space<vmem>> -> memref<1x1x32xi32, #tpu.memory_space<vmem>>
    %dma_start3A_642 = tpu.memref_squeeze %dma_start3A_641 : memref<1x1x32xi32, #tpu.memory_space<vmem>> -> memref<32xi32, #tpu.memory_space<vmem>>
    %dma_start3A_643 = arith.constant 0 : i32
    %dma_start3A_644 = arith.constant 0 : i32
    %dma_start3A_645 = tpu.memref_slice %arg3[%dma_start3A_643, %dma_start3A_644] : memref<1024x256xf32, #tpu.memory_space<hbm>> -> memref<1024x256xf32, #tpu.memory_space<hbm>>
    tpu.enqueue_indirect_dma source(%dma_start3A_645 : memref<1024x256xf32, #tpu.memory_space<hbm>>) target(%dma_start3A_639 : memref<32x256xf32, #tpu.memory_space<vmem>>) offsets(%dma_start3A_642 : memref<32xi32, #tpu.memory_space<vmem>>) semaphore(%arg9 : memref<!tpu.dma_semaphore, #tpu.memory_space<semaphore_mem>>)
    %dma_start3A_646 = arith.constant 1 : i32
    %dma_start3A_647 = arith.constant 1 : i32
    %dma_start3A_648 = arith.constant 0 : i32
    %dma_start3A_649 = arith.constant 256 : i32
    %dma_start3A_650 = tpu.memref_slice %arg7[%dma_start3A_648, %dma_start3A_649] : memref<32x1024xf32, #tpu.memory_space<vmem>> -> memref<32x256xf32, #tpu.memory_space<vmem>>
    %dma_start3A_651 = arith.constant 96 : i32
    %dma_start3A_652 = tpu.memref_slice %arg5[%dma_start3A_646, %dma_start3A_647, %dma_start3A_651] : memref<2x4x128xi32, #tpu.memory_space<vmem>> -> memref<1x1x32xi32, #tpu.memory_space<vmem>>
    %dma_start3A_653 = tpu.memref_squeeze %dma_start3A_652 : memref<1x1x32xi32, #tpu.memory_space<vmem>> -> memref<32xi32, #tpu.memory_space<vmem>>
    %dma_start3A_654 = arith.constant 0 : i32
    %dma_start3A_655 = arith.constant 0 : i32
    %dma_start3A_656 = tpu.memref_slice %arg3[%dma_start3A_654, %dma_start3A_655] : memref<1024x256xf32, #tpu.memory_space<hbm>> -> memref<1024x256xf32, #tpu.memory_space<hbm>>
    tpu.enqueue_indirect_dma source(%dma_start3A_656 : memref<1024x256xf32, #tpu.memory_space<hbm>>) target(%dma_start3A_650 : memref<32x256xf32, #tpu.memory_space<vmem>>) offsets(%dma_start3A_653 : memref<32xi32, #tpu.memory_space<vmem>>) semaphore(%arg9 : memref<!tpu.dma_semaphore, #tpu.memory_space<semaphore_mem>>)
    %dma_start3A_657 = arith.constant 1 : i32
    %dma_start3A_658 = arith.constant 2 : i32
    %dma_start3A_659 = arith.constant 0 : i32
    %dma_start3A_660 = arith.constant 512 : i32
    %dma_start3A_661 = tpu.memref_slice %arg7[%dma_start3A_659, %dma_start3A_660] : memref<32x1024xf32, #tpu.memory_space<vmem>> -> memref<32x256xf32, #tpu.memory_space<vmem>>
    %dma_start3A_662 = arith.constant 96 : i32
    %dma_start3A_663 = tpu.memref_slice %arg5[%dma_start3A_657, %dma_start3A_658, %dma_start3A_662] : memref<2x4x128xi32, #tpu.memory_space<vmem>> -> memref<1x1x32xi32, #tpu.memory_space<vmem>>
    %dma_start3A_664 = tpu.memref_squeeze %dma_start3A_663 : memref<1x1x32xi32, #tpu.memory_space<vmem>> -> memref<32xi32, #tpu.memory_space<vmem>>
    %dma_start3A_665 = arith.constant 0 : i32
    %dma_start3A_666 = arith.constant 0 : i32
    %dma_start3A_667 = tpu.memref_slice %arg3[%dma_start3A_665, %dma_start3A_666] : memref<1024x256xf32, #tpu.memory_space<hbm>> -> memref<1024x256xf32, #tpu.memory_space<hbm>>
    tpu.enqueue_indirect_dma source(%dma_start3A_667 : memref<1024x256xf32, #tpu.memory_space<hbm>>) target(%dma_start3A_661 : memref<32x256xf32, #tpu.memory_space<vmem>>) offsets(%dma_start3A_664 : memref<32xi32, #tpu.memory_space<vmem>>) semaphore(%arg9 : memref<!tpu.dma_semaphore, #tpu.memory_space<semaphore_mem>>)
    %dma_start3A_668 = arith.constant 1 : i32
    %dma_start3A_669 = arith.constant 3 : i32
    %dma_start3A_670 = arith.constant 0 : i32
    %dma_start3A_671 = arith.constant 768 : i32
    %dma_start3A_672 = tpu.memref_slice %arg7[%dma_start3A_670, %dma_start3A_671] : memref<32x1024xf32, #tpu.memory_space<vmem>> -> memref<32x256xf32, #tpu.memory_space<vmem>>
    %dma_start3A_673 = arith.constant 96 : i32
    %dma_start3A_674 = tpu.memref_slice %arg5[%dma_start3A_668, %dma_start3A_669, %dma_start3A_673] : memref<2x4x128xi32, #tpu.memory_space<vmem>> -> memref<1x1x32xi32, #tpu.memory_space<vmem>>
    %dma_start3A_675 = tpu.memref_squeeze %dma_start3A_674 : memref<1x1x32xi32, #tpu.memory_space<vmem>> -> memref<32xi32, #tpu.memory_space<vmem>>
    %dma_start3A_676 = arith.constant 0 : i32
    %dma_start3A_677 = arith.constant 0 : i32
    %dma_start3A_678 = tpu.memref_slice %arg3[%dma_start3A_676, %dma_start3A_677] : memref<1024x256xf32, #tpu.memory_space<hbm>> -> memref<1024x256xf32, #tpu.memory_space<hbm>>
    tpu.enqueue_indirect_dma source(%dma_start3A_678 : memref<1024x256xf32, #tpu.memory_space<hbm>>) target(%dma_start3A_672 : memref<32x256xf32, #tpu.memory_space<vmem>>) offsets(%dma_start3A_675 : memref<32xi32, #tpu.memory_space<vmem>>) semaphore(%arg9 : memref<!tpu.dma_semaphore, #tpu.memory_space<semaphore_mem>>)
    %dma_wait3A_679 = arith.constant 1 : i32
    %dma_wait3A_680 = arith.constant 0 : i32
    %dma_wait3A_681 = arith.constant 0 : i32
    %dma_wait3A_682 = arith.constant 0 : i32
    %dma_wait3A_683 = tpu.memref_slice %arg6[%dma_wait3A_681, %dma_wait3A_682] : memref<32x1024xf32, #tpu.memory_space<vmem>> -> memref<32x256xf32, #tpu.memory_space<vmem>>
    %dma_wait3A_684 = arith.constant 64 : i32
    %dma_wait3A_685 = tpu.memref_slice %arg5[%dma_wait3A_679, %dma_wait3A_680, %dma_wait3A_684] : memref<2x4x128xi32, #tpu.memory_space<vmem>> -> memref<1x1x32xi32, #tpu.memory_space<vmem>>
    %dma_wait3A_686 = tpu.memref_squeeze %dma_wait3A_685 : memref<1x1x32xi32, #tpu.memory_space<vmem>> -> memref<32xi32, #tpu.memory_space<vmem>>
    %dma_wait3A_687 = arith.constant 0 : i32
    %dma_wait3A_688 = arith.constant 0 : i32
    %dma_wait3A_689 = tpu.memref_slice %arg3[%dma_wait3A_687, %dma_wait3A_688] : memref<1024x256xf32, #tpu.memory_space<hbm>> -> memref<1024x256xf32, #tpu.memory_space<hbm>>
    tpu.wait_indirect_dma semaphore(%arg8 : memref<!tpu.dma_semaphore, #tpu.memory_space<semaphore_mem>>) src(%dma_wait3A_689 : memref<1024x256xf32, #tpu.memory_space<hbm>>) dst(%dma_wait3A_683 : memref<32x256xf32, #tpu.memory_space<vmem>>)
    %dma_wait3A_690 = arith.constant 1 : i32
    %dma_wait3A_691 = arith.constant 1 : i32
    %dma_wait3A_692 = arith.constant 0 : i32
    %dma_wait3A_693 = arith.constant 256 : i32
    %dma_wait3A_694 = tpu.memref_slice %arg6[%dma_wait3A_692, %dma_wait3A_693] : memref<32x1024xf32, #tpu.memory_space<vmem>> -> memref<32x256xf32, #tpu.memory_space<vmem>>
    %dma_wait3A_695 = arith.constant 64 : i32
    %dma_wait3A_696 = tpu.memref_slice %arg5[%dma_wait3A_690, %dma_wait3A_691, %dma_wait3A_695] : memref<2x4x128xi32, #tpu.memory_space<vmem>> -> memref<1x1x32xi32, #tpu.memory_space<vmem>>
    %dma_wait3A_697 = tpu.memref_squeeze %dma_wait3A_696 : memref<1x1x32xi32, #tpu.memory_space<vmem>> -> memref<32xi32, #tpu.memory_space<vmem>>
    %dma_wait3A_698 = arith.constant 0 : i32
    %dma_wait3A_699 = arith.constant 0 : i32
    %dma_wait3A_700 = tpu.memref_slice %arg3[%dma_wait3A_698, %dma_wait3A_699] : memref<1024x256xf32, #tpu.memory_space<hbm>> -> memref<1024x256xf32, #tpu.memory_space<hbm>>
    tpu.wait_indirect_dma semaphore(%arg8 : memref<!tpu.dma_semaphore, #tpu.memory_space<semaphore_mem>>) src(%dma_wait3A_700 : memref<1024x256xf32, #tpu.memory_space<hbm>>) dst(%dma_wait3A_694 : memref<32x256xf32, #tpu.memory_space<vmem>>)
    %dma_wait3A_701 = arith.constant 1 : i32
    %dma_wait3A_702 = arith.constant 2 : i32
    %dma_wait3A_703 = arith.constant 0 : i32
    %dma_wait3A_704 = arith.constant 512 : i32
    %dma_wait3A_705 = tpu.memref_slice %arg6[%dma_wait3A_703, %dma_wait3A_704] : memref<32x1024xf32, #tpu.memory_space<vmem>> -> memref<32x256xf32, #tpu.memory_space<vmem>>
    %dma_wait3A_706 = arith.constant 64 : i32
    %dma_wait3A_707 = tpu.memref_slice %arg5[%dma_wait3A_701, %dma_wait3A_702, %dma_wait3A_706] : memref<2x4x128xi32, #tpu.memory_space<vmem>> -> memref<1x1x32xi32, #tpu.memory_space<vmem>>
    %dma_wait3A_708 = tpu.memref_squeeze %dma_wait3A_707 : memref<1x1x32xi32, #tpu.memory_space<vmem>> -> memref<32xi32, #tpu.memory_space<vmem>>
    %dma_wait3A_709 = arith.constant 0 : i32
    %dma_wait3A_710 = arith.constant 0 : i32
    %dma_wait3A_711 = tpu.memref_slice %arg3[%dma_wait3A_709, %dma_wait3A_710] : memref<1024x256xf32, #tpu.memory_space<hbm>> -> memref<1024x256xf32, #tpu.memory_space<hbm>>
    tpu.wait_indirect_dma semaphore(%arg8 : memref<!tpu.dma_semaphore, #tpu.memory_space<semaphore_mem>>) src(%dma_wait3A_711 : memref<1024x256xf32, #tpu.memory_space<hbm>>) dst(%dma_wait3A_705 : memref<32x256xf32, #tpu.memory_space<vmem>>)
    %dma_wait3A_712 = arith.constant 1 : i32
    %dma_wait3A_713 = arith.constant 3 : i32
    %dma_wait3A_714 = arith.constant 0 : i32
    %dma_wait3A_715 = arith.constant 768 : i32
    %dma_wait3A_716 = tpu.memref_slice %arg6[%dma_wait3A_714, %dma_wait3A_715] : memref<32x1024xf32, #tpu.memory_space<vmem>> -> memref<32x256xf32, #tpu.memory_space<vmem>>
    %dma_wait3A_717 = arith.constant 64 : i32
    %dma_wait3A_718 = tpu.memref_slice %arg5[%dma_wait3A_712, %dma_wait3A_713, %dma_wait3A_717] : memref<2x4x128xi32, #tpu.memory_space<vmem>> -> memref<1x1x32xi32, #tpu.memory_space<vmem>>
    %dma_wait3A_719 = tpu.memref_squeeze %dma_wait3A_718 : memref<1x1x32xi32, #tpu.memory_space<vmem>> -> memref<32xi32, #tpu.memory_space<vmem>>
    %dma_wait3A_720 = arith.constant 0 : i32
    %dma_wait3A_721 = arith.constant 0 : i32
    %dma_wait3A_722 = tpu.memref_slice %arg3[%dma_wait3A_720, %dma_wait3A_721] : memref<1024x256xf32, #tpu.memory_space<hbm>> -> memref<1024x256xf32, #tpu.memory_space<hbm>>
    tpu.wait_indirect_dma semaphore(%arg8 : memref<!tpu.dma_semaphore, #tpu.memory_space<semaphore_mem>>) src(%dma_wait3A_722 : memref<1024x256xf32, #tpu.memory_space<hbm>>) dst(%dma_wait3A_716 : memref<32x256xf32, #tpu.memory_space<vmem>>)
    %add3A_723 = arith.constant 192 : i32
    %add3A_724 = arith.addi %mul3A_2, %add3A_723 : i32
    %dma_start3A_725 = arith.constant 0 : i32
    %dma_start3A_726 = tpu.memref_slice %arg4[%add3A_724, %dma_start3A_725] : memref<8192x1024xf32, #tpu.memory_space<hbm>> -> memref<32x1024xf32, #tpu.memory_space<hbm>>
    %dma_start3A_727 = arith.constant 0 : i32
    %dma_start3A_728 = tpu.memref_slice %arg4[%add3A_724, %dma_start3A_727] : memref<8192x1024xf32, #tpu.memory_space<hbm>> -> memref<32x1024xf32, #tpu.memory_space<hbm>>
    tpu.enqueue_dma source(%arg6 : memref<32x1024xf32, #tpu.memory_space<vmem>>) target(%dma_start3A_728 : memref<32x1024xf32, #tpu.memory_space<hbm>>) target_semaphore(%arg10 : memref<!tpu.dma_semaphore, #tpu.memory_space<semaphore_mem>>)
    %dma_wait3A_729 = arith.constant 1 : i32
    %dma_wait3A_730 = arith.constant 0 : i32
    %dma_wait3A_731 = arith.constant 0 : i32
    %dma_wait3A_732 = arith.constant 0 : i32
    %dma_wait3A_733 = tpu.memref_slice %arg7[%dma_wait3A_731, %dma_wait3A_732] : memref<32x1024xf32, #tpu.memory_space<vmem>> -> memref<32x256xf32, #tpu.memory_space<vmem>>
    %dma_wait3A_734 = arith.constant 96 : i32
    %dma_wait3A_735 = tpu.memref_slice %arg5[%dma_wait3A_729, %dma_wait3A_730, %dma_wait3A_734] : memref<2x4x128xi32, #tpu.memory_space<vmem>> -> memref<1x1x32xi32, #tpu.memory_space<vmem>>
    %dma_wait3A_736 = tpu.memref_squeeze %dma_wait3A_735 : memref<1x1x32xi32, #tpu.memory_space<vmem>> -> memref<32xi32, #tpu.memory_space<vmem>>
    %dma_wait3A_737 = arith.constant 0 : i32
    %dma_wait3A_738 = arith.constant 0 : i32
    %dma_wait3A_739 = tpu.memref_slice %arg3[%dma_wait3A_737, %dma_wait3A_738] : memref<1024x256xf32, #tpu.memory_space<hbm>> -> memref<1024x256xf32, #tpu.memory_space<hbm>>
    tpu.wait_indirect_dma semaphore(%arg9 : memref<!tpu.dma_semaphore, #tpu.memory_space<semaphore_mem>>) src(%dma_wait3A_739 : memref<1024x256xf32, #tpu.memory_space<hbm>>) dst(%dma_wait3A_733 : memref<32x256xf32, #tpu.memory_space<vmem>>)
    %dma_wait3A_740 = arith.constant 1 : i32
    %dma_wait3A_741 = arith.constant 1 : i32
    %dma_wait3A_742 = arith.constant 0 : i32
    %dma_wait3A_743 = arith.constant 256 : i32
    %dma_wait3A_744 = tpu.memref_slice %arg7[%dma_wait3A_742, %dma_wait3A_743] : memref<32x1024xf32, #tpu.memory_space<vmem>> -> memref<32x256xf32, #tpu.memory_space<vmem>>
    %dma_wait3A_745 = arith.constant 96 : i32
    %dma_wait3A_746 = tpu.memref_slice %arg5[%dma_wait3A_740, %dma_wait3A_741, %dma_wait3A_745] : memref<2x4x128xi32, #tpu.memory_space<vmem>> -> memref<1x1x32xi32, #tpu.memory_space<vmem>>
    %dma_wait3A_747 = tpu.memref_squeeze %dma_wait3A_746 : memref<1x1x32xi32, #tpu.memory_space<vmem>> -> memref<32xi32, #tpu.memory_space<vmem>>
    %dma_wait3A_748 = arith.constant 0 : i32
    %dma_wait3A_749 = arith.constant 0 : i32
    %dma_wait3A_750 = tpu.memref_slice %arg3[%dma_wait3A_748, %dma_wait3A_749] : memref<1024x256xf32, #tpu.memory_space<hbm>> -> memref<1024x256xf32, #tpu.memory_space<hbm>>
    tpu.wait_indirect_dma semaphore(%arg9 : memref<!tpu.dma_semaphore, #tpu.memory_space<semaphore_mem>>) src(%dma_wait3A_750 : memref<1024x256xf32, #tpu.memory_space<hbm>>) dst(%dma_wait3A_744 : memref<32x256xf32, #tpu.memory_space<vmem>>)
    %dma_wait3A_751 = arith.constant 1 : i32
    %dma_wait3A_752 = arith.constant 2 : i32
    %dma_wait3A_753 = arith.constant 0 : i32
    %dma_wait3A_754 = arith.constant 512 : i32
    %dma_wait3A_755 = tpu.memref_slice %arg7[%dma_wait3A_753, %dma_wait3A_754] : memref<32x1024xf32, #tpu.memory_space<vmem>> -> memref<32x256xf32, #tpu.memory_space<vmem>>
    %dma_wait3A_756 = arith.constant 96 : i32
    %dma_wait3A_757 = tpu.memref_slice %arg5[%dma_wait3A_751, %dma_wait3A_752, %dma_wait3A_756] : memref<2x4x128xi32, #tpu.memory_space<vmem>> -> memref<1x1x32xi32, #tpu.memory_space<vmem>>
    %dma_wait3A_758 = tpu.memref_squeeze %dma_wait3A_757 : memref<1x1x32xi32, #tpu.memory_space<vmem>> -> memref<32xi32, #tpu.memory_space<vmem>>
    %dma_wait3A_759 = arith.constant 0 : i32
    %dma_wait3A_760 = arith.constant 0 : i32
    %dma_wait3A_761 = tpu.memref_slice %arg3[%dma_wait3A_759, %dma_wait3A_760] : memref<1024x256xf32, #tpu.memory_space<hbm>> -> memref<1024x256xf32, #tpu.memory_space<hbm>>
    tpu.wait_indirect_dma semaphore(%arg9 : memref<!tpu.dma_semaphore, #tpu.memory_space<semaphore_mem>>) src(%dma_wait3A_761 : memref<1024x256xf32, #tpu.memory_space<hbm>>) dst(%dma_wait3A_755 : memref<32x256xf32, #tpu.memory_space<vmem>>)
    %dma_wait3A_762 = arith.constant 1 : i32
    %dma_wait3A_763 = arith.constant 3 : i32
    %dma_wait3A_764 = arith.constant 0 : i32
    %dma_wait3A_765 = arith.constant 768 : i32
    %dma_wait3A_766 = tpu.memref_slice %arg7[%dma_wait3A_764, %dma_wait3A_765] : memref<32x1024xf32, #tpu.memory_space<vmem>> -> memref<32x256xf32, #tpu.memory_space<vmem>>
    %dma_wait3A_767 = arith.constant 96 : i32
    %dma_wait3A_768 = tpu.memref_slice %arg5[%dma_wait3A_762, %dma_wait3A_763, %dma_wait3A_767] : memref<2x4x128xi32, #tpu.memory_space<vmem>> -> memref<1x1x32xi32, #tpu.memory_space<vmem>>
    %dma_wait3A_769 = tpu.memref_squeeze %dma_wait3A_768 : memref<1x1x32xi32, #tpu.memory_space<vmem>> -> memref<32xi32, #tpu.memory_space<vmem>>
    %dma_wait3A_770 = arith.constant 0 : i32
    %dma_wait3A_771 = arith.constant 0 : i32
    %dma_wait3A_772 = tpu.memref_slice %arg3[%dma_wait3A_770, %dma_wait3A_771] : memref<1024x256xf32, #tpu.memory_space<hbm>> -> memref<1024x256xf32, #tpu.memory_space<hbm>>
    tpu.wait_indirect_dma semaphore(%arg9 : memref<!tpu.dma_semaphore, #tpu.memory_space<semaphore_mem>>) src(%dma_wait3A_772 : memref<1024x256xf32, #tpu.memory_space<hbm>>) dst(%dma_wait3A_766 : memref<32x256xf32, #tpu.memory_space<vmem>>)
    %add3A_773 = arith.constant 224 : i32
    %add3A_774 = arith.addi %mul3A_2, %add3A_773 : i32
    %dma_start3A_775 = arith.constant 0 : i32
    %dma_start3A_776 = tpu.memref_slice %arg4[%add3A_774, %dma_start3A_775] : memref<8192x1024xf32, #tpu.memory_space<hbm>> -> memref<32x1024xf32, #tpu.memory_space<hbm>>
    %dma_start3A_777 = arith.constant 0 : i32
    %dma_start3A_778 = tpu.memref_slice %arg4[%add3A_774, %dma_start3A_777] : memref<8192x1024xf32, #tpu.memory_space<hbm>> -> memref<32x1024xf32, #tpu.memory_space<hbm>>
    tpu.enqueue_dma source(%arg7 : memref<32x1024xf32, #tpu.memory_space<vmem>>) target(%dma_start3A_778 : memref<32x1024xf32, #tpu.memory_space<hbm>>) target_semaphore(%arg11 : memref<!tpu.dma_semaphore, #tpu.memory_space<semaphore_mem>>)
    %dma_wait3A_779 = arith.constant 0 : i32
    %dma_wait3A_780 = tpu.memref_slice %arg4[%add3A_724, %dma_wait3A_779] : memref<8192x1024xf32, #tpu.memory_space<hbm>> -> memref<32x1024xf32, #tpu.memory_space<hbm>>
    %dma_wait3A_781 = arith.constant 0 : i32
    %dma_wait3A_782 = tpu.memref_slice %arg4[%add3A_724, %dma_wait3A_781] : memref<8192x1024xf32, #tpu.memory_space<hbm>> -> memref<32x1024xf32, #tpu.memory_space<hbm>>
    tpu.wait_dma2 semaphore(%arg10 : memref<!tpu.dma_semaphore, #tpu.memory_space<semaphore_mem>>) src(%arg6 : memref<32x1024xf32, #tpu.memory_space<vmem>>) dst(%dma_wait3A_782 : memref<32x1024xf32, #tpu.memory_space<hbm>>)
    %dma_wait3A_783 = arith.constant 0 : i32
    %dma_wait3A_784 = tpu.memref_slice %arg4[%add3A_774, %dma_wait3A_783] : memref<8192x1024xf32, #tpu.memory_space<hbm>> -> memref<32x1024xf32, #tpu.memory_space<hbm>>
    %dma_wait3A_785 = arith.constant 0 : i32
    %dma_wait3A_786 = tpu.memref_slice %arg4[%add3A_774, %dma_wait3A_785] : memref<8192x1024xf32, #tpu.memory_space<hbm>> -> memref<32x1024xf32, #tpu.memory_space<hbm>>
    tpu.wait_dma2 semaphore(%arg11 : memref<!tpu.dma_semaphore, #tpu.memory_space<semaphore_mem>>) src(%arg7 : memref<32x1024xf32, #tpu.memory_space<vmem>>) dst(%dma_wait3A_786 : memref<32x1024xf32, #tpu.memory_space<hbm>>)
    return
  }
}

module attributes {stable_mosaic.version = 14 : i64} {
  func.func @_vq_tc_body(%arg0: i32, %arg1: memref<2048x1024xf32, #tpu.memory_space<vmem>>, %arg2: memref<1024x256xf32, #tpu.memory_space<vmem>>, %arg3: memref<2048x4xi32, #tpu.memory_space<vmem>>, %arg4: memref<16x4x128xi32, #tpu.memory_space<vmem>>, %arg5: memref<1x1xf32, #tpu.memory_space<vmem>>, %arg6: memref<1x1xf32, #tpu.memory_space<vmem>>, %arg7: memref<1x1024xf32, #tpu.memory_space<vmem>>, %arg8: memref<1xf32, #tpu.memory_space<smem>>, %arg9: memref<1x1024xf32, #tpu.memory_space<vmem>>) attributes {dimension_semantics = [#tpu.dimension_semantics<arbitrary>], iteration_bounds = array<i64: 4>, scalar_prefetch = 0 : i64, scratch_operands = 3 : i64, tpu.core_type = #tpu.core_type<tc>, window_params = [{transform_indices = @transform_0, window_bounds = array<i64: 2048, 1024>}, {pipeline_mode = #tpu.pipeline_mode<synchronous>, transform_indices = @transform_1, window_bounds = array<i64: 1024, 256>}, {transform_indices = @transform_2, window_bounds = array<i64: 2048, 4>}, {transform_indices = @transform_3, window_bounds = array<i64: 16, 4, 128>}, {pipeline_mode = #tpu.pipeline_mode<synchronous>, transform_indices = @transform_4, window_bounds = array<i64: 1, 1>}, {pipeline_mode = #tpu.pipeline_mode<synchronous>, transform_indices = @transform_5, window_bounds = array<i64: 1, 1>}]} {
    %get3A = arith.constant 0 : index
    %get3A_0 = arith.constant 0 : index
    %get3A_1 = vector.load %arg2[%get3A, %get3A_0] : memref<1024x256xf32, #tpu.memory_space<vmem>>, vector<1024x256xf32>
    %eq3A = arith.constant 0 : i32
    %eq3A_2 = arith.cmpi eq, %arg0, %eq3A : i32
    %convert_element_type3A = arith.extui %eq3A_2 : i1 to i32
    %cond3A = arith.constant 0 : i32
    %cond3A_3 = arith.cmpi ne, %convert_element_type3A, %cond3A : i32
    scf.if %cond3A_3 {
      %mul3A_228 = arith.mulf %get3A_1, %get3A_1 : vector<1024x256xf32>
      %reduce_sum3A_229 = arith.constant dense<0.000000e+00> : vector<1024xf32>
      %reduce_sum3A_230 = vector.multi_reduction <add>, %mul3A_228, %reduce_sum3A_229 [1] : vector<1024x256xf32> to vector<1024xf32>
      %broadcast_in_dim3A_231 = vector.shape_cast %reduce_sum3A_230 : vector<1024xf32> to vector<1024x1xf32>
      %reshape3A_232 = vector.shape_cast %broadcast_in_dim3A_231 : vector<1024x1xf32> to vector<1x1024xf32>
      %swap3A_233 = arith.constant 0 : index
      %swap3A_234 = arith.constant 0 : index
      %swap3A_235 = vector.load %arg9[%swap3A_233, %swap3A_234] : memref<1x1024xf32, #tpu.memory_space<vmem>>, vector<1x1024xf32>
      tpu.vector_store %arg9[%swap3A_233, %swap3A_234], %reshape3A_232 {strides = array<i32>} : memref<1x1024xf32, #tpu.memory_space<vmem>>, vector<1x1024xf32>,
    } else {
    }
    %get3A_4 = arith.constant 0 : index
    %get3A_5 = arith.constant 0 : index
    %get3A_6 = vector.load %arg9[%get3A_4, %get3A_5] : memref<1x1024xf32, #tpu.memory_space<vmem>>, vector<1x1024xf32>
    %iota3A = tpu.iota {dimensions = array<i32: 1>} : vector<1x1024xi32>
    %convert_element_type3A_7 = arith.sitofp %iota3A : vector<1x1024xi32> to vector<1x1024xf32>
    %broadcast_in_dim3A = arith.constant 1.000000e+00 : bf16
    %broadcast_in_dim3A_8 = vector.broadcast %broadcast_in_dim3A : bf16 to vector<1x2048xbf16>
    %broadcast_in_dim3A_9 = arith.constant 0.000000e+00 : f32
    %broadcast_in_dim3A_10 = vector.broadcast %broadcast_in_dim3A_9 : f32 to vector<1x1024xf32>
    %get3A_11 = arith.constant 0 : index
    %get3A_12 = arith.constant 0 : index
    %get3A_13 = vector.load %arg1[%get3A_11, %get3A_12] : memref<2048x1024xf32, #tpu.memory_space<vmem>>, vector<2048x256xf32>
    %mul3A = arith.mulf %get3A_13, %get3A_13 : vector<2048x256xf32>
    %reduce_sum3A = arith.constant dense<0.000000e+00> : vector<2048xf32>
    %reduce_sum3A_14 = vector.multi_reduction <add>, %mul3A, %reduce_sum3A [1] : vector<2048x256xf32> to vector<2048xf32>
    %broadcast_in_dim3A_15 = vector.shape_cast %reduce_sum3A_14 : vector<2048xf32> to vector<2048x1xf32>
    %mul3A_16 = arith.constant -2.000000e+00 : f32
    %mul3A_17 = vector.broadcast %mul3A_16 : f32 to vector<2048x256xf32>
    %mul3A_18 = arith.mulf %get3A_13, %mul3A_17 : vector<2048x256xf32>
    %dot_general3A = arith.constant dense<0.000000e+00> : vector<2048x1024xf32>
    %dot_general3A_19 = tpu.matmul %mul3A_18, %get3A_1, %dot_general3A {dimension_numbers = #tpu.dot_dimension_numbers<[1], [1], [0], [0], [0, 0, 1, 0], [], []>, transpose_lhs_hint = false} : vector<2048x256xf32>, vector<1024x256xf32>, vector<2048x1024xf32> -> vector<2048x1024xf32>
    %add3A = vector.broadcast %broadcast_in_dim3A_15 : vector<2048x1xf32> to vector<2048x1024xf32>
    %add3A_20 = arith.addf %add3A, %dot_general3A_19 : vector<2048x1024xf32>
    %add3A_21 = vector.broadcast %get3A_6 : vector<1x1024xf32> to vector<2048x1024xf32>
    %add3A_22 = arith.addf %add3A_20, %add3A_21 : vector<2048x1024xf32>
    %reduce_min3A = arith.constant dense<0x7F800000> : vector<2048xf32>
    %reduce_min3A_23 = vector.multi_reduction <minimumf>, %add3A_22, %reduce_min3A [1] : vector<2048x1024xf32> to vector<2048xf32>
    %broadcast_in_dim3A_24 = vector.shape_cast %reduce_min3A_23 : vector<2048xf32> to vector<2048x1xf32>
    %eq3A_25 = vector.broadcast %broadcast_in_dim3A_24 : vector<2048x1xf32> to vector<2048x1024xf32>
    %eq3A_26 = arith.cmpf oeq, %add3A_22, %eq3A_25 : vector<2048x1024xf32>
    %jit3A = arith.constant 2.048000e+03 : f32
    %broadcast_in_dim3A_27 = vector.shape_cast %convert_element_type3A_7 : vector<1x1024xf32> to vector<1x1024xf32>
    %broadcast_in_dim3A_28 = vector.broadcast %broadcast_in_dim3A_27 : vector<1x1024xf32> to vector<2048x1024xf32>
    %broadcast_in_dim3A_29 = vector.broadcast %jit3A : f32 to vector<2048x1024xf32>
    %select_n3A = arith.select %eq3A_26, %broadcast_in_dim3A_28, %broadcast_in_dim3A_29 : vector<2048x1024xi1>, vector<2048x1024xf32>
    %reduce_min3A_30 = arith.constant dense<0x7F800000> : vector<2048xf32>
    %reduce_min3A_31 = vector.multi_reduction <minimumf>, %select_n3A, %reduce_min3A_30 [1] : vector<2048x1024xf32> to vector<2048xf32>
    %broadcast_in_dim3A_32 = vector.shape_cast %reduce_min3A_31 : vector<2048xf32> to vector<2048x1xf32>
    %convert_element_type3A_33 = arith.fptosi %broadcast_in_dim3A_32 : vector<2048x1xf32> to vector<2048x1xi32>
    %reshape3A = vector.shape_cast %convert_element_type3A_33 : vector<2048x1xi32> to vector<16x128xi32>
    %swap3A = arith.constant 0 : index
    %swap3A_34 = arith.constant 0 : index
    %swap3A_35 = arith.constant 0 : index
    %swap3A_36 = vector.load %arg4[%swap3A, %swap3A_34, %swap3A_35] : memref<16x4x128xi32, #tpu.memory_space<vmem>>, vector<16x1x128xi32>
    %swap3A_37 = vector.shape_cast %swap3A_36 : vector<16x1x128xi32> to vector<16x128xi32>
    %swap3A_38 = vector.shape_cast %reshape3A : vector<16x128xi32> to vector<16x1x128xi32>
    tpu.vector_store %arg4[%swap3A, %swap3A_34, %swap3A_35], %swap3A_38 {strides = array<i32>} : memref<16x4x128xi32, #tpu.memory_space<vmem>>, vector<16x1x128xi32>,
    %eq3A_39 = vector.broadcast %convert_element_type3A_7 : vector<1x1024xf32> to vector<2048x1024xf32>
    %eq3A_40 = vector.broadcast %broadcast_in_dim3A_32 : vector<2048x1xf32> to vector<2048x1024xf32>
    %eq3A_41 = arith.cmpf oeq, %eq3A_39, %eq3A_40 : vector<2048x1024xf32>
    %convert_element_type3A_42 = arith.extui %eq3A_41 : vector<2048x1024xi1> to vector<2048x1024xi32>
    %convert_element_type3A_43 = arith.sitofp %convert_element_type3A_42 : vector<2048x1024xi32> to vector<2048x1024xf32>
    %convert_element_type3A_44 = arith.truncf %convert_element_type3A_43 : vector<2048x1024xf32> to vector<2048x1024xbf16>
    %dot_general3A_45 = arith.constant dense<0.000000e+00> : vector<1x1024xf32>
    %dot_general3A_46 = tpu.matmul %broadcast_in_dim3A_8, %convert_element_type3A_44, %dot_general3A_45 {dimension_numbers = #tpu.dot_dimension_numbers<[1], [0], [0], [1], [0, 0, 1, 1], [], []>, transpose_lhs_hint = false} : vector<1x2048xbf16>, vector<2048x1024xbf16>, vector<1x1024xf32> -> vector<1x1024xf32>
    %add3A_47 = arith.addf %broadcast_in_dim3A_10, %dot_general3A_46 : vector<1x1024xf32>
    %reduce_sum3A_48 = vector.shape_cast %broadcast_in_dim3A_24 : vector<2048x1xf32> to vector<1x2048x1xf32>
    %reduce_sum3A_49 = arith.constant dense<0.000000e+00> : vector<1xf32>
    %reduce_sum3A_50 = vector.multi_reduction <add>, %reduce_sum3A_48, %reduce_sum3A_49 [1, 2] : vector<1x2048x1xf32> to vector<1xf32>
    %reduce_sum3A_51 = vector.shape_cast %reduce_sum3A_50 : vector<1xf32> to vector<1x1x1xf32>
    %reduce_sum3A_52 = vector.extract %reduce_sum3A_51[0, 0, 0] : f32 from vector<1x1x1xf32>
    %add3A_53 = arith.constant 0.000000e+00 : f32
    %add3A_54 = arith.addf %add3A_53, %reduce_sum3A_52 : f32
    %get3A_55 = arith.constant 0 : index
    %get3A_56 = arith.constant 256 : index
    %get3A_57 = vector.load %arg1[%get3A_55, %get3A_56] : memref<2048x1024xf32, #tpu.memory_space<vmem>>, vector<2048x256xf32>
    %mul3A_58 = arith.mulf %get3A_57, %get3A_57 : vector<2048x256xf32>
    %reduce_sum3A_59 = arith.constant dense<0.000000e+00> : vector<2048xf32>
    %reduce_sum3A_60 = vector.multi_reduction <add>, %mul3A_58, %reduce_sum3A_59 [1] : vector<2048x256xf32> to vector<2048xf32>
    %broadcast_in_dim3A_61 = vector.shape_cast %reduce_sum3A_60 : vector<2048xf32> to vector<2048x1xf32>
    %mul3A_62 = arith.constant -2.000000e+00 : f32
    %mul3A_63 = vector.broadcast %mul3A_62 : f32 to vector<2048x256xf32>
    %mul3A_64 = arith.mulf %get3A_57, %mul3A_63 : vector<2048x256xf32>
    %dot_general3A_65 = arith.constant dense<0.000000e+00> : vector<2048x1024xf32>
    %dot_general3A_66 = tpu.matmul %mul3A_64, %get3A_1, %dot_general3A_65 {dimension_numbers = #tpu.dot_dimension_numbers<[1], [1], [0], [0], [0, 0, 1, 0], [], []>, transpose_lhs_hint = false} : vector<2048x256xf32>, vector<1024x256xf32>, vector<2048x1024xf32> -> vector<2048x1024xf32>
    %add3A_67 = vector.broadcast %broadcast_in_dim3A_61 : vector<2048x1xf32> to vector<2048x1024xf32>
    %add3A_68 = arith.addf %add3A_67, %dot_general3A_66 : vector<2048x1024xf32>
    %add3A_69 = vector.broadcast %get3A_6 : vector<1x1024xf32> to vector<2048x1024xf32>
    %add3A_70 = arith.addf %add3A_68, %add3A_69 : vector<2048x1024xf32>
    %reduce_min3A_71 = arith.constant dense<0x7F800000> : vector<2048xf32>
    %reduce_min3A_72 = vector.multi_reduction <minimumf>, %add3A_70, %reduce_min3A_71 [1] : vector<2048x1024xf32> to vector<2048xf32>
    %broadcast_in_dim3A_73 = vector.shape_cast %reduce_min3A_72 : vector<2048xf32> to vector<2048x1xf32>
    %eq3A_74 = vector.broadcast %broadcast_in_dim3A_73 : vector<2048x1xf32> to vector<2048x1024xf32>
    %eq3A_75 = arith.cmpf oeq, %add3A_70, %eq3A_74 : vector<2048x1024xf32>
    %jit3A_76 = arith.constant 2.048000e+03 : f32
    %broadcast_in_dim3A_77 = vector.shape_cast %convert_element_type3A_7 : vector<1x1024xf32> to vector<1x1024xf32>
    %broadcast_in_dim3A_78 = vector.broadcast %broadcast_in_dim3A_77 : vector<1x1024xf32> to vector<2048x1024xf32>
    %broadcast_in_dim3A_79 = vector.broadcast %jit3A_76 : f32 to vector<2048x1024xf32>
    %select_n3A_80 = arith.select %eq3A_75, %broadcast_in_dim3A_78, %broadcast_in_dim3A_79 : vector<2048x1024xi1>, vector<2048x1024xf32>
    %reduce_min3A_81 = arith.constant dense<0x7F800000> : vector<2048xf32>
    %reduce_min3A_82 = vector.multi_reduction <minimumf>, %select_n3A_80, %reduce_min3A_81 [1] : vector<2048x1024xf32> to vector<2048xf32>
    %broadcast_in_dim3A_83 = vector.shape_cast %reduce_min3A_82 : vector<2048xf32> to vector<2048x1xf32>
    %convert_element_type3A_84 = arith.fptosi %broadcast_in_dim3A_83 : vector<2048x1xf32> to vector<2048x1xi32>
    %reshape3A_85 = vector.shape_cast %convert_element_type3A_84 : vector<2048x1xi32> to vector<16x128xi32>
    %swap3A_86 = arith.constant 0 : index
    %swap3A_87 = arith.constant 1 : index
    %swap3A_88 = arith.constant 0 : index
    %swap3A_89 = vector.load %arg4[%swap3A_86, %swap3A_87, %swap3A_88] : memref<16x4x128xi32, #tpu.memory_space<vmem>>, vector<16x1x128xi32>
    %swap3A_90 = vector.shape_cast %swap3A_89 : vector<16x1x128xi32> to vector<16x128xi32>
    %swap3A_91 = vector.shape_cast %reshape3A_85 : vector<16x128xi32> to vector<16x1x128xi32>
    tpu.vector_store %arg4[%swap3A_86, %swap3A_87, %swap3A_88], %swap3A_91 {strides = array<i32>} : memref<16x4x128xi32, #tpu.memory_space<vmem>>, vector<16x1x128xi32>,
    %eq3A_92 = vector.broadcast %convert_element_type3A_7 : vector<1x1024xf32> to vector<2048x1024xf32>
    %eq3A_93 = vector.broadcast %broadcast_in_dim3A_83 : vector<2048x1xf32> to vector<2048x1024xf32>
    %eq3A_94 = arith.cmpf oeq, %eq3A_92, %eq3A_93 : vector<2048x1024xf32>
    %convert_element_type3A_95 = arith.extui %eq3A_94 : vector<2048x1024xi1> to vector<2048x1024xi32>
    %convert_element_type3A_96 = arith.sitofp %convert_element_type3A_95 : vector<2048x1024xi32> to vector<2048x1024xf32>
    %convert_element_type3A_97 = arith.truncf %convert_element_type3A_96 : vector<2048x1024xf32> to vector<2048x1024xbf16>
    %dot_general3A_98 = arith.constant dense<0.000000e+00> : vector<1x1024xf32>
    %dot_general3A_99 = tpu.matmul %broadcast_in_dim3A_8, %convert_element_type3A_97, %dot_general3A_98 {dimension_numbers = #tpu.dot_dimension_numbers<[1], [0], [0], [1], [0, 0, 1, 1], [], []>, transpose_lhs_hint = false} : vector<1x2048xbf16>, vector<2048x1024xbf16>, vector<1x1024xf32> -> vector<1x1024xf32>
    %add3A_100 = arith.addf %add3A_47, %dot_general3A_99 : vector<1x1024xf32>
    %reduce_sum3A_101 = vector.shape_cast %broadcast_in_dim3A_73 : vector<2048x1xf32> to vector<1x2048x1xf32>
    %reduce_sum3A_102 = arith.constant dense<0.000000e+00> : vector<1xf32>
    %reduce_sum3A_103 = vector.multi_reduction <add>, %reduce_sum3A_101, %reduce_sum3A_102 [1, 2] : vector<1x2048x1xf32> to vector<1xf32>
    %reduce_sum3A_104 = vector.shape_cast %reduce_sum3A_103 : vector<1xf32> to vector<1x1x1xf32>
    %reduce_sum3A_105 = vector.extract %reduce_sum3A_104[0, 0, 0] : f32 from vector<1x1x1xf32>
    %add3A_106 = arith.addf %add3A_54, %reduce_sum3A_105 : f32
    %get3A_107 = arith.constant 0 : index
    %get3A_108 = arith.constant 512 : index
    %get3A_109 = vector.load %arg1[%get3A_107, %get3A_108] : memref<2048x1024xf32, #tpu.memory_space<vmem>>, vector<2048x256xf32>
    %mul3A_110 = arith.mulf %get3A_109, %get3A_109 : vector<2048x256xf32>
    %reduce_sum3A_111 = arith.constant dense<0.000000e+00> : vector<2048xf32>
    %reduce_sum3A_112 = vector.multi_reduction <add>, %mul3A_110, %reduce_sum3A_111 [1] : vector<2048x256xf32> to vector<2048xf32>
    %broadcast_in_dim3A_113 = vector.shape_cast %reduce_sum3A_112 : vector<2048xf32> to vector<2048x1xf32>
    %mul3A_114 = arith.constant -2.000000e+00 : f32
    %mul3A_115 = vector.broadcast %mul3A_114 : f32 to vector<2048x256xf32>
    %mul3A_116 = arith.mulf %get3A_109, %mul3A_115 : vector<2048x256xf32>
    %dot_general3A_117 = arith.constant dense<0.000000e+00> : vector<2048x1024xf32>
    %dot_general3A_118 = tpu.matmul %mul3A_116, %get3A_1, %dot_general3A_117 {dimension_numbers = #tpu.dot_dimension_numbers<[1], [1], [0], [0], [0, 0, 1, 0], [], []>, transpose_lhs_hint = false} : vector<2048x256xf32>, vector<1024x256xf32>, vector<2048x1024xf32> -> vector<2048x1024xf32>
    %add3A_119 = vector.broadcast %broadcast_in_dim3A_113 : vector<2048x1xf32> to vector<2048x1024xf32>
    %add3A_120 = arith.addf %add3A_119, %dot_general3A_118 : vector<2048x1024xf32>
    %add3A_121 = vector.broadcast %get3A_6 : vector<1x1024xf32> to vector<2048x1024xf32>
    %add3A_122 = arith.addf %add3A_120, %add3A_121 : vector<2048x1024xf32>
    %reduce_min3A_123 = arith.constant dense<0x7F800000> : vector<2048xf32>
    %reduce_min3A_124 = vector.multi_reduction <minimumf>, %add3A_122, %reduce_min3A_123 [1] : vector<2048x1024xf32> to vector<2048xf32>
    %broadcast_in_dim3A_125 = vector.shape_cast %reduce_min3A_124 : vector<2048xf32> to vector<2048x1xf32>
    %eq3A_126 = vector.broadcast %broadcast_in_dim3A_125 : vector<2048x1xf32> to vector<2048x1024xf32>
    %eq3A_127 = arith.cmpf oeq, %add3A_122, %eq3A_126 : vector<2048x1024xf32>
    %jit3A_128 = arith.constant 2.048000e+03 : f32
    %broadcast_in_dim3A_129 = vector.shape_cast %convert_element_type3A_7 : vector<1x1024xf32> to vector<1x1024xf32>
    %broadcast_in_dim3A_130 = vector.broadcast %broadcast_in_dim3A_129 : vector<1x1024xf32> to vector<2048x1024xf32>
    %broadcast_in_dim3A_131 = vector.broadcast %jit3A_128 : f32 to vector<2048x1024xf32>
    %select_n3A_132 = arith.select %eq3A_127, %broadcast_in_dim3A_130, %broadcast_in_dim3A_131 : vector<2048x1024xi1>, vector<2048x1024xf32>
    %reduce_min3A_133 = arith.constant dense<0x7F800000> : vector<2048xf32>
    %reduce_min3A_134 = vector.multi_reduction <minimumf>, %select_n3A_132, %reduce_min3A_133 [1] : vector<2048x1024xf32> to vector<2048xf32>
    %broadcast_in_dim3A_135 = vector.shape_cast %reduce_min3A_134 : vector<2048xf32> to vector<2048x1xf32>
    %convert_element_type3A_136 = arith.fptosi %broadcast_in_dim3A_135 : vector<2048x1xf32> to vector<2048x1xi32>
    %reshape3A_137 = vector.shape_cast %convert_element_type3A_136 : vector<2048x1xi32> to vector<16x128xi32>
    %swap3A_138 = arith.constant 0 : index
    %swap3A_139 = arith.constant 2 : index
    %swap3A_140 = arith.constant 0 : index
    %swap3A_141 = vector.load %arg4[%swap3A_138, %swap3A_139, %swap3A_140] : memref<16x4x128xi32, #tpu.memory_space<vmem>>, vector<16x1x128xi32>
    %swap3A_142 = vector.shape_cast %swap3A_141 : vector<16x1x128xi32> to vector<16x128xi32>
    %swap3A_143 = vector.shape_cast %reshape3A_137 : vector<16x128xi32> to vector<16x1x128xi32>
    tpu.vector_store %arg4[%swap3A_138, %swap3A_139, %swap3A_140], %swap3A_143 {strides = array<i32>} : memref<16x4x128xi32, #tpu.memory_space<vmem>>, vector<16x1x128xi32>,
    %eq3A_144 = vector.broadcast %convert_element_type3A_7 : vector<1x1024xf32> to vector<2048x1024xf32>
    %eq3A_145 = vector.broadcast %broadcast_in_dim3A_135 : vector<2048x1xf32> to vector<2048x1024xf32>
    %eq3A_146 = arith.cmpf oeq, %eq3A_144, %eq3A_145 : vector<2048x1024xf32>
    %convert_element_type3A_147 = arith.extui %eq3A_146 : vector<2048x1024xi1> to vector<2048x1024xi32>
    %convert_element_type3A_148 = arith.sitofp %convert_element_type3A_147 : vector<2048x1024xi32> to vector<2048x1024xf32>
    %convert_element_type3A_149 = arith.truncf %convert_element_type3A_148 : vector<2048x1024xf32> to vector<2048x1024xbf16>
    %dot_general3A_150 = arith.constant dense<0.000000e+00> : vector<1x1024xf32>
    %dot_general3A_151 = tpu.matmul %broadcast_in_dim3A_8, %convert_element_type3A_149, %dot_general3A_150 {dimension_numbers = #tpu.dot_dimension_numbers<[1], [0], [0], [1], [0, 0, 1, 1], [], []>, transpose_lhs_hint = false} : vector<1x2048xbf16>, vector<2048x1024xbf16>, vector<1x1024xf32> -> vector<1x1024xf32>
    %add3A_152 = arith.addf %add3A_100, %dot_general3A_151 : vector<1x1024xf32>
    %reduce_sum3A_153 = vector.shape_cast %broadcast_in_dim3A_125 : vector<2048x1xf32> to vector<1x2048x1xf32>
    %reduce_sum3A_154 = arith.constant dense<0.000000e+00> : vector<1xf32>
    %reduce_sum3A_155 = vector.multi_reduction <add>, %reduce_sum3A_153, %reduce_sum3A_154 [1, 2] : vector<1x2048x1xf32> to vector<1xf32>
    %reduce_sum3A_156 = vector.shape_cast %reduce_sum3A_155 : vector<1xf32> to vector<1x1x1xf32>
    %reduce_sum3A_157 = vector.extract %reduce_sum3A_156[0, 0, 0] : f32 from vector<1x1x1xf32>
    %add3A_158 = arith.addf %add3A_106, %reduce_sum3A_157 : f32
    %get3A_159 = arith.constant 0 : index
    %get3A_160 = arith.constant 768 : index
    %get3A_161 = vector.load %arg1[%get3A_159, %get3A_160] : memref<2048x1024xf32, #tpu.memory_space<vmem>>, vector<2048x256xf32>
    %mul3A_162 = arith.mulf %get3A_161, %get3A_161 : vector<2048x256xf32>
    %reduce_sum3A_163 = arith.constant dense<0.000000e+00> : vector<2048xf32>
    %reduce_sum3A_164 = vector.multi_reduction <add>, %mul3A_162, %reduce_sum3A_163 [1] : vector<2048x256xf32> to vector<2048xf32>
    %broadcast_in_dim3A_165 = vector.shape_cast %reduce_sum3A_164 : vector<2048xf32> to vector<2048x1xf32>
    %mul3A_166 = arith.constant -2.000000e+00 : f32
    %mul3A_167 = vector.broadcast %mul3A_166 : f32 to vector<2048x256xf32>
    %mul3A_168 = arith.mulf %get3A_161, %mul3A_167 : vector<2048x256xf32>
    %dot_general3A_169 = arith.constant dense<0.000000e+00> : vector<2048x1024xf32>
    %dot_general3A_170 = tpu.matmul %mul3A_168, %get3A_1, %dot_general3A_169 {dimension_numbers = #tpu.dot_dimension_numbers<[1], [1], [0], [0], [0, 0, 1, 0], [], []>, transpose_lhs_hint = false} : vector<2048x256xf32>, vector<1024x256xf32>, vector<2048x1024xf32> -> vector<2048x1024xf32>
    %add3A_171 = vector.broadcast %broadcast_in_dim3A_165 : vector<2048x1xf32> to vector<2048x1024xf32>
    %add3A_172 = arith.addf %add3A_171, %dot_general3A_170 : vector<2048x1024xf32>
    %add3A_173 = vector.broadcast %get3A_6 : vector<1x1024xf32> to vector<2048x1024xf32>
    %add3A_174 = arith.addf %add3A_172, %add3A_173 : vector<2048x1024xf32>
    %reduce_min3A_175 = arith.constant dense<0x7F800000> : vector<2048xf32>
    %reduce_min3A_176 = vector.multi_reduction <minimumf>, %add3A_174, %reduce_min3A_175 [1] : vector<2048x1024xf32> to vector<2048xf32>
    %broadcast_in_dim3A_177 = vector.shape_cast %reduce_min3A_176 : vector<2048xf32> to vector<2048x1xf32>
    %eq3A_178 = vector.broadcast %broadcast_in_dim3A_177 : vector<2048x1xf32> to vector<2048x1024xf32>
    %eq3A_179 = arith.cmpf oeq, %add3A_174, %eq3A_178 : vector<2048x1024xf32>
    %jit3A_180 = arith.constant 2.048000e+03 : f32
    %broadcast_in_dim3A_181 = vector.shape_cast %convert_element_type3A_7 : vector<1x1024xf32> to vector<1x1024xf32>
    %broadcast_in_dim3A_182 = vector.broadcast %broadcast_in_dim3A_181 : vector<1x1024xf32> to vector<2048x1024xf32>
    %broadcast_in_dim3A_183 = vector.broadcast %jit3A_180 : f32 to vector<2048x1024xf32>
    %select_n3A_184 = arith.select %eq3A_179, %broadcast_in_dim3A_182, %broadcast_in_dim3A_183 : vector<2048x1024xi1>, vector<2048x1024xf32>
    %reduce_min3A_185 = arith.constant dense<0x7F800000> : vector<2048xf32>
    %reduce_min3A_186 = vector.multi_reduction <minimumf>, %select_n3A_184, %reduce_min3A_185 [1] : vector<2048x1024xf32> to vector<2048xf32>
    %broadcast_in_dim3A_187 = vector.shape_cast %reduce_min3A_186 : vector<2048xf32> to vector<2048x1xf32>
    %convert_element_type3A_188 = arith.fptosi %broadcast_in_dim3A_187 : vector<2048x1xf32> to vector<2048x1xi32>
    %reshape3A_189 = vector.shape_cast %convert_element_type3A_188 : vector<2048x1xi32> to vector<16x128xi32>
    %swap3A_190 = arith.constant 0 : index
    %swap3A_191 = arith.constant 3 : index
    %swap3A_192 = arith.constant 0 : index
    %swap3A_193 = vector.load %arg4[%swap3A_190, %swap3A_191, %swap3A_192] : memref<16x4x128xi32, #tpu.memory_space<vmem>>, vector<16x1x128xi32>
    %swap3A_194 = vector.shape_cast %swap3A_193 : vector<16x1x128xi32> to vector<16x128xi32>
    %swap3A_195 = vector.shape_cast %reshape3A_189 : vector<16x128xi32> to vector<16x1x128xi32>
    tpu.vector_store %arg4[%swap3A_190, %swap3A_191, %swap3A_192], %swap3A_195 {strides = array<i32>} : memref<16x4x128xi32, #tpu.memory_space<vmem>>, vector<16x1x128xi32>,
    %eq3A_196 = vector.broadcast %convert_element_type3A_7 : vector<1x1024xf32> to vector<2048x1024xf32>
    %eq3A_197 = vector.broadcast %broadcast_in_dim3A_187 : vector<2048x1xf32> to vector<2048x1024xf32>
    %eq3A_198 = arith.cmpf oeq, %eq3A_196, %eq3A_197 : vector<2048x1024xf32>
    %convert_element_type3A_199 = arith.extui %eq3A_198 : vector<2048x1024xi1> to vector<2048x1024xi32>
    %convert_element_type3A_200 = arith.sitofp %convert_element_type3A_199 : vector<2048x1024xi32> to vector<2048x1024xf32>
    %convert_element_type3A_201 = arith.truncf %convert_element_type3A_200 : vector<2048x1024xf32> to vector<2048x1024xbf16>
    %dot_general3A_202 = arith.constant dense<0.000000e+00> : vector<1x1024xf32>
    %dot_general3A_203 = tpu.matmul %broadcast_in_dim3A_8, %convert_element_type3A_201, %dot_general3A_202 {dimension_numbers = #tpu.dot_dimension_numbers<[1], [0], [0], [1], [0, 0, 1, 1], [], []>, transpose_lhs_hint = false} : vector<1x2048xbf16>, vector<2048x1024xbf16>, vector<1x1024xf32> -> vector<1x1024xf32>
    %add3A_204 = arith.addf %add3A_152, %dot_general3A_203 : vector<1x1024xf32>
    %reduce_sum3A_205 = vector.shape_cast %broadcast_in_dim3A_177 : vector<2048x1xf32> to vector<1x2048x1xf32>
    %reduce_sum3A_206 = arith.constant dense<0.000000e+00> : vector<1xf32>
    %reduce_sum3A_207 = vector.multi_reduction <add>, %reduce_sum3A_205, %reduce_sum3A_206 [1, 2] : vector<1x2048x1xf32> to vector<1xf32>
    %reduce_sum3A_208 = vector.shape_cast %reduce_sum3A_207 : vector<1xf32> to vector<1x1x1xf32>
    %reduce_sum3A_209 = vector.extract %reduce_sum3A_208[0, 0, 0] : f32 from vector<1x1x1xf32>
    %add3A_210 = arith.addf %add3A_158, %reduce_sum3A_209 : f32
    %concatenate3A = tpu.concatenate %convert_element_type3A_33, %convert_element_type3A_84, %convert_element_type3A_136, %convert_element_type3A_188 in 1 : vector<2048x1xi32>, vector<2048x1xi32>, vector<2048x1xi32>, vector<2048x1xi32> -> vector<2048x4xi32>
    %swap3A_211 = arith.constant 0 : index
    %swap3A_212 = arith.constant 0 : index
    %swap3A_213 = vector.load %arg3[%swap3A_211, %swap3A_212] : memref<2048x4xi32, #tpu.memory_space<vmem>>, vector<2048x4xi32>
    tpu.vector_store %arg3[%swap3A_211, %swap3A_212], %concatenate3A {strides = array<i32>} : memref<2048x4xi32, #tpu.memory_space<vmem>>, vector<2048x4xi32>,
    %eq3A_214 = arith.constant 0 : i32
    %eq3A_215 = arith.cmpi eq, %arg0, %eq3A_214 : i32
    %convert_element_type3A_216 = arith.extui %eq3A_215 : i1 to i32
    %cond3A_217 = arith.constant 0 : i32
    %cond3A_218 = arith.cmpi ne, %convert_element_type3A_216, %cond3A_217 : i32
    scf.if %cond3A_218 {
      %swap3A_228 = arith.constant 0 : index
      %swap3A_229 = arith.constant 0 : index
      %swap3A_230 = vector.load %arg7[%swap3A_228, %swap3A_229] : memref<1x1024xf32, #tpu.memory_space<vmem>>, vector<1x1024xf32>
      tpu.vector_store %arg7[%swap3A_228, %swap3A_229], %add3A_204 {strides = array<i32>} : memref<1x1024xf32, #tpu.memory_space<vmem>>, vector<1x1024xf32>,
      %swap3A_231 = arith.constant 0 : index
      %swap3A_232 = memref.load %arg8[%swap3A_231] : memref<1xf32, #tpu.memory_space<smem>>
      memref.store %add3A_210, %arg8[%swap3A_231] : memref<1xf32, #tpu.memory_space<smem>>
    } else {
    }
    %gt3A = arith.constant 0 : i32
    %gt3A_219 = arith.cmpi sgt, %arg0, %gt3A : i32
    %convert_element_type3A_220 = arith.extui %gt3A_219 : i1 to i32
    %cond3A_221 = arith.constant 0 : i32
    %cond3A_222 = arith.cmpi ne, %convert_element_type3A_220, %cond3A_221 : i32
    scf.if %cond3A_222 {
      %get3A_228 = arith.constant 0 : index
      %get3A_229 = arith.constant 0 : index
      %get3A_230 = vector.load %arg7[%get3A_228, %get3A_229] : memref<1x1024xf32, #tpu.memory_space<vmem>>, vector<1x1024xf32>
      %add3A_231 = arith.addf %get3A_230, %add3A_204 : vector<1x1024xf32>
      %swap3A_232 = arith.constant 0 : index
      %swap3A_233 = arith.constant 0 : index
      %swap3A_234 = vector.load %arg7[%swap3A_232, %swap3A_233] : memref<1x1024xf32, #tpu.memory_space<vmem>>, vector<1x1024xf32>
      tpu.vector_store %arg7[%swap3A_232, %swap3A_233], %add3A_231 {strides = array<i32>} : memref<1x1024xf32, #tpu.memory_space<vmem>>, vector<1x1024xf32>,
      %get3A_235 = arith.constant 0 : index
      %get3A_236 = memref.load %arg8[%get3A_235] : memref<1xf32, #tpu.memory_space<smem>>
      %add3A_237 = arith.addf %get3A_236, %add3A_210 : f32
      %swap3A_238 = arith.constant 0 : index
      %swap3A_239 = memref.load %arg8[%swap3A_238] : memref<1xf32, #tpu.memory_space<smem>>
      memref.store %add3A_237, %arg8[%swap3A_238] : memref<1xf32, #tpu.memory_space<smem>>
    } else {
    }
    %eq3A_223 = arith.constant 3 : i32
    %eq3A_224 = arith.cmpi eq, %arg0, %eq3A_223 : i32
    %convert_element_type3A_225 = arith.extui %eq3A_224 : i1 to i32
    %cond3A_226 = arith.constant 0 : i32
    %cond3A_227 = arith.cmpi ne, %convert_element_type3A_225, %cond3A_226 : i32
    scf.if %cond3A_227 {
      %get3A_228 = arith.constant 0 : index
      %get3A_229 = arith.constant 0 : index
      %get3A_230 = vector.load %arg7[%get3A_228, %get3A_229] : memref<1x1024xf32, #tpu.memory_space<vmem>>, vector<1x1024xf32>
      %div3A = arith.constant 3.276800e+04 : f32
      %div3A_231 = vector.broadcast %div3A : f32 to vector<1x1024xf32>
      %div3A_232 = arith.divf %get3A_230, %div3A_231 : vector<1x1024xf32>
      %add3A_233 = arith.constant 1.000000e-10 : f32
      %add3A_234 = vector.broadcast %add3A_233 : f32 to vector<1x1024xf32>
      %add3A_235 = arith.addf %div3A_232, %add3A_234 : vector<1x1024xf32>
      %log3A = math.log %add3A_235 : vector<1x1024xf32>
      %mul3A_236 = arith.mulf %div3A_232, %log3A : vector<1x1024xf32>
      %reduce_sum3A_237 = arith.constant dense<0.000000e+00> : vector<1xf32>
      %reduce_sum3A_238 = vector.multi_reduction <add>, %mul3A_236, %reduce_sum3A_237 [1] : vector<1x1024xf32> to vector<1xf32>
      %broadcast_in_dim3A_239 = vector.shape_cast %reduce_sum3A_238 : vector<1xf32> to vector<1x1xf32>
      %neg3A = arith.constant 0.000000e+00 : f32
      %neg3A_240 = vector.broadcast %neg3A : f32 to vector<1x1xf32>
      %neg3A_241 = arith.subf %neg3A_240, %broadcast_in_dim3A_239 : vector<1x1xf32>
      %exp3A = math.exp %neg3A_241 : vector<1x1xf32>
      %swap3A_242 = arith.constant 0 : index
      %swap3A_243 = arith.constant 0 : index
      %swap3A_244 = vector.load %arg6[%swap3A_242, %swap3A_243] : memref<1x1xf32, #tpu.memory_space<vmem>>, vector<1x1xf32>
      tpu.vector_store %arg6[%swap3A_242, %swap3A_243], %exp3A {strides = array<i32>} : memref<1x1xf32, #tpu.memory_space<vmem>>, vector<1x1xf32>,
      %get3A_245 = arith.constant 0 : index
      %get3A_246 = memref.load %arg8[%get3A_245] : memref<1xf32, #tpu.memory_space<smem>>
      %broadcast_in_dim3A_247 = vector.broadcast %get3A_246 : f32 to vector<1x1xf32>
      %swap3A_248 = arith.constant 0 : index
      %swap3A_249 = arith.constant 0 : index
      %swap3A_250 = vector.load %arg5[%swap3A_248, %swap3A_249] : memref<1x1xf32, #tpu.memory_space<vmem>>, vector<1x1xf32>
      tpu.vector_store %arg5[%swap3A_248, %swap3A_249], %broadcast_in_dim3A_247 {strides = array<i32>} : memref<1x1xf32, #tpu.memory_space<vmem>>, vector<1x1xf32>,
    } else {
    }
    return
  }
  func.func @transform_0(%arg0: i32) -> (i32, i32) {
    %c0_i32 = arith.constant 0 : i32
    %c0_i32_0 = arith.constant 0 : i32
    return %arg0, %c0_i32 : i32, i32
  }
  func.func @transform_1(%arg0: i32) -> (i32, i32) {
    %c0_i32 = arith.constant 0 : i32
    %c0_i32_0 = arith.constant 0 : i32
    %c0_i32_1 = arith.constant 0 : i32
    return %c0_i32, %c0_i32_0 : i32, i32
  }
  func.func @transform_2(%arg0: i32) -> (i32, i32) {
    %c0_i32 = arith.constant 0 : i32
    %c0_i32_0 = arith.constant 0 : i32
    return %arg0, %c0_i32 : i32, i32
  }
  func.func @transform_3(%arg0: i32) -> (i32, i32, i32) {
    %c0_i32 = arith.constant 0 : i32
    %c0_i32_0 = arith.constant 0 : i32
    %c0_i32_1 = arith.constant 0 : i32
    return %arg0, %c0_i32, %c0_i32_0 : i32, i32, i32
  }
  func.func @transform_4(%arg0: i32) -> (i32, i32) {
    %c0_i32 = arith.constant 0 : i32
    %c0_i32_0 = arith.constant 0 : i32
    %c0_i32_1 = arith.constant 0 : i32
    return %c0_i32, %c0_i32_0 : i32, i32
  }
  func.func @transform_5(%arg0: i32) -> (i32, i32) {
    %c0_i32 = arith.constant 0 : i32
    %c0_i32_0 = arith.constant 0 : i32
    %c0_i32_1 = arith.constant 0 : i32
    return %c0_i32, %c0_i32_0 : i32, i32
  }
}

</mosaic_0001>

<sc_bundles>
// kernel: kernel.4.cloned.1.call-start
scs
__scs_entry_jumppad:
0x0: {  	(pc) =	sbr.rel $0x88, $3  }
0x1: {  	(tag) =	ssettag $0x0;
	lr =	simm.s32 $0x1  }
0x2: {  	[smem:$0x3F9F] =	sst lr;
	_ =	strace $0xD0000000  }
0x3: {  	_ = 	snop  }
0x4: {  	_ = 	snop  }
0x5: {  	_ = 	snop  }
0x6: {  	_ = 	snop  }
0x7: {  	_ = 	snop  }
__scs_overlays_trampoline_lowered:
0x8: {  	[smem:$0x3FAE] =	sst s0  }
0x9: {  	[smem:$0x3FAF] =	sst s1  }
0xa: {  	[smem:$0x3FB0] =	sst s2  }
0xb: {  	[smem:$0x3FB1] =	sst s3  }
0xc: {  	[smem:$0x3FB2] =	sst s4  }
0xd: {  	[smem:$0x3FB3] =	sst s5  }
0xe: {  	[smem:$0x3FB4] =	sst s6  }
0xf: {  	[smem:$0x3FB5] =	sst s7  }
0x10: {  	[smem:$0x3FB6] =	sst s8  }
0x11: {  	[smem:$0x3FB7] =	sst s9;
	s0 =	simm.s32 @!p0 $0x0  }
0x12: {  	s1 =	sld [smem:$0x3F9D];
	s0 =	simm.s32 @p0 $0x1  }
0x13: {  	[smem:$0x3FB8] =	sst s0;
	s0 =	simm.s32 @!p1 $0x0  }
0x14: {  	s2 =	sld [smem:$0x3F9C];
	s0 =	simm.s32 @p1 $0x1  }
0x15: {  	[smem:$0x3FB9] =	sst s0;
	s0 =	simm.s32 @!p2 $0x0  }
0x16: {  	s3 =	sld [smem:$0x3FDB];
	s0 =	simm.s32 @p2 $0x1  }
0x17: {  	s4 =	simm.s32 $0x1BF5;
	[smem:$0x3FBB] =	sst s0  }
0x18: {  	s0 =	sld [smem:$0x3F9E];
	_ =	swait.ge [sflag:s4], $0x0  }
0x19: {  	s7 =	sld [smem:$0x3F9F]  }
0x1a: {  	s8 =	sadd.s32 $0xFFFFE003, lr  }
0x1b: {  	s9 =	sadd.s32 $0xFFFFFEF7, lr;
	s5 =	simm.s32 $0xFFFFFFFF;
	p2 =	slt.u32 s8, $0xFFFFF086  }
0x1c: {  	p1 =	slt.u32 s9, $0xF7A;
	s5 =	simm.s32 @!p2 $0x0  }
0x1d: {  	s5 =	simm.s32 @p1 $0x1;
	p0 =	seq.s32 s7, s2  }
0x1e: {  	s7 =	smul.u32 @!p0 $0xF7A, s2;
	p2 =	seq.s32 @!p0 s5, $0x0  }
0x1f: {  	s9 =	smul.u32 $0xF7A, s1;
	s8 =	simm.s32 @!p0 $0x1BF5;
	p2 =	por !p2, p0  }
0x20: {  	[sflag:s8] =	ssyncset.s32 @!p0 $0xFFFFF086;
	s6 =	sadd.s32 @!p0 s3, s7;
	s7 =	simm.s32 @!p0 $0x108  }
0x21: {  	s3 =	sadd.s32 s3, s9;
	s6 =	sadd.s32 @!p0 $0x88, s6;
	s7 =	simm.s32 @p2 $0x1082  }
0x22: {  	[simem:s7], [sflag:s8] =	dma.local @!p0 [hbm:s6], $0xF7A  }
0x23: {  	s9 =	sor.u32 $0xD0000000, s2;
	s6 =	simm.s32 $0x108;
	_ =	swait.ge @!p0 [sflag:s8], $0x0  }
0x24: {  	s3 =	sadd.s32 $0x88, s3;
	s6 =	simm.s32 @!p1 $0x1082;
	[sflag:s4] =	ssyncset.s32 $0xFFFFF086  }
0x25: {  	[simem:s6], [sflag:s4] =	dma.local [hbm:s3], $0xF7A  }
0x26: {  	[smem:$0x3F9F] =	sst s1;
	(tag) =	ssettag s2;
	_ =	strace s9  }
0x27: {  	s1 =	sld [smem:$0x3FAF]  }
0x28: {  	s2 =	sld [smem:$0x3FB0]  }
0x29: {  	s4 =	sld [smem:$0x3FB2]  }
0x2a: {  	p0 =	seq.s32 s5, $0x0;
	s5 =	sld [smem:$0x3FB3]  }
0x2b: {  	s6 =	sld [smem:$0x3FB4]  }
0x2c: {  	s7 =	sld [smem:$0x3FB5]  }
0x2d: {  	s3 =	simm.s32 $0x108;
	s8 =	sld [smem:$0x3FB6]  }
0x2e: {  	s3 =	simm.s32 @!p0 $0x1082;
	s9 =	sld [smem:$0x3FB7]  }
0x2f: {  	lr =	sadd.s32 s0, s3;
	s0 =	sld [smem:$0x3FAE]  }
0x30: {  	s3 =	sld [smem:$0x3FB1]  }
0x31: {  	[smem:$0x3FBA] =	sst s10  }
0x32: {  	s10 =	sld [smem:$0x3FB8];
	_ =	sdelay $0x3  }
0x33: {  	p0 =	seq.s32 s10, $0x1;
	s10 =	sld [smem:$0x3FBA];
	_ =	sdelay $0x3  }
0x34: {  	[smem:$0x3FBA] =	sst s10  }
0x35: {  	s10 =	sld [smem:$0x3FB9];
	_ =	sdelay $0x3  }
0x36: {  	p1 =	seq.s32 s10, $0x1;
	s10 =	sld [smem:$0x3FBA];
	_ =	sdelay $0x3  }
0x37: {  	[smem:$0x3FBA] =	sst s10  }
0x38: {  	s10 =	sld [smem:$0x3FBB]  }
0x39: {  	_ = 	snop;
	(pc) =	sbr.ind lr, $3  }
0x3a: {  	_ = 	snop  }
0x3b: {  	_ = 	snop  }
0x3c: {  	p2 =	seq.s32 s10, $0x1;
	s10 =	sld [smem:$0x3FBA]  }
0x3d: {  	_ =	shalt  }
0x3e: {  	_ =	shalt  }
0x3f: {  	_ =	shalt  }
0x40: {  	_ =	shalt  }
0x41: {  	_ =	shalt  }
0x42: {  	_ =	shalt  }
0x43: {  	_ =	shalt  }
0x44: {  	_ =	shalt  }
0x45: {  	_ =	shalt  }
0x46: {  	_ =	shalt  }
0x47: {  	_ =	shalt  }
0x48: {  	_ =	shalt  }
0x49: {  	_ =	shalt  }
0x4a: {  	_ =	shalt  }
0x4b: {  	_ =	shalt  }
0x4c: {  	_ =	shalt  }
0x4d: {  	_ =	shalt  }
0x4e: {  	_ =	shalt  }
0x4f: {  	_ =	shalt  }
0x50: {  	_ =	shalt  }
0x51: {  	_ =	shalt  }
0x52: {  	_ =	shalt  }
0x53: {  	_ =	shalt  }
0x54: {  	_ =	shalt  }
0x55: {  	_ =	shalt  }
0x56: {  	_ =	shalt  }
0x57: {  	_ =	shalt  }
0x58: {  	_ =	shalt  }
0x59: {  	_ =	shalt  }
0x5a: {  	_ =	shalt  }
0x5b: {  	_ =	shalt  }
0x5c: {  	_ =	shalt  }
0x5d: {  	_ =	shalt  }
0x5e: {  	_ =	shalt  }
0x5f: {  	_ =	shalt  }
0x60: {  	_ =	shalt  }
0x61: {  	_ =	shalt  }
0x62: {  	_ =	shalt  }
0x63: {  	_ =	shalt  }
0x64: {  	_ =	shalt  }
0x65: {  	_ =	shalt  }
0x66: {  	_ =	shalt  }
0x67: {  	_ =	shalt  }
0x68: {  	_ =	shalt  }
0x69: {  	_ =	shalt  }
0x6a: {  	_ =	shalt  }
0x6b: {  	_ =	shalt  }
0x6c: {  	_ =	shalt  }
0x6d: {  	_ =	shalt  }
0x6e: {  	_ =	shalt  }
0x6f: {  	_ =	shalt  }
0x70: {  	_ =	shalt  }
0x71: {  	_ =	shalt  }
0x72: {  	_ =	shalt  }
0x73: {  	_ =	shalt  }
0x74: {  	_ =	shalt  }
0x75: {  	_ =	shalt  }
0x76: {  	_ =	shalt  }
0x77: {  	_ =	shalt  }
0x78: {  	_ =	shalt  }
0x79: {  	_ =	shalt  }
0x7a: {  	_ =	shalt  }
0x7b: {  	_ =	shalt  }
0x7c: {  	_ =	shalt  }
0x7d: {  	_ =	shalt  }
0x7e: {  	_ =	shalt  }
0x7f: {  	_ =	shalt  }
0x80: {  	_ =	shalt  }
0x81: {  	_ =	shalt  }
0x82: {  	_ =	shalt  }
0x83: {  	_ =	shalt  }
0x84: {  	_ =	shalt  }
0x85: {  	_ =	shalt  }
0x86: {  	_ =	shalt  }
0x87: {  	_ =	shalt  }
.Lfunc_end0:
.L_simem_size_0:
called_computation_lowered:
.L_overlay_start_0:
0x88: {  	s2 =	sld [smem:$0x3FD9]  }
0x89: {  	s3 =	sld [smem:$0x3FFE];
	_ =	sdelay $0x1  }
0x8a: {  	s1 =	srdreg.scid  }
0x8b: {  	s0 =	sand.u32 $0x1, s1  }
0x8c: {  	s14 =	sshll.u32 s0, $0xA;
	s2 =	sadd.s32 s3, s2  }
0x8d: {  	s2 =	sadd.s32 s2, s14  }
0x8e: {  	[smem:$0x3FC6] =	sst s2  }
0x8f: {  	_ = 	snop  }
0x90: {  	s2 =	sld [smem:$0x3FD0];
	_ =	sdelay $0x2  }
0x91: {  	s4 =	simm.s32 $0xA;
	s5 =	simm.s32 $0x10;
	s15 =	sld [smem:$0x3FC8]  }
0x92: {  	[smem:s5], [sflag:s4] =	dma.local [hbm:s2], $0x1  }
0x93: {  	_ =	swait.eq [sflag:s4], $0x1  }
0x94: {  	[sflag:s4] =	ssyncset.done $0x0  }
0x95: {  	[sflag:s4] =	ssyncadd.s32 $0xFFFFFFFF  }
0x96: {  	s16 =	sld [smem:$0x10];
	(tm) =	ssettm $0x1  }
0x97: {  	s17 =	sld [smem:$0x3FFB];
	_ =	sdelay $0x3  }
0x98: {  	_ =	strace s17  }
0x99: {  	s4 =	sld [smem:$0x3FFC];
	_ =	sdelay $0x3  }
0x9a: {  	_ =	strace s4  }
0x9b: {  	s4 =	sld [smem:$0x3FFD];
	_ =	sdelay $0x3  }
0x9c: {  	_ =	strace s4  }
0x9d: {  	_ =	strace $0x8FFFFFFF  }
0x9e: {  	s18 =	sld [smem:$0x3FDB];
	_ =	sdelay $0x1  }
0x9f: {  	s19 =	simm.s32 $_scs_section_size  }
0xa0: {  	s6 =	simm.s32 $_size__tile_overlayer_lowered;
	s7 =	simm.s32 $_tile_overlayer_lowered  }
0xa1: {  	s22 =	simm.s32 $0x1BFF;
	s21 =	sshll.u32 s7, $0x1;
	s4 =	sadd.s32 s19, s18  }
0xa2: {  	s8 =	simm.s32 $0x0;
	s20 =	sshll.u32 s6, $0x1;
	s6 =	sadd.s32 s21, s4  }
0xa3: {  	[timem:s8], [sflag:s22] =	dma.local [hbm:s6], s20  }
0xa4: {  	_ =	swait.ge [sflag:s22], s20  }
0xa5: {  	s5 =	ssub.s32 $0x0, s20;
	[sflag:s22] =	ssyncset.done $0x0  }
0xa6: {  	[sflag:s22] =	ssyncadd.s32 s5;
	_ =	sdelay $0x1  }
0xa7: {  	s23 =	simm.s32 $0x1B8B  }
0xa8: {  	_ =	swait.ge [sflag:s23], $0x1  }
0xa9: {  	[sflag:s23] =	ssyncset.done $0x0  }
0xaa: {  	s25 =	simm.s32 $0x1B8E;
	s24 =	sld [smem:$0x3FFE];
	[sflag:s23] =	ssyncadd.s32 $0xFFFFFFFF  }
0xab: {  	s26 =	simm.s32 $execute0_lowered;
	[smem:$0x3FD2] =	sst s25  }
0xac: {  	s6 =	sshll.u32 s26, $0x1;
	_ =	strace $0x80000046;
	[dreg:$0x1] =	wrdreg $0xFFFFFFFF  }
0xad: {  	s28 =	simm.s32 $_size_execute0_lowered;
	s4 =	sadd.s32 s4, s6;
	[dreg:$0x0] =	wrdreg $0x0  }
0xae: {  	s6 =	sshll.u32 s28, $0x1;
	[dreg:$0x2] =	wrdreg s4  }
0xaf: {  	[dreg:$0x3] =	wrdreg s6  }
0xb0: {  	[dreg:$0x4] =	wrdreg $0xC0  }
0xb1: {  	_ =	task [dreg:s8], $0x5FFFF  }
0xb2: {  	[dreg:$0x1] =	wrdreg $0xFFFFFFFF  }
0xb3: {  	[dreg:$0x0] =	wrdreg $0x60  }
0xb4: {  	[dreg:$0x2] =	wrdreg s24  }
0xb5: {  	[dreg:$0x3] =	wrdreg s15  }
0xb6: {  	[dreg:$0x4] =	wrdreg s16  }
0xb7: {  	[dreg:$0x5] =	wrdreg $0x9  }
0xb8: {  	_ =	task.clear_ibuf [dreg:s8], $0x6FFFF;
	_ =	strace $0x90000046  }
0xb9: {  	s29 =	simm.s32 $0x9;
	_ =	strace $0x80000048  }
0xba: {  	_ =	swait.ge [sflag:s29], $0x1  }
0xbb: {  	[sflag:s29] =	ssyncadd.s32 $0xFFFFFFFF  }
0xbc: {  	_ =	strace $0x90000048  }
0xbd: {  	_ =	sfence  }
0xbe: {  	s30 =	sld [smem:$0x0];
	_ =	sdelay $0x2  }
0xbf: {  	s31 =	sshll.u32 s1, $0xD;
	s1 =	sshrl.u32 s1, $0x2  }
0xc0: {  	s3 =	sand.u32 $0x4000, s31;
	s1 =	sadd.s32 s1, s30  }
0xc1: {  	s0 =	sor.u32 s3, s0;
	s1 =	sshll.u32 s1, $0x11  }
0xc2: {  	s0 =	sor.u32 s1, s0  }
0xc3: {  	s0 =	sadd.s32 $0x8F2B, s0  }
0xc4: {  	[sflag:s0] =	ssyncadd.remote.s32 $0x1  }
0xc5: {  	_ =	sfence.sel $0xFFFF  }
0xc6: {  	[dreg:$0x0] =	wrdreg $0xFFFFFFFF;
	(pc) =	sbr.abs _section_cstart, $3  }
0xc7: {  	[dreg:$0x1] =	wrdreg $0xFFFFFFFF  }
0xc8: {  	_ =	task.clear_ibuf [dreg:s8], $0x2FFFF;
	_ =	strace $0x9FFFFFFF  }
0xc9: {  	(tm) =	ssettm $0x7FFFFFFF  }
tec
execute0_lowered:
.L_overlay_start_1:
0x0: {  	(tag) =	ssettag $0x1  }
0x1: {  	s0 =	rddreg [dreg:$0x0]  }
0x2: {  	s1 =	srdreg.scid;
	s3 =	stileid.u32  }
0x3: {  	s2 =	rddreg [dreg:$0x1];
	s1 =	sand.u32 $0x1, s1;
	s3 =	sshll.u32 s3, $0x1  }
0x4: {  	s4 =	rddreg [dreg:$0x2];
	s22 =	simm.s32 $0x400;
	s5 =	sor.u32 s1, s3  }
0x5: {  	s3 =	simm.s32 $0x0;
	s6 =	sshll.u32 s5, $0x7;
	s5 =	sshll.u32 s5, $0xF  }
0x6: {  	[smem:$0x7FF] =	sst s3;
	s0 =	sadd.s32 s6, s0;
	s5 =	sadd.s32 s4, s5  }
0x7: {  	_ =	strace $0x80000047;
	s0 =	sadd.s32 $0xA00, s0;
	[dreg:$0xc] =	wrdreg s5  }
0x8: {  	s12 =	simm.s32 $0x1;
	s23 =	sadd.s32 $0x1000, s5;
	[dreg:$0x4] =	wrdreg s0  }
0x9: {  	s13 =	simm.s32 $0x3;
	s24 =	sadd.s32 $0x2000, s5;
	[dreg:$0x5] =	wrdreg s23  }
0xa: {  	s14 =	simm.s32 $0x2;
	s25 =	sadd.s32 $0x3000, s5;
	[dreg:$0x6] =	wrdreg s24  }
0xb: {  	s15 =	simm.s32 $0x4;
	s26 =	sadd.s32 $0x4000, s5;
	[dreg:$0x7] =	wrdreg s25  }
0xc: {  	s1 =	ssub.s32 $0x2, s1;
	s28 =	sadd.s32 $0x5000, s5;
	[dreg:$0x8] =	wrdreg s26  }
0xd: {  	v2 =	vlaneseq.u32;
	s29 =	sshrl.u32 s1, $0x1;
	s30 =	sadd.s32 $0x6000, s5;
	[dreg:$0x9] =	wrdreg s28  }
0xe: {  	vm0 =	vmmov $0xffff;
	v1 =	vshrl.u32 v2, $0x3;
	s1 =	ssub.s32 s1, s29;
	s31 =	sadd.s32 $0x7000, s5;
	[dreg:$0xa] =	wrdreg s30  }
0xf: {  	v0 =	vand.u32 $0x7, v2;
	v2 =	vor.u32 $0x8, v2;
	v1 =	vmul.u32 $0x8, v1;
	s5 =	smax.u32 s1, $0x1;
	[dreg:$0xb] =	wrdreg s31;
	s23 =	simm.s32 $0x8400  }
.LBB2_1:
0x10: {  	s16 =	rddreg [dreg:$0x4];
	s30 =	simm.s32 $0x5  }
0x11: {  	[tilespmem:s3], [sflag:$0x5] =	stream.linear.gather [hbm4b:s16+s3], $0x400, $0x38;
	[tilespmem:$0x10400] =	vst v63  }
0x12: {  	_ =	swait.ge [sflag:s30], $0x400  }
0x13: {  	[sflag:s30] =	ssyncset.done $0x0  }
0x14: {  	[sflag:s30] =	ssyncadd.s32 $0xFFFFFC00  }
0x15: {  	v3 =	vld [tilespmem:$0x0];
	_ =	sdelay $0x4  }
0x16: {  	v4 =	vshll.u32 v3, $0x1  }
0x17: {  	v3 =	vand.u32 $0x7, v3;
	v4 =	vand.u32 $0xFFFFFFF0, v4  }
0x18: {  	v3 =	vor.u32 v3, v4  }
0x19: {  	v4 =	vperm.xlane v3, v0;
	_ =	sdelay $0x1  }
0x1a: {  	v3 =	vperm.xlane v3, v2;
	v4 =	vadd.s32 v1, v4;
	_ =	sdelay $0x1  }
0x1b: {  	v3 =	vadd.s32 v1, v3;
	_ =	sdelay $0x2  }
0x1c: {  	[tilespmem:s22], [sflag:$0x1] =	stream.indirect_vreg.gather [hbm4b:s2+s3], $0x80, v4, vm0, $0xb8;
	[tilespmem:$0x10400] =	vst v63  }
0x1d: {  	s0 =	simm.s32 $0x2400  }
0x1e: {  	[tilespmem:s0], [sflag:$0x1] =	stream.indirect_vreg.gather [hbm4b:s2+s3], $0x80, v3, vm0, $0xb8;
	[tilespmem:$0x10400] =	vst v63  }
0x1f: {  	v3 =	vld [tilespmem:$0x10];
	_ =	sdelay $0x4  }
0x20: {  	v57 =	vshll.u32 v3, $0x1  }
0x21: {  	v3 =	vand.u32 $0x7, v3;
	v4 =	vand.u32 $0xFFFFFFF0, v57  }
0x22: {  	v3 =	vor.u32 v3, v4  }
0x23: {  	v4 =	vperm.xlane v3, v0;
	_ =	sdelay $0x1  }
0x24: {  	v3 =	vperm.xlane v3, v2;
	v4 =	vadd.s32 v1, v4;
	_ =	sdelay $0x1  }
0x25: {  	v3 =	vadd.s32 v1, v3;
	_ =	sdelay $0x1  }
0x26: {  	s31 =	simm.s32 $0x4400  }
0x27: {  	[tilespmem:s31], [sflag:$0x1] =	stream.indirect_vreg.gather [hbm4b:s2+s3], $0x80, v4, vm0, $0xb8;
	[tilespmem:$0x10400] =	vst v63  }
0x28: {  	s1 =	simm.s32 $0x6400  }
0x29: {  	[tilespmem:s1], [sflag:$0x1] =	stream.indirect_vreg.gather [hbm4b:s2+s3], $0x80, v3, vm0, $0xb8;
	[tilespmem:$0x10400] =	vst v63  }
0x2a: {  	v3 =	vld [tilespmem:$0x80];
	_ =	sdelay $0x4  }
0x2b: {  	v58 =	vshll.u32 v3, $0x1  }
0x2c: {  	v3 =	vand.u32 $0x7, v3;
	v4 =	vand.u32 $0xFFFFFFF0, v58  }
0x2d: {  	v3 =	vor.u32 v3, v4  }
0x2e: {  	v4 =	vperm.xlane v3, v0;
	_ =	sdelay $0x1  }
0x2f: {  	v3 =	vperm.xlane v3, v2;
	v4 =	vadd.s32 v1, v4;
	_ =	sdelay $0x1  }
0x30: {  	v3 =	vadd.s32 v1, v3;
	_ =	sdelay $0x1  }
0x31: {  	s6 =	simm.s32 $0xC00  }
0x32: {  	[tilespmem:s6], [sflag:$0x1] =	stream.indirect_vreg.gather [hbm4b:s2+s3], $0x80, v4, vm0, $0xb8;
	[tilespmem:$0x10400] =	vst v63  }
0x33: {  	s8 =	simm.s32 $0x2C00  }
0x34: {  	[tilespmem:s8], [sflag:$0x1] =	stream.indirect_vreg.gather [hbm4b:s2+s3], $0x80, v3, vm0, $0xb8;
	[tilespmem:$0x10400] =	vst v63  }
0x35: {  	v3 =	vld [tilespmem:$0x90];
	_ =	sdelay $0x4  }
0x36: {  	v59 =	vshll.u32 v3, $0x1  }
0x37: {  	v3 =	vand.u32 $0x7, v3;
	v4 =	vand.u32 $0xFFFFFFF0, v59  }
0x38: {  	v3 =	vor.u32 v3, v4  }
0x39: {  	v4 =	vperm.xlane v3, v0;
	_ =	sdelay $0x1  }
0x3a: {  	v3 =	vperm.xlane v3, v2;
	v4 =	vadd.s32 v1, v4;
	_ =	sdelay $0x1  }
0x3b: {  	v3 =	vadd.s32 v1, v3;
	_ =	sdelay $0x1  }
0x3c: {  	s9 =	simm.s32 $0x4C00  }
0x3d: {  	[tilespmem:s9], [sflag:$0x1] =	stream.indirect_vreg.gather [hbm4b:s2+s3], $0x80, v4, vm0, $0xb8;
	[tilespmem:$0x10400] =	vst v63  }
0x3e: {  	s10 =	simm.s32 $0x6C00  }
0x3f: {  	[tilespmem:s10], [sflag:$0x1] =	stream.indirect_vreg.gather [hbm4b:s2+s3], $0x80, v3, vm0, $0xb8;
	[tilespmem:$0x10400] =	vst v63  }
0x40: {  	v3 =	vld [tilespmem:$0x100];
	_ =	sdelay $0x4  }
0x41: {  	v60 =	vshll.u32 v3, $0x1  }
0x42: {  	v3 =	vand.u32 $0x7, v3;
	v4 =	vand.u32 $0xFFFFFFF0, v60  }
0x43: {  	v3 =	vor.u32 v3, v4  }
0x44: {  	v4 =	vperm.xlane v3, v0;
	_ =	sdelay $0x1  }
0x45: {  	v3 =	vperm.xlane v3, v2;
	v4 =	vadd.s32 v1, v4;
	_ =	sdelay $0x1  }
0x46: {  	v3 =	vadd.s32 v1, v3;
	_ =	sdelay $0x1  }
0x47: {  	s11 =	simm.s32 $0x1400  }
0x48: {  	[tilespmem:s11], [sflag:$0x1] =	stream.indirect_vreg.gather [hbm4b:s2+s3], $0x80, v4, vm0, $0xb8;
	[tilespmem:$0x10400] =	vst v63  }
0x49: {  	s16 =	simm.s32 $0x3400  }
0x4a: {  	[tilespmem:s16], [sflag:$0x1] =	stream.indirect_vreg.gather [hbm4b:s2+s3], $0x80, v3, vm0, $0xb8;
	[tilespmem:$0x10400] =	vst v63  }
0x4b: {  	v3 =	vld [tilespmem:$0x110];
	_ =	sdelay $0x4  }
0x4c: {  	v61 =	vshll.u32 v3, $0x1  }
0x4d: {  	v3 =	vand.u32 $0x7, v3;
	v4 =	vand.u32 $0xFFFFFFF0, v61  }
0x4e: {  	v3 =	vor.u32 v3, v4  }
0x4f: {  	v4 =	vperm.xlane v3, v0;
	_ =	sdelay $0x1  }
0x50: {  	v3 =	vperm.xlane v3, v2;
	v4 =	vadd.s32 v1, v4;
	_ =	sdelay $0x1  }
0x51: {  	v3 =	vadd.s32 v1, v3;
	_ =	sdelay $0x1  }
0x52: {  	s17 =	simm.s32 $0x5400  }
0x53: {  	[tilespmem:s17], [sflag:$0x1] =	stream.indirect_vreg.gather [hbm4b:s2+s3], $0x80, v4, vm0, $0xb8;
	[tilespmem:$0x10400] =	vst v63  }
0x54: {  	s18 =	simm.s32 $0x7400  }
0x55: {  	[tilespmem:s18], [sflag:$0x1] =	stream.indirect_vreg.gather [hbm4b:s2+s3], $0x80, v3, vm0, $0xb8;
	[tilespmem:$0x10400] =	vst v63  }
0x56: {  	v3 =	vld [tilespmem:$0x180];
	_ =	sdelay $0x4  }
0x57: {  	v62 =	vshll.u32 v3, $0x1  }
0x58: {  	v3 =	vand.u32 $0x7, v3;
	v4 =	vand.u32 $0xFFFFFFF0, v62  }
0x59: {  	v3 =	vor.u32 v3, v4  }
0x5a: {  	v4 =	vperm.xlane v3, v0;
	_ =	sdelay $0x1  }
0x5b: {  	v3 =	vperm.xlane v3, v2;
	v4 =	vadd.s32 v1, v4;
	_ =	sdelay $0x1  }
0x5c: {  	v3 =	vadd.s32 v1, v3;
	_ =	sdelay $0x1  }
0x5d: {  	s19 =	simm.s32 $0x1C00  }
0x5e: {  	[tilespmem:s19], [sflag:$0x1] =	stream.indirect_vreg.gather [hbm4b:s2+s3], $0x80, v4, vm0, $0xb8;
	[tilespmem:$0x10400] =	vst v63  }
0x5f: {  	s20 =	simm.s32 $0x3C00  }
0x60: {  	[tilespmem:s20], [sflag:$0x1] =	stream.indirect_vreg.gather [hbm4b:s2+s3], $0x80, v3, vm0, $0xb8;
	[tilespmem:$0x10400] =	vst v63  }
0x61: {  	v3 =	vld [tilespmem:$0x190];
	_ =	sdelay $0x4  }
0x62: {  	v63 =	vshll.u32 v3, $0x1  }
0x63: {  	v3 =	vand.u32 $0x7, v3;
	v4 =	vand.u32 $0xFFFFFFF0, v63  }
0x64: {  	v3 =	vor.u32 v3, v4  }
0x65: {  	v4 =	vperm.xlane v3, v0;
	_ =	sdelay $0x1  }
0x66: {  	v3 =	vperm.xlane v3, v2;
	v4 =	vadd.s32 v1, v4;
	_ =	sdelay $0x1  }
0x67: {  	v3 =	vadd.s32 v1, v3;
	_ =	sdelay $0x1  }
0x68: {  	s21 =	simm.s32 $0x5C00  }
0x69: {  	[tilespmem:s21], [sflag:$0x1] =	stream.indirect_vreg.gather [hbm4b:s2+s3], $0x80, v4, vm0, $0xb8;
	[tilespmem:$0x10400] =	vst v63  }
0x6a: {  	s24 =	simm.s32 $0x7C00  }
0x6b: {  	[tilespmem:s24], [sflag:$0x1] =	stream.indirect_vreg.gather [hbm4b:s2+s3], $0x80, v3, vm0, $0xb8;
	[tilespmem:$0x10400] =	vst v63  }
0x6c: {  	v3 =	vld [tilespmem:$0x20];
	_ =	sdelay $0x4  }
0x6d: {  	v8 =	vshll.u32 v3, $0x1  }
0x6e: {  	v3 =	vand.u32 $0x7, v3;
	v4 =	vand.u32 $0xFFFFFFF0, v8  }
0x6f: {  	v3 =	vor.u32 v3, v4  }
0x70: {  	v4 =	vperm.xlane v3, v0;
	_ =	sdelay $0x1  }
0x71: {  	v3 =	vperm.xlane v3, v2;
	v4 =	vadd.s32 v1, v4;
	_ =	sdelay $0x1  }
0x72: {  	v3 =	vadd.s32 v1, v3;
	_ =	sdelay $0x2  }
0x73: {  	[tilespmem:s23], [sflag:$0x2] =	stream.indirect_vreg.gather [hbm4b:s2+s3], $0x80, v4, vm0, $0xb8;
	[tilespmem:$0x10400] =	vst v63  }
0x74: {  	s25 =	simm.s32 $0xA400  }
0x75: {  	[tilespmem:s25], [sflag:$0x2] =	stream.indirect_vreg.gather [hbm4b:s2+s3], $0x80, v3, vm0, $0xb8;
	[tilespmem:$0x10400] =	vst v63  }
0x76: {  	v3 =	vld [tilespmem:$0x30];
	_ =	sdelay $0x4  }
0x77: {  	v9 =	vshll.u32 v3, $0x1  }
0x78: {  	v3 =	vand.u32 $0x7, v3;
	v4 =	vand.u32 $0xFFFFFFF0, v9  }
0x79: {  	v3 =	vor.u32 v3, v4  }
0x7a: {  	v4 =	vperm.xlane v3, v0;
	_ =	sdelay $0x1  }
0x7b: {  	v3 =	vperm.xlane v3, v2;
	v4 =	vadd.s32 v1, v4;
	_ =	sdelay $0x1  }
0x7c: {  	v3 =	vadd.s32 v1, v3;
	_ =	sdelay $0x1  }
0x7d: {  	s26 =	simm.s32 $0xC400  }
0x7e: {  	[tilespmem:s26], [sflag:$0x2] =	stream.indirect_vreg.gather [hbm4b:s2+s3], $0x80, v4, vm0, $0xb8;
	[tilespmem:$0x10400] =	vst v63  }
0x7f: {  	s28 =	simm.s32 $0xE400  }
0x80: {  	[tilespmem:s28], [sflag:$0x2] =	stream.indirect_vreg.gather [hbm4b:s2+s3], $0x80, v3, vm0, $0xb8;
	[tilespmem:$0x10400] =	vst v63  }
0x81: {  	v3 =	vld [tilespmem:$0xA0];
	_ =	sdelay $0x4  }
0x82: {  	v10 =	vshll.u32 v3, $0x1  }
0x83: {  	v3 =	vand.u32 $0x7, v3;
	v4 =	vand.u32 $0xFFFFFFF0, v10  }
0x84: {  	v3 =	vor.u32 v3, v4  }
0x85: {  	v4 =	vperm.xlane v3, v0;
	_ =	sdelay $0x1  }
0x86: {  	v3 =	vperm.xlane v3, v2;
	v4 =	vadd.s32 v1, v4;
	_ =	sdelay $0x1  }
0x87: {  	v3 =	vadd.s32 v1, v3;
	_ =	sdelay $0x1  }
0x88: {  	s29 =	simm.s32 $0x8C00  }
0x89: {  	[tilespmem:s29], [sflag:$0x2] =	stream.indirect_vreg.gather [hbm4b:s2+s3], $0x80, v4, vm0, $0xb8;
	[tilespmem:$0x10400] =	vst v63  }
0x8a: {  	s30 =	simm.s32 $0xAC00  }
0x8b: {  	[tilespmem:s30], [sflag:$0x2] =	stream.indirect_vreg.gather [hbm4b:s2+s3], $0x80, v3, vm0, $0xb8;
	[tilespmem:$0x10400] =	vst v63  }
0x8c: {  	v3 =	vld [tilespmem:$0xB0];
	_ =	sdelay $0x4  }
0x8d: {  	v11 =	vshll.u32 v3, $0x1  }
0x8e: {  	v3 =	vand.u32 $0x7, v3;
	v4 =	vand.u32 $0xFFFFFFF0, v11  }
0x8f: {  	v3 =	vor.u32 v3, v4  }
0x90: {  	v4 =	vperm.xlane v3, v0;
	_ =	sdelay $0x1  }
0x91: {  	v3 =	vperm.xlane v3, v2;
	v4 =	vadd.s32 v1, v4;
	_ =	sdelay $0x1  }
0x92: {  	v3 =	vadd.s32 v1, v3;
	_ =	sdelay $0x1  }
0x93: {  	s31 =	simm.s32 $0xCC00  }
0x94: {  	[tilespmem:s31], [sflag:$0x2] =	stream.indirect_vreg.gather [hbm4b:s2+s3], $0x80, v4, vm0, $0xb8;
	[tilespmem:$0x10400] =	vst v63  }
0x95: {  	s11 =	simm.s32 $0xEC00  }
0x96: {  	[tilespmem:s11], [sflag:$0x2] =	stream.indirect_vreg.gather [hbm4b:s2+s3], $0x80, v3, vm0, $0xb8;
	[tilespmem:$0x10400] =	vst v63  }
0x97: {  	v3 =	vld [tilespmem:$0x120];
	_ =	sdelay $0x4  }
0x98: {  	v12 =	vshll.u32 v3, $0x1  }
0x99: {  	v3 =	vand.u32 $0x7, v3;
	v4 =	vand.u32 $0xFFFFFFF0, v12  }
0x9a: {  	v3 =	vor.u32 v3, v4  }
0x9b: {  	v4 =	vperm.xlane v3, v0;
	_ =	sdelay $0x1  }
0x9c: {  	v3 =	vperm.xlane v3, v2;
	v4 =	vadd.s32 v1, v4;
	_ =	sdelay $0x1  }
0x9d: {  	v3 =	vadd.s32 v1, v3;
	_ =	sdelay $0x1  }
0x9e: {  	s17 =	simm.s32 $0x9400  }
0x9f: {  	[tilespmem:s17], [sflag:$0x2] =	stream.indirect_vreg.gather [hbm4b:s2+s3], $0x80, v4, vm0, $0xb8;
	[tilespmem:$0x10400] =	vst v63  }
0xa0: {  	s18 =	simm.s32 $0xB400  }
0xa1: {  	[tilespmem:s18], [sflag:$0x2] =	stream.indirect_vreg.gather [hbm4b:s2+s3], $0x80, v3, vm0, $0xb8;
	[tilespmem:$0x10400] =	vst v63  }
0xa2: {  	v3 =	vld [tilespmem:$0x130];
	_ =	sdelay $0x4  }
0xa3: {  	v13 =	vshll.u32 v3, $0x1  }
0xa4: {  	v3 =	vand.u32 $0x7, v3;
	v4 =	vand.u32 $0xFFFFFFF0, v13  }
0xa5: {  	v3 =	vor.u32 v3, v4  }
0xa6: {  	v4 =	vperm.xlane v3, v0;
	_ =	sdelay $0x1  }
0xa7: {  	v3 =	vperm.xlane v3, v2;
	v4 =	vadd.s32 v1, v4;
	_ =	sdelay $0x1  }
0xa8: {  	v3 =	vadd.s32 v1, v3;
	_ =	sdelay $0x1  }
0xa9: {  	s19 =	simm.s32 $0xD400  }
0xaa: {  	[tilespmem:s19], [sflag:$0x2] =	stream.indirect_vreg.gather [hbm4b:s2+s3], $0x80, v4, vm0, $0xb8;
	[tilespmem:$0x10400] =	vst v63  }
0xab: {  	s20 =	simm.s32 $0xF400  }
0xac: {  	[tilespmem:s20], [sflag:$0x2] =	stream.indirect_vreg.gather [hbm4b:s2+s3], $0x80, v3, vm0, $0xb8;
	[tilespmem:$0x10400] =	vst v63  }
0xad: {  	v3 =	vld [tilespmem:$0x1A0];
	_ =	sdelay $0x4  }
0xae: {  	v14 =	vshll.u32 v3, $0x1  }
0xaf: {  	v3 =	vand.u32 $0x7, v3;
	v4 =	vand.u32 $0xFFFFFFF0, v14  }
0xb0: {  	v3 =	vor.u32 v3, v4  }
0xb1: {  	v4 =	vperm.xlane v3, v0;
	_ =	sdelay $0x1  }
0xb2: {  	v3 =	vperm.xlane v3, v2;
	v4 =	vadd.s32 v1, v4;
	_ =	sdelay $0x1  }
0xb3: {  	v3 =	vadd.s32 v1, v3;
	_ =	sdelay $0x1  }
0xb4: {  	s24 =	simm.s32 $0x9C00  }
0xb5: {  	[tilespmem:s24], [sflag:$0x2] =	stream.indirect_vreg.gather [hbm4b:s2+s3], $0x80, v4, vm0, $0xb8;
	[tilespmem:$0x10400] =	vst v63  }
0xb6: {  	s26 =	simm.s32 $0xBC00  }
0xb7: {  	[tilespmem:s26], [sflag:$0x2] =	stream.indirect_vreg.gather [hbm4b:s2+s3], $0x80, v3, vm0, $0xb8;
	[tilespmem:$0x10400] =	vst v63  }
0xb8: {  	v3 =	vld [tilespmem:$0x1B0];
	_ =	sdelay $0x4  }
0xb9: {  	v15 =	vshll.u32 v3, $0x1  }
0xba: {  	v3 =	vand.u32 $0x7, v3;
	v4 =	vand.u32 $0xFFFFFFF0, v15  }
0xbb: {  	v3 =	vor.u32 v3, v4  }
0xbc: {  	v4 =	vperm.xlane v3, v0;
	_ =	sdelay $0x1  }
0xbd: {  	v3 =	vperm.xlane v3, v2;
	v4 =	vadd.s32 v1, v4;
	_ =	sdelay $0x1  }
0xbe: {  	v3 =	vadd.s32 v1, v3;
	_ =	sdelay $0x1  }
0xbf: {  	s28 =	simm.s32 $0xDC00  }
0xc0: {  	[tilespmem:s28], [sflag:$0x2] =	stream.indirect_vreg.gather [hbm4b:s2+s3], $0x80, v4, vm0, $0xb8;
	[tilespmem:$0x10400] =	vst v63  }
0xc1: {  	s31 =	simm.s32 $0xFC00  }
0xc2: {  	[tilespmem:s31], [sflag:$0x2] =	stream.indirect_vreg.gather [hbm4b:s2+s3], $0x80, v3, vm0, $0xb8;
	[tilespmem:$0x10400] =	vst v63  }
0xc3: {  	_ =	swait.ge [sflag:s12], $0x2000  }
0xc4: {  	[sflag:s12] =	ssyncset.done $0x0  }
0xc5: {  	[sflag:s12] =	ssyncadd.s32 $0xFFFFE000  }
0xc6: {  	_ =	swait.ge [sflag:s12], $0x2000  }
0xc7: {  	[sflag:s12] =	ssyncset.done $0x0  }
0xc8: {  	[sflag:s12] =	ssyncadd.s32 $0xFFFFE000  }
0xc9: {  	_ =	swait.ge [sflag:s12], $0x2000  }
0xca: {  	[sflag:s12] =	ssyncset.done $0x0  }
0xcb: {  	[sflag:s12] =	ssyncadd.s32 $0xFFFFE000  }
0xcc: {  	_ =	swait.ge [sflag:s12], $0x2000  }
0xcd: {  	[sflag:s12] =	ssyncset.done $0x0  }
0xce: {  	s0 =	rddreg [dreg:$0xc];
	[sflag:s12] =	ssyncadd.s32 $0xFFFFE000  }
0xcf: {  	[hbm4b:s0+s3] =	stream.linear.scatter [tilespmem:s22], [sflag:$0x3], $0x8000, $0x38;
	[tilespmem:$0x10400] =	vst v63  }
0xd0: {  	_ =	swait.ge [sflag:s13], $0x8000  }
0xd1: {  	[sflag:s13] =	ssyncset.done $0x0  }
0xd2: {  	[sflag:s13] =	ssyncadd.s32 $0xFFFF8000  }
0xd3: {  	v3 =	vld [tilespmem:$0x40];
	_ =	sdelay $0x4  }
0xd4: {  	v16 =	vshll.u32 v3, $0x1  }
0xd5: {  	v3 =	vand.u32 $0x7, v3;
	v4 =	vand.u32 $0xFFFFFFF0, v16  }
0xd6: {  	v3 =	vor.u32 v3, v4  }
0xd7: {  	v4 =	vperm.xlane v3, v0;
	_ =	sdelay $0x1  }
0xd8: {  	v3 =	vperm.xlane v3, v2;
	v4 =	vadd.s32 v1, v4;
	_ =	sdelay $0x1  }
0xd9: {  	v3 =	vadd.s32 v1, v3;
	_ =	sdelay $0x2  }
0xda: {  	[tilespmem:s22], [sflag:$0x1] =	stream.indirect_vreg.gather [hbm4b:s2+s3], $0x80, v4, vm0, $0xb8;
	[tilespmem:$0x10400] =	vst v63  }
0xdb: {  	s7 =	simm.s32 $0x2400  }
0xdc: {  	[tilespmem:s7], [sflag:$0x1] =	stream.indirect_vreg.gather [hbm4b:s2+s3], $0x80, v3, vm0, $0xb8;
	[tilespmem:$0x10400] =	vst v63  }
0xdd: {  	v3 =	vld [tilespmem:$0x50];
	_ =	sdelay $0x4  }
0xde: {  	v17 =	vshll.u32 v3, $0x1  }
0xdf: {  	v3 =	vand.u32 $0x7, v3;
	v4 =	vand.u32 $0xFFFFFFF0, v17  }
0xe0: {  	v3 =	vor.u32 v3, v4  }
0xe1: {  	v4 =	vperm.xlane v3, v0;
	_ =	sdelay $0x1  }
0xe2: {  	v3 =	vperm.xlane v3, v2;
	v4 =	vadd.s32 v1, v4;
	_ =	sdelay $0x1  }
0xe3: {  	v3 =	vadd.s32 v1, v3;
	_ =	sdelay $0x1  }
0xe4: {  	s4 =	simm.s32 $0x4400  }
0xe5: {  	[tilespmem:s4], [sflag:$0x1] =	stream.indirect_vreg.gather [hbm4b:s2+s3], $0x80, v4, vm0, $0xb8;
	[tilespmem:$0x10400] =	vst v63  }
0xe6: {  	s24 =	simm.s32 $0x6400  }
0xe7: {  	[tilespmem:s24], [sflag:$0x1] =	stream.indirect_vreg.gather [hbm4b:s2+s3], $0x80, v3, vm0, $0xb8;
	[tilespmem:$0x10400] =	vst v63  }
0xe8: {  	v3 =	vld [tilespmem:$0xC0];
	_ =	sdelay $0x4  }
0xe9: {  	v18 =	vshll.u32 v3, $0x1  }
0xea: {  	v3 =	vand.u32 $0x7, v3;
	v4 =	vand.u32 $0xFFFFFFF0, v18  }
0xeb: {  	v3 =	vor.u32 v3, v4  }
0xec: {  	v4 =	vperm.xlane v3, v0;
	_ =	sdelay $0x1  }
0xed: {  	v3 =	vperm.xlane v3, v2;
	v4 =	vadd.s32 v1, v4;
	_ =	sdelay $0x1  }
0xee: {  	v3 =	vadd.s32 v1, v3;
	_ =	sdelay $0x1  }
0xef: {  	s6 =	simm.s32 $0xC00  }
0xf0: {  	[tilespmem:s6], [sflag:$0x1] =	stream.indirect_vreg.gather [hbm4b:s2+s3], $0x80, v4, vm0, $0xb8;
	[tilespmem:$0x10400] =	vst v63  }
0xf1: {  	s26 =	simm.s32 $0x2C00  }
0xf2: {  	[tilespmem:s26], [sflag:$0x1] =	stream.indirect_vreg.gather [hbm4b:s2+s3], $0x80, v3, vm0, $0xb8;
	[tilespmem:$0x10400] =	vst v63  }
0xf3: {  	v3 =	vld [tilespmem:$0xD0];
	_ =	sdelay $0x4  }
0xf4: {  	v19 =	vshll.u32 v3, $0x1  }
0xf5: {  	v3 =	vand.u32 $0x7, v3;
	v4 =	vand.u32 $0xFFFFFFF0, v19  }
0xf6: {  	v3 =	vor.u32 v3, v4  }
0xf7: {  	v4 =	vperm.xlane v3, v0;
	_ =	sdelay $0x1  }
0xf8: {  	v3 =	vperm.xlane v3, v2;
	v4 =	vadd.s32 v1, v4;
	_ =	sdelay $0x1  }
0xf9: {  	v3 =	vadd.s32 v1, v3;
	_ =	sdelay $0x1  }
0xfa: {  	s7 =	simm.s32 $0x4C00  }
0xfb: {  	[tilespmem:s7], [sflag:$0x1] =	stream.indirect_vreg.gather [hbm4b:s2+s3], $0x80, v4, vm0, $0xb8;
	[tilespmem:$0x10400] =	vst v63  }
0xfc: {  	s9 =	simm.s32 $0x6C00  }
0xfd: {  	[tilespmem:s9], [sflag:$0x1] =	stream.indirect_vreg.gather [hbm4b:s2+s3], $0x80, v3, vm0, $0xb8;
	[tilespmem:$0x10400] =	vst v63  }
0xfe: {  	v3 =	vld [tilespmem:$0x140];
	_ =	sdelay $0x4  }
0xff: {  	v20 =	vshll.u32 v3, $0x1  }
0x100: {  	v3 =	vand.u32 $0x7, v3;
	v4 =	vand.u32 $0xFFFFFFF0, v20  }
0x101: {  	v3 =	vor.u32 v3, v4  }
0x102: {  	v4 =	vperm.xlane v3, v0;
	_ =	sdelay $0x1  }
0x103: {  	v3 =	vperm.xlane v3, v2;
	v4 =	vadd.s32 v1, v4;
	_ =	sdelay $0x1  }
0x104: {  	v3 =	vadd.s32 v1, v3;
	_ =	sdelay $0x1  }
0x105: {  	s8 =	simm.s32 $0x1400  }
0x106: {  	[tilespmem:s8], [sflag:$0x1] =	stream.indirect_vreg.gather [hbm4b:s2+s3], $0x80, v4, vm0, $0xb8;
	[tilespmem:$0x10400] =	vst v63  }
0x107: {  	s28 =	simm.s32 $0x3400  }
0x108: {  	[tilespmem:s28], [sflag:$0x1] =	stream.indirect_vreg.gather [hbm4b:s2+s3], $0x80, v3, vm0, $0xb8;
	[tilespmem:$0x10400] =	vst v63  }
0x109: {  	v3 =	vld [tilespmem:$0x150];
	_ =	sdelay $0x4  }
0x10a: {  	v21 =	vshll.u32 v3, $0x1  }
0x10b: {  	v3 =	vand.u32 $0x7, v3;
	v4 =	vand.u32 $0xFFFFFFF0, v21  }
0x10c: {  	v3 =	vor.u32 v3, v4  }
0x10d: {  	v4 =	vperm.xlane v3, v0;
	_ =	sdelay $0x1  }
0x10e: {  	v3 =	vperm.xlane v3, v2;
	v4 =	vadd.s32 v1, v4;
	_ =	sdelay $0x1  }
0x10f: {  	v3 =	vadd.s32 v1, v3;
	_ =	sdelay $0x1  }
0x110: {  	s9 =	simm.s32 $0x5400  }
0x111: {  	[tilespmem:s9], [sflag:$0x1] =	stream.indirect_vreg.gather [hbm4b:s2+s3], $0x80, v4, vm0, $0xb8;
	[tilespmem:$0x10400] =	vst v63  }
0x112: {  	s11 =	simm.s32 $0x7400  }
0x113: {  	[tilespmem:s11], [sflag:$0x1] =	stream.indirect_vreg.gather [hbm4b:s2+s3], $0x80, v3, vm0, $0xb8;
	[tilespmem:$0x10400] =	vst v63  }
0x114: {  	v3 =	vld [tilespmem:$0x1C0];
	_ =	sdelay $0x4  }
0x115: {  	v22 =	vshll.u32 v3, $0x1  }
0x116: {  	v3 =	vand.u32 $0x7, v3;
	v4 =	vand.u32 $0xFFFFFFF0, v22  }
0x117: {  	v3 =	vor.u32 v3, v4  }
0x118: {  	v4 =	vperm.xlane v3, v0;
	_ =	sdelay $0x1  }
0x119: {  	v3 =	vperm.xlane v3, v2;
	v4 =	vadd.s32 v1, v4;
	_ =	sdelay $0x1  }
0x11a: {  	v3 =	vadd.s32 v1, v3;
	_ =	sdelay $0x1  }
0x11b: {  	s10 =	simm.s32 $0x1C00  }
0x11c: {  	[tilespmem:s10], [sflag:$0x1] =	stream.indirect_vreg.gather [hbm4b:s2+s3], $0x80, v4, vm0, $0xb8;
	[tilespmem:$0x10400] =	vst v63  }
0x11d: {  	s31 =	simm.s32 $0x3C00  }
0x11e: {  	[tilespmem:s31], [sflag:$0x1] =	stream.indirect_vreg.gather [hbm4b:s2+s3], $0x80, v3, vm0, $0xb8;
	[tilespmem:$0x10400] =	vst v63  }
0x11f: {  	v3 =	vld [tilespmem:$0x1D0];
	_ =	sdelay $0x4  }
0x120: {  	v23 =	vshll.u32 v3, $0x1  }
0x121: {  	v3 =	vand.u32 $0x7, v3;
	v4 =	vand.u32 $0xFFFFFFF0, v23  }
0x122: {  	v3 =	vor.u32 v3, v4  }
0x123: {  	v4 =	vperm.xlane v3, v0;
	_ =	sdelay $0x1  }
0x124: {  	v3 =	vperm.xlane v3, v2;
	v4 =	vadd.s32 v1, v4;
	_ =	sdelay $0x1  }
0x125: {  	v3 =	vadd.s32 v1, v3;
	_ =	sdelay $0x1  }
0x126: {  	s8 =	simm.s32 $0x5C00  }
0x127: {  	[tilespmem:s8], [sflag:$0x1] =	stream.indirect_vreg.gather [hbm4b:s2+s3], $0x80, v4, vm0, $0xb8;
	[tilespmem:$0x10400] =	vst v63  }
0x128: {  	s10 =	simm.s32 $0x7C00  }
0x129: {  	[tilespmem:s10], [sflag:$0x1] =	stream.indirect_vreg.gather [hbm4b:s2+s3], $0x80, v3, vm0, $0xb8;
	[tilespmem:$0x10400] =	vst v63  }
0x12a: {  	_ =	swait.ge [sflag:s14], $0x2000  }
0x12b: {  	[sflag:s14] =	ssyncset.done $0x0  }
0x12c: {  	[sflag:s14] =	ssyncadd.s32 $0xFFFFE000  }
0x12d: {  	_ =	swait.ge [sflag:s14], $0x2000  }
0x12e: {  	[sflag:s14] =	ssyncset.done $0x0  }
0x12f: {  	[sflag:s14] =	ssyncadd.s32 $0xFFFFE000  }
0x130: {  	_ =	swait.ge [sflag:s14], $0x2000  }
0x131: {  	[sflag:s14] =	ssyncset.done $0x0  }
0x132: {  	[sflag:s14] =	ssyncadd.s32 $0xFFFFE000  }
0x133: {  	_ =	swait.ge [sflag:s14], $0x2000  }
0x134: {  	[sflag:s14] =	ssyncset.done $0x0  }
0x135: {  	s6 =	rddreg [dreg:$0x5];
	[sflag:s14] =	ssyncadd.s32 $0xFFFFE000  }
0x136: {  	[hbm4b:s6+s3] =	stream.linear.scatter [tilespmem:s23], [sflag:$0x4], $0x8000, $0x38;
	[tilespmem:$0x10400] =	vst v63  }
0x137: {  	_ =	swait.ge [sflag:s15], $0x8000  }
0x138: {  	[sflag:s15] =	ssyncset.done $0x0  }
0x139: {  	[sflag:s15] =	ssyncadd.s32 $0xFFFF8000  }
0x13a: {  	v3 =	vld [tilespmem:$0x60];
	_ =	sdelay $0x4  }
0x13b: {  	v24 =	vshll.u32 v3, $0x1  }
0x13c: {  	v3 =	vand.u32 $0x7, v3;
	v4 =	vand.u32 $0xFFFFFFF0, v24  }
0x13d: {  	v3 =	vor.u32 v3, v4  }
0x13e: {  	v4 =	vperm.xlane v3, v0;
	_ =	sdelay $0x1  }
0x13f: {  	v3 =	vperm.xlane v3, v2;
	v4 =	vadd.s32 v1, v4;
	_ =	sdelay $0x1  }
0x140: {  	v3 =	vadd.s32 v1, v3;
	_ =	sdelay $0x2  }
0x141: {  	[tilespmem:s23], [sflag:$0x2] =	stream.indirect_vreg.gather [hbm4b:s2+s3], $0x80, v4, vm0, $0xb8;
	[tilespmem:$0x10400] =	vst v63  }
0x142: {  	s1 =	simm.s32 $0xA400  }
0x143: {  	[tilespmem:s1], [sflag:$0x2] =	stream.indirect_vreg.gather [hbm4b:s2+s3], $0x80, v3, vm0, $0xb8;
	[tilespmem:$0x10400] =	vst v63  }
0x144: {  	v3 =	vld [tilespmem:$0x70];
	_ =	sdelay $0x4  }
0x145: {  	v25 =	vshll.u32 v3, $0x1  }
0x146: {  	v3 =	vand.u32 $0x7, v3;
	v4 =	vand.u32 $0xFFFFFFF0, v25  }
0x147: {  	v3 =	vor.u32 v3, v4  }
0x148: {  	v4 =	vperm.xlane v3, v0;
	_ =	sdelay $0x1  }
0x149: {  	v3 =	vperm.xlane v3, v2;
	v4 =	vadd.s32 v1, v4;
	_ =	sdelay $0x1  }
0x14a: {  	v3 =	vadd.s32 v1, v3;
	_ =	sdelay $0x1  }
0x14b: {  	s0 =	simm.s32 $0xC400  }
0x14c: {  	[tilespmem:s0], [sflag:$0x2] =	stream.indirect_vreg.gather [hbm4b:s2+s3], $0x80, v4, vm0, $0xb8;
	[tilespmem:$0x10400] =	vst v63  }
0x14d: {  	s4 =	simm.s32 $0xE400  }
0x14e: {  	[tilespmem:s4], [sflag:$0x2] =	stream.indirect_vreg.gather [hbm4b:s2+s3], $0x80, v3, vm0, $0xb8;
	[tilespmem:$0x10400] =	vst v63  }
0x14f: {  	v3 =	vld [tilespmem:$0xE0];
	_ =	sdelay $0x4  }
0x150: {  	v26 =	vshll.u32 v3, $0x1  }
0x151: {  	v3 =	vand.u32 $0x7, v3;
	v4 =	vand.u32 $0xFFFFFFF0, v26  }
0x152: {  	v3 =	vor.u32 v3, v4  }
0x153: {  	v4 =	vperm.xlane v3, v0;
	_ =	sdelay $0x1  }
0x154: {  	v3 =	vperm.xlane v3, v2;
	v4 =	vadd.s32 v1, v4;
	_ =	sdelay $0x1  }
0x155: {  	v3 =	vadd.s32 v1, v3;
	_ =	sdelay $0x1  }
0x156: {  	s1 =	simm.s32 $0x8C00  }
0x157: {  	[tilespmem:s1], [sflag:$0x2] =	stream.indirect_vreg.gather [hbm4b:s2+s3], $0x80, v4, vm0, $0xb8;
	[tilespmem:$0x10400] =	vst v63  }
0x158: {  	s6 =	simm.s32 $0xAC00  }
0x159: {  	[tilespmem:s6], [sflag:$0x2] =	stream.indirect_vreg.gather [hbm4b:s2+s3], $0x80, v3, vm0, $0xb8;
	[tilespmem:$0x10400] =	vst v63  }
0x15a: {  	v3 =	vld [tilespmem:$0xF0];
	_ =	sdelay $0x4  }
0x15b: {  	v27 =	vshll.u32 v3, $0x1  }
0x15c: {  	v3 =	vand.u32 $0x7, v3;
	v4 =	vand.u32 $0xFFFFFFF0, v27  }
0x15d: {  	v3 =	vor.u32 v3, v4  }
0x15e: {  	v4 =	vperm.xlane v3, v0;
	_ =	sdelay $0x1  }
0x15f: {  	v3 =	vperm.xlane v3, v2;
	v4 =	vadd.s32 v1, v4;
	_ =	sdelay $0x1  }
0x160: {  	v3 =	vadd.s32 v1, v3;
	_ =	sdelay $0x1  }
0x161: {  	s30 =	simm.s32 $0xCC00  }
0x162: {  	[tilespmem:s30], [sflag:$0x2] =	stream.indirect_vreg.gather [hbm4b:s2+s3], $0x80, v4, vm0, $0xb8;
	[tilespmem:$0x10400] =	vst v63  }
0x163: {  	s21 =	simm.s32 $0xEC00  }
0x164: {  	[tilespmem:s21], [sflag:$0x2] =	stream.indirect_vreg.gather [hbm4b:s2+s3], $0x80, v3, vm0, $0xb8;
	[tilespmem:$0x10400] =	vst v63  }
0x165: {  	v3 =	vld [tilespmem:$0x160];
	_ =	sdelay $0x4  }
0x166: {  	v28 =	vshll.u32 v3, $0x1  }
0x167: {  	v3 =	vand.u32 $0x7, v3;
	v4 =	vand.u32 $0xFFFFFFF0, v28  }
0x168: {  	v3 =	vor.u32 v3, v4  }
0x169: {  	v4 =	vperm.xlane v3, v0;
	_ =	sdelay $0x1  }
0x16a: {  	v3 =	vperm.xlane v3, v2;
	v4 =	vadd.s32 v1, v4;
	_ =	sdelay $0x1  }
0x16b: {  	v3 =	vadd.s32 v1, v3;
	_ =	sdelay $0x1  }
0x16c: {  	s25 =	simm.s32 $0x9400  }
0x16d: {  	[tilespmem:s25], [sflag:$0x2] =	stream.indirect_vreg.gather [hbm4b:s2+s3], $0x80, v4, vm0, $0xb8;
	[tilespmem:$0x10400] =	vst v63  }
0x16e: {  	s17 =	simm.s32 $0xB400  }
0x16f: {  	[tilespmem:s17], [sflag:$0x2] =	stream.indirect_vreg.gather [hbm4b:s2+s3], $0x80, v3, vm0, $0xb8;
	[tilespmem:$0x10400] =	vst v63  }
0x170: {  	v3 =	vld [tilespmem:$0x170];
	_ =	sdelay $0x4  }
0x171: {  	v29 =	vshll.u32 v3, $0x1  }
0x172: {  	v3 =	vand.u32 $0x7, v3;
	v4 =	vand.u32 $0xFFFFFFF0, v29  }
0x173: {  	v3 =	vor.u32 v3, v4  }
0x174: {  	v4 =	vperm.xlane v3, v0;
	_ =	sdelay $0x1  }
0x175: {  	v3 =	vperm.xlane v3, v2;
	v4 =	vadd.s32 v1, v4;
	_ =	sdelay $0x1  }
0x176: {  	v3 =	vadd.s32 v1, v3;
	_ =	sdelay $0x1  }
0x177: {  	s29 =	simm.s32 $0xD400  }
0x178: {  	[tilespmem:s29], [sflag:$0x2] =	stream.indirect_vreg.gather [hbm4b:s2+s3], $0x80, v4, vm0, $0xb8;
	[tilespmem:$0x10400] =	vst v63  }
0x179: {  	s18 =	simm.s32 $0xF400  }
0x17a: {  	[tilespmem:s18], [sflag:$0x2] =	stream.indirect_vreg.gather [hbm4b:s2+s3], $0x80, v3, vm0, $0xb8;
	[tilespmem:$0x10400] =	vst v63  }
0x17b: {  	v3 =	vld [tilespmem:$0x1E0];
	_ =	sdelay $0x4  }
0x17c: {  	v30 =	vshll.u32 v3, $0x1  }
0x17d: {  	v3 =	vand.u32 $0x7, v3;
	v4 =	vand.u32 $0xFFFFFFF0, v30  }
0x17e: {  	v3 =	vor.u32 v3, v4  }
0x17f: {  	v4 =	vperm.xlane v3, v0;
	_ =	sdelay $0x1  }
0x180: {  	v3 =	vperm.xlane v3, v2;
	v4 =	vadd.s32 v1, v4;
	_ =	sdelay $0x1  }
0x181: {  	v3 =	vadd.s32 v1, v3;
	_ =	sdelay $0x1  }
0x182: {  	s18 =	simm.s32 $0x9C00  }
0x183: {  	[tilespmem:s18], [sflag:$0x2] =	stream.indirect_vreg.gather [hbm4b:s2+s3], $0x80, v4, vm0, $0xb8;
	[tilespmem:$0x10400] =	vst v63  }
0x184: {  	s19 =	simm.s32 $0xBC00  }
0x185: {  	[tilespmem:s19], [sflag:$0x2] =	stream.indirect_vreg.gather [hbm4b:s2+s3], $0x80, v3, vm0, $0xb8;
	[tilespmem:$0x10400] =	vst v63  }
0x186: {  	v3 =	vld [tilespmem:$0x1F0];
	_ =	sdelay $0x4  }
0x187: {  	v31 =	vshll.u32 v3, $0x1  }
0x188: {  	v3 =	vand.u32 $0x7, v3;
	v4 =	vand.u32 $0xFFFFFFF0, v31  }
0x189: {  	v3 =	vor.u32 v3, v4  }
0x18a: {  	v4 =	vperm.xlane v3, v0;
	_ =	sdelay $0x1  }
0x18b: {  	v3 =	vperm.xlane v3, v2;
	v4 =	vadd.s32 v1, v4;
	_ =	sdelay $0x1  }
0x18c: {  	v3 =	vadd.s32 v1, v3;
	_ =	sdelay $0x1  }
0x18d: {  	s19 =	simm.s32 $0xDC00  }
0x18e: {  	[tilespmem:s19], [sflag:$0x2] =	stream.indirect_vreg.gather [hbm4b:s2+s3], $0x80, v4, vm0, $0xb8;
	[tilespmem:$0x10400] =	vst v63  }
0x18f: {  	s20 =	simm.s32 $0xFC00  }
0x190: {  	[tilespmem:s20], [sflag:$0x2] =	stream.indirect_vreg.gather [hbm4b:s2+s3], $0x80, v3, vm0, $0xb8;
	[tilespmem:$0x10400] =	vst v63  }
0x191: {  	_ =	swait.ge [sflag:s12], $0x2000  }
0x192: {  	[sflag:s12] =	ssyncset.done $0x0  }
0x193: {  	[sflag:s12] =	ssyncadd.s32 $0xFFFFE000  }
0x194: {  	_ =	swait.ge [sflag:s12], $0x2000  }
0x195: {  	[sflag:s12] =	ssyncset.done $0x0  }
0x196: {  	[sflag:s12] =	ssyncadd.s32 $0xFFFFE000  }
0x197: {  	_ =	swait.ge [sflag:s12], $0x2000  }
0x198: {  	[sflag:s12] =	ssyncset.done $0x0  }
0x199: {  	[sflag:s12] =	ssyncadd.s32 $0xFFFFE000  }
0x19a: {  	_ =	swait.ge [sflag:s12], $0x2000  }
0x19b: {  	[sflag:s12] =	ssyncset.done $0x0  }
0x19c: {  	s20 =	rddreg [dreg:$0x6];
	[sflag:s12] =	ssyncadd.s32 $0xFFFFE000  }
0x19d: {  	[hbm4b:s20+s3] =	stream.linear.scatter [tilespmem:s22], [sflag:$0x3], $0x8000, $0x38;
	[tilespmem:$0x10400] =	vst v63  }
0x19e: {  	_ =	swait.ge [sflag:s13], $0x8000  }
0x19f: {  	[sflag:s13] =	ssyncset.done $0x0  }
0x1a0: {  	[sflag:s13] =	ssyncadd.s32 $0xFFFF8000  }
0x1a1: {  	v3 =	vld [tilespmem:$0x200];
	_ =	sdelay $0x4  }
0x1a2: {  	v32 =	vshll.u32 v3, $0x1  }
0x1a3: {  	v3 =	vand.u32 $0x7, v3;
	v4 =	vand.u32 $0xFFFFFFF0, v32  }
0x1a4: {  	v3 =	vor.u32 v3, v4  }
0x1a5: {  	v4 =	vperm.xlane v3, v0;
	_ =	sdelay $0x1  }
0x1a6: {  	v3 =	vperm.xlane v3, v2;
	v4 =	vadd.s32 v1, v4;
	_ =	sdelay $0x1  }
0x1a7: {  	v3 =	vadd.s32 v1, v3;
	_ =	sdelay $0x2  }
0x1a8: {  	[tilespmem:s22], [sflag:$0x1] =	stream.indirect_vreg.gather [hbm4b:s2+s3], $0x80, v4, vm0, $0xb8;
	[tilespmem:$0x10400] =	vst v63  }
0x1a9: {  	s25 =	simm.s32 $0x2400  }
0x1aa: {  	[tilespmem:s25], [sflag:$0x1] =	stream.indirect_vreg.gather [hbm4b:s2+s3], $0x80, v3, vm0, $0xb8;
	[tilespmem:$0x10400] =	vst v63  }
0x1ab: {  	v3 =	vld [tilespmem:$0x210];
	_ =	sdelay $0x4  }
0x1ac: {  	v33 =	vshll.u32 v3, $0x1  }
0x1ad: {  	v3 =	vand.u32 $0x7, v3;
	v4 =	vand.u32 $0xFFFFFFF0, v33  }
0x1ae: {  	v3 =	vor.u32 v3, v4  }
0x1af: {  	v4 =	vperm.xlane v3, v0;
	_ =	sdelay $0x1  }
0x1b0: {  	v3 =	vperm.xlane v3, v2;
	v4 =	vadd.s32 v1, v4;
	_ =	sdelay $0x1  }
0x1b1: {  	v3 =	vadd.s32 v1, v3;
	_ =	sdelay $0x1  }
0x1b2: {  	s19 =	simm.s32 $0x4400  }
0x1b3: {  	[tilespmem:s19], [sflag:$0x1] =	stream.indirect_vreg.gather [hbm4b:s2+s3], $0x80, v4, vm0, $0xb8;
	[tilespmem:$0x10400] =	vst v63  }
0x1b4: {  	_ = 	snop  }
0x1b5: {  	[tilespmem:s24], [sflag:$0x1] =	stream.indirect_vreg.gather [hbm4b:s2+s3], $0x80, v3, vm0, $0xb8;
	[tilespmem:$0x10400] =	vst v63  }
0x1b6: {  	v3 =	vld [tilespmem:$0x280];
	_ =	sdelay $0x4  }
0x1b7: {  	v34 =	vshll.u32 v3, $0x1  }
0x1b8: {  	v3 =	vand.u32 $0x7, v3;
	v4 =	vand.u32 $0xFFFFFFF0, v34  }
0x1b9: {  	v3 =	vor.u32 v3, v4  }
0x1ba: {  	v4 =	vperm.xlane v3, v0;
	_ =	sdelay $0x1  }
0x1bb: {  	v3 =	vperm.xlane v3, v2;
	v4 =	vadd.s32 v1, v4;
	_ =	sdelay $0x1  }
0x1bc: {  	v3 =	vadd.s32 v1, v3;
	_ =	sdelay $0x1  }
0x1bd: {  	s20 =	simm.s32 $0xC00  }
0x1be: {  	[tilespmem:s20], [sflag:$0x1] =	stream.indirect_vreg.gather [hbm4b:s2+s3], $0x80, v4, vm0, $0xb8;
	[tilespmem:$0x10400] =	vst v63  }
0x1bf: {  	_ = 	snop  }
0x1c0: {  	[tilespmem:s26], [sflag:$0x1] =	stream.indirect_vreg.gather [hbm4b:s2+s3], $0x80, v3, vm0, $0xb8;
	[tilespmem:$0x10400] =	vst v63  }
0x1c1: {  	v3 =	vld [tilespmem:$0x290];
	_ =	sdelay $0x4  }
0x1c2: {  	v35 =	vshll.u32 v3, $0x1  }
0x1c3: {  	v3 =	vand.u32 $0x7, v3;
	v4 =	vand.u32 $0xFFFFFFF0, v35  }
0x1c4: {  	v3 =	vor.u32 v3, v4  }
0x1c5: {  	v4 =	vperm.xlane v3, v0;
	_ =	sdelay $0x1  }
0x1c6: {  	v3 =	vperm.xlane v3, v2;
	v4 =	vadd.s32 v1, v4;
	_ =	sdelay $0x1  }
0x1c7: {  	v3 =	vadd.s32 v1, v3;
	_ =	sdelay $0x2  }
0x1c8: {  	[tilespmem:s7], [sflag:$0x1] =	stream.indirect_vreg.gather [hbm4b:s2+s3], $0x80, v4, vm0, $0xb8;
	[tilespmem:$0x10400] =	vst v63  }
0x1c9: {  	s24 =	simm.s32 $0x6C00  }
0x1ca: {  	[tilespmem:s24], [sflag:$0x1] =	stream.indirect_vreg.gather [hbm4b:s2+s3], $0x80, v3, vm0, $0xb8;
	[tilespmem:$0x10400] =	vst v63  }
0x1cb: {  	v3 =	vld [tilespmem:$0x300];
	_ =	sdelay $0x4  }
0x1cc: {  	v36 =	vshll.u32 v3, $0x1  }
0x1cd: {  	v3 =	vand.u32 $0x7, v3;
	v4 =	vand.u32 $0xFFFFFFF0, v36  }
0x1ce: {  	v3 =	vor.u32 v3, v4  }
0x1cf: {  	v4 =	vperm.xlane v3, v0;
	_ =	sdelay $0x1  }
0x1d0: {  	v3 =	vperm.xlane v3, v2;
	v4 =	vadd.s32 v1, v4;
	_ =	sdelay $0x1  }
0x1d1: {  	v3 =	vadd.s32 v1, v3;
	_ =	sdelay $0x1  }
0x1d2: {  	s25 =	simm.s32 $0x1400  }
0x1d3: {  	[tilespmem:s25], [sflag:$0x1] =	stream.indirect_vreg.gather [hbm4b:s2+s3], $0x80, v4, vm0, $0xb8;
	[tilespmem:$0x10400] =	vst v63  }
0x1d4: {  	_ = 	snop  }
0x1d5: {  	[tilespmem:s28], [sflag:$0x1] =	stream.indirect_vreg.gather [hbm4b:s2+s3], $0x80, v3, vm0, $0xb8;
	[tilespmem:$0x10400] =	vst v63  }
0x1d6: {  	v3 =	vld [tilespmem:$0x310];
	_ =	sdelay $0x4  }
0x1d7: {  	v37 =	vshll.u32 v3, $0x1  }
0x1d8: {  	v3 =	vand.u32 $0x7, v3;
	v4 =	vand.u32 $0xFFFFFFF0, v37  }
0x1d9: {  	v3 =	vor.u32 v3, v4  }
0x1da: {  	v4 =	vperm.xlane v3, v0;
	_ =	sdelay $0x1  }
0x1db: {  	v3 =	vperm.xlane v3, v2;
	v4 =	vadd.s32 v1, v4;
	_ =	sdelay $0x1  }
0x1dc: {  	v3 =	vadd.s32 v1, v3;
	_ =	sdelay $0x2  }
0x1dd: {  	[tilespmem:s9], [sflag:$0x1] =	stream.indirect_vreg.gather [hbm4b:s2+s3], $0x80, v4, vm0, $0xb8;
	[tilespmem:$0x10400] =	vst v63  }
0x1de: {  	_ = 	snop  }
0x1df: {  	[tilespmem:s11], [sflag:$0x1] =	stream.indirect_vreg.gather [hbm4b:s2+s3], $0x80, v3, vm0, $0xb8;
	[tilespmem:$0x10400] =	vst v63  }
0x1e0: {  	v3 =	vld [tilespmem:$0x380];
	_ =	sdelay $0x4  }
0x1e1: {  	v38 =	vshll.u32 v3, $0x1  }
0x1e2: {  	v3 =	vand.u32 $0x7, v3;
	v4 =	vand.u32 $0xFFFFFFF0, v38  }
0x1e3: {  	v3 =	vor.u32 v3, v4  }
0x1e4: {  	v4 =	vperm.xlane v3, v0;
	_ =	sdelay $0x1  }
0x1e5: {  	v3 =	vperm.xlane v3, v2;
	v4 =	vadd.s32 v1, v4;
	_ =	sdelay $0x1  }
0x1e6: {  	v3 =	vadd.s32 v1, v3;
	_ =	sdelay $0x1  }
0x1e7: {  	s26 =	simm.s32 $0x1C00  }
0x1e8: {  	[tilespmem:s26], [sflag:$0x1] =	stream.indirect_vreg.gather [hbm4b:s2+s3], $0x80, v4, vm0, $0xb8;
	[tilespmem:$0x10400] =	vst v63  }
0x1e9: {  	_ = 	snop  }
0x1ea: {  	[tilespmem:s31], [sflag:$0x1] =	stream.indirect_vreg.gather [hbm4b:s2+s3], $0x80, v3, vm0, $0xb8;
	[tilespmem:$0x10400] =	vst v63  }
0x1eb: {  	v3 =	vld [tilespmem:$0x390];
	_ =	sdelay $0x4  }
0x1ec: {  	v39 =	vshll.u32 v3, $0x1  }
0x1ed: {  	v3 =	vand.u32 $0x7, v3;
	v4 =	vand.u32 $0xFFFFFFF0, v39  }
0x1ee: {  	v3 =	vor.u32 v3, v4  }
0x1ef: {  	v4 =	vperm.xlane v3, v0;
	_ =	sdelay $0x1  }
0x1f0: {  	v3 =	vperm.xlane v3, v2;
	v4 =	vadd.s32 v1, v4;
	_ =	sdelay $0x1  }
0x1f1: {  	v3 =	vadd.s32 v1, v3;
	_ =	sdelay $0x2  }
0x1f2: {  	[tilespmem:s8], [sflag:$0x1] =	stream.indirect_vreg.gather [hbm4b:s2+s3], $0x80, v4, vm0, $0xb8;
	[tilespmem:$0x10400] =	vst v63  }
0x1f3: {  	_ = 	snop  }
0x1f4: {  	[tilespmem:s10], [sflag:$0x1] =	stream.indirect_vreg.gather [hbm4b:s2+s3], $0x80, v3, vm0, $0xb8;
	[tilespmem:$0x10400] =	vst v63  }
0x1f5: {  	_ =	swait.ge [sflag:s14], $0x2000  }
0x1f6: {  	[sflag:s14] =	ssyncset.done $0x0  }
0x1f7: {  	[sflag:s14] =	ssyncadd.s32 $0xFFFFE000  }
0x1f8: {  	_ =	swait.ge [sflag:s14], $0x2000  }
0x1f9: {  	[sflag:s14] =	ssyncset.done $0x0  }
0x1fa: {  	[sflag:s14] =	ssyncadd.s32 $0xFFFFE000  }
0x1fb: {  	_ =	swait.ge [sflag:s14], $0x2000  }
0x1fc: {  	[sflag:s14] =	ssyncset.done $0x0  }
0x1fd: {  	[sflag:s14] =	ssyncadd.s32 $0xFFFFE000  }
0x1fe: {  	_ =	swait.ge [sflag:s14], $0x2000  }
0x1ff: {  	[sflag:s14] =	ssyncset.done $0x0  }
0x200: {  	s28 =	rddreg [dreg:$0x7];
	[sflag:s14] =	ssyncadd.s32 $0xFFFFE000  }
0x201: {  	[hbm4b:s28+s3] =	stream.linear.scatter [tilespmem:s23], [sflag:$0x4], $0x8000, $0x38;
	[tilespmem:$0x10400] =	vst v63  }
0x202: {  	_ =	swait.ge [sflag:s15], $0x8000  }
0x203: {  	[sflag:s15] =	ssyncset.done $0x0  }
0x204: {  	[sflag:s15] =	ssyncadd.s32 $0xFFFF8000  }
0x205: {  	v3 =	vld [tilespmem:$0x220];
	_ =	sdelay $0x4  }
0x206: {  	v40 =	vshll.u32 v3, $0x1  }
0x207: {  	v3 =	vand.u32 $0x7, v3;
	v4 =	vand.u32 $0xFFFFFFF0, v40  }
0x208: {  	v3 =	vor.u32 v3, v4  }
0x209: {  	v4 =	vperm.xlane v3, v0;
	_ =	sdelay $0x1  }
0x20a: {  	v3 =	vperm.xlane v3, v2;
	v4 =	vadd.s32 v1, v4;
	_ =	sdelay $0x1  }
0x20b: {  	v3 =	vadd.s32 v1, v3;
	_ =	sdelay $0x2  }
0x20c: {  	[tilespmem:s23], [sflag:$0x2] =	stream.indirect_vreg.gather [hbm4b:s2+s3], $0x80, v4, vm0, $0xb8;
	[tilespmem:$0x10400] =	vst v63  }
0x20d: {  	s31 =	simm.s32 $0xA400  }
0x20e: {  	[tilespmem:s31], [sflag:$0x2] =	stream.indirect_vreg.gather [hbm4b:s2+s3], $0x80, v3, vm0, $0xb8;
	[tilespmem:$0x10400] =	vst v63  }
0x20f: {  	v3 =	vld [tilespmem:$0x230];
	_ =	sdelay $0x4  }
0x210: {  	v41 =	vshll.u32 v3, $0x1  }
0x211: {  	v3 =	vand.u32 $0x7, v3;
	v4 =	vand.u32 $0xFFFFFFF0, v41  }
0x212: {  	v3 =	vor.u32 v3, v4  }
0x213: {  	v4 =	vperm.xlane v3, v0;
	_ =	sdelay $0x1  }
0x214: {  	v3 =	vperm.xlane v3, v2;
	v4 =	vadd.s32 v1, v4;
	_ =	sdelay $0x1  }
0x215: {  	v3 =	vadd.s32 v1, v3;
	_ =	sdelay $0x2  }
0x216: {  	[tilespmem:s0], [sflag:$0x2] =	stream.indirect_vreg.gather [hbm4b:s2+s3], $0x80, v4, vm0, $0xb8;
	[tilespmem:$0x10400] =	vst v63  }
0x217: {  	_ = 	snop  }
0x218: {  	[tilespmem:s4], [sflag:$0x2] =	stream.indirect_vreg.gather [hbm4b:s2+s3], $0x80, v3, vm0, $0xb8;
	[tilespmem:$0x10400] =	vst v63  }
0x219: {  	v3 =	vld [tilespmem:$0x2A0];
	_ =	sdelay $0x4  }
0x21a: {  	v42 =	vshll.u32 v3, $0x1  }
0x21b: {  	v3 =	vand.u32 $0x7, v3;
	v4 =	vand.u32 $0xFFFFFFF0, v42  }
0x21c: {  	v3 =	vor.u32 v3, v4  }
0x21d: {  	v4 =	vperm.xlane v3, v0;
	_ =	sdelay $0x1  }
0x21e: {  	v3 =	vperm.xlane v3, v2;
	v4 =	vadd.s32 v1, v4;
	_ =	sdelay $0x1  }
0x21f: {  	v3 =	vadd.s32 v1, v3;
	_ =	sdelay $0x2  }
0x220: {  	[tilespmem:s1], [sflag:$0x2] =	stream.indirect_vreg.gather [hbm4b:s2+s3], $0x80, v4, vm0, $0xb8;
	[tilespmem:$0x10400] =	vst v63  }
0x221: {  	_ = 	snop  }
0x222: {  	[tilespmem:s6], [sflag:$0x2] =	stream.indirect_vreg.gather [hbm4b:s2+s3], $0x80, v3, vm0, $0xb8;
	[tilespmem:$0x10400] =	vst v63  }
0x223: {  	v3 =	vld [tilespmem:$0x2B0];
	_ =	sdelay $0x4  }
0x224: {  	v43 =	vshll.u32 v3, $0x1  }
0x225: {  	v3 =	vand.u32 $0x7, v3;
	v4 =	vand.u32 $0xFFFFFFF0, v43  }
0x226: {  	v3 =	vor.u32 v3, v4  }
0x227: {  	v4 =	vperm.xlane v3, v0;
	_ =	sdelay $0x1  }
0x228: {  	v3 =	vperm.xlane v3, v2;
	v4 =	vadd.s32 v1, v4;
	_ =	sdelay $0x1  }
0x229: {  	v3 =	vadd.s32 v1, v3;
	_ =	sdelay $0x1  }
0x22a: {  	s30 =	simm.s32 $0xCC00  }
0x22b: {  	[tilespmem:s30], [sflag:$0x2] =	stream.indirect_vreg.gather [hbm4b:s2+s3], $0x80, v4, vm0, $0xb8;
	[tilespmem:$0x10400] =	vst v63  }
0x22c: {  	s25 =	simm.s32 $0xEC00  }
0x22d: {  	[tilespmem:s25], [sflag:$0x2] =	stream.indirect_vreg.gather [hbm4b:s2+s3], $0x80, v3, vm0, $0xb8;
	[tilespmem:$0x10400] =	vst v63  }
0x22e: {  	v3 =	vld [tilespmem:$0x320];
	_ =	sdelay $0x4  }
0x22f: {  	v44 =	vshll.u32 v3, $0x1  }
0x230: {  	v3 =	vand.u32 $0x7, v3;
	v4 =	vand.u32 $0xFFFFFFF0, v44  }
0x231: {  	v3 =	vor.u32 v3, v4  }
0x232: {  	v4 =	vperm.xlane v3, v0;
	_ =	sdelay $0x1  }
0x233: {  	v3 =	vperm.xlane v3, v2;
	v4 =	vadd.s32 v1, v4;
	_ =	sdelay $0x1  }
0x234: {  	v3 =	vadd.s32 v1, v3;
	_ =	sdelay $0x1  }
0x235: {  	s21 =	simm.s32 $0x9400  }
0x236: {  	[tilespmem:s21], [sflag:$0x2] =	stream.indirect_vreg.gather [hbm4b:s2+s3], $0x80, v4, vm0, $0xb8;
	[tilespmem:$0x10400] =	vst v63  }
0x237: {  	s28 =	simm.s32 $0xB400  }
0x238: {  	[tilespmem:s28], [sflag:$0x2] =	stream.indirect_vreg.gather [hbm4b:s2+s3], $0x80, v3, vm0, $0xb8;
	[tilespmem:$0x10400] =	vst v63  }
0x239: {  	v3 =	vld [tilespmem:$0x330];
	_ =	sdelay $0x4  }
0x23a: {  	v45 =	vshll.u32 v3, $0x1  }
0x23b: {  	v3 =	vand.u32 $0x7, v3;
	v4 =	vand.u32 $0xFFFFFFF0, v45  }
0x23c: {  	v3 =	vor.u32 v3, v4  }
0x23d: {  	v4 =	vperm.xlane v3, v0;
	_ =	sdelay $0x1  }
0x23e: {  	v3 =	vperm.xlane v3, v2;
	v4 =	vadd.s32 v1, v4;
	_ =	sdelay $0x1  }
0x23f: {  	v3 =	vadd.s32 v1, v3;
	_ =	sdelay $0x1  }
0x240: {  	s17 =	simm.s32 $0xD400  }
0x241: {  	[tilespmem:s17], [sflag:$0x2] =	stream.indirect_vreg.gather [hbm4b:s2+s3], $0x80, v4, vm0, $0xb8;
	[tilespmem:$0x10400] =	vst v63  }
0x242: {  	s21 =	simm.s32 $0xF400  }
0x243: {  	[tilespmem:s21], [sflag:$0x2] =	stream.indirect_vreg.gather [hbm4b:s2+s3], $0x80, v3, vm0, $0xb8;
	[tilespmem:$0x10400] =	vst v63  }
0x244: {  	v3 =	vld [tilespmem:$0x3A0];
	_ =	sdelay $0x4  }
0x245: {  	v46 =	vshll.u32 v3, $0x1  }
0x246: {  	v3 =	vand.u32 $0x7, v3;
	v4 =	vand.u32 $0xFFFFFFF0, v46  }
0x247: {  	v3 =	vor.u32 v3, v4  }
0x248: {  	v4 =	vperm.xlane v3, v0;
	_ =	sdelay $0x1  }
0x249: {  	v3 =	vperm.xlane v3, v2;
	v4 =	vadd.s32 v1, v4;
	_ =	sdelay $0x1  }
0x24a: {  	v3 =	vadd.s32 v1, v3;
	_ =	sdelay $0x1  }
0x24b: {  	s29 =	simm.s32 $0x9C00  }
0x24c: {  	[tilespmem:s29], [sflag:$0x2] =	stream.indirect_vreg.gather [hbm4b:s2+s3], $0x80, v4, vm0, $0xb8;
	[tilespmem:$0x10400] =	vst v63  }
0x24d: {  	s17 =	simm.s32 $0xBC00  }
0x24e: {  	[tilespmem:s17], [sflag:$0x2] =	stream.indirect_vreg.gather [hbm4b:s2+s3], $0x80, v3, vm0, $0xb8;
	[tilespmem:$0x10400] =	vst v63  }
0x24f: {  	v3 =	vld [tilespmem:$0x3B0];
	_ =	sdelay $0x4  }
0x250: {  	v47 =	vshll.u32 v3, $0x1  }
0x251: {  	v3 =	vand.u32 $0x7, v3;
	v4 =	vand.u32 $0xFFFFFFF0, v47  }
0x252: {  	v3 =	vor.u32 v3, v4  }
0x253: {  	v4 =	vperm.xlane v3, v0;
	_ =	sdelay $0x1  }
0x254: {  	v3 =	vperm.xlane v3, v2;
	v4 =	vadd.s32 v1, v4;
	_ =	sdelay $0x1  }
0x255: {  	v3 =	vadd.s32 v1, v3;
	_ =	sdelay $0x1  }
0x256: {  	s18 =	simm.s32 $0xDC00  }
0x257: {  	[tilespmem:s18], [sflag:$0x2] =	stream.indirect_vreg.gather [hbm4b:s2+s3], $0x80, v4, vm0, $0xb8;
	[tilespmem:$0x10400] =	vst v63  }
0x258: {  	s18 =	simm.s32 $0xFC00  }
0x259: {  	[tilespmem:s18], [sflag:$0x2] =	stream.indirect_vreg.gather [hbm4b:s2+s3], $0x80, v3, vm0, $0xb8;
	[tilespmem:$0x10400] =	vst v63  }
0x25a: {  	_ =	swait.ge [sflag:s12], $0x2000  }
0x25b: {  	[sflag:s12] =	ssyncset.done $0x0  }
0x25c: {  	[sflag:s12] =	ssyncadd.s32 $0xFFFFE000  }
0x25d: {  	_ =	swait.ge [sflag:s12], $0x2000  }
0x25e: {  	[sflag:s12] =	ssyncset.done $0x0  }
0x25f: {  	[sflag:s12] =	ssyncadd.s32 $0xFFFFE000  }
0x260: {  	_ =	swait.ge [sflag:s12], $0x2000  }
0x261: {  	[sflag:s12] =	ssyncset.done $0x0  }
0x262: {  	[sflag:s12] =	ssyncadd.s32 $0xFFFFE000  }
0x263: {  	_ =	swait.ge [sflag:s12], $0x2000  }
0x264: {  	[sflag:s12] =	ssyncset.done $0x0  }
0x265: {  	s16 =	rddreg [dreg:$0x8];
	[sflag:s12] =	ssyncadd.s32 $0xFFFFE000  }
0x266: {  	[hbm4b:s16+s3] =	stream.linear.scatter [tilespmem:s22], [sflag:$0x3], $0x8000, $0x38;
	[tilespmem:$0x10400] =	vst v63  }
0x267: {  	_ =	swait.ge [sflag:s13], $0x8000  }
0x268: {  	[sflag:s13] =	ssyncset.done $0x0  }
0x269: {  	[sflag:s13] =	ssyncadd.s32 $0xFFFF8000  }
0x26a: {  	v3 =	vld [tilespmem:$0x240];
	_ =	sdelay $0x4  }
0x26b: {  	v48 =	vshll.u32 v3, $0x1  }
0x26c: {  	v3 =	vand.u32 $0x7, v3;
	v4 =	vand.u32 $0xFFFFFFF0, v48  }
0x26d: {  	v3 =	vor.u32 v3, v4  }
0x26e: {  	v4 =	vperm.xlane v3, v0;
	_ =	sdelay $0x1  }
0x26f: {  	v3 =	vperm.xlane v3, v2;
	v4 =	vadd.s32 v1, v4;
	_ =	sdelay $0x1  }
0x270: {  	v3 =	vadd.s32 v1, v3;
	_ =	sdelay $0x2  }
0x271: {  	[tilespmem:s22], [sflag:$0x1] =	stream.indirect_vreg.gather [hbm4b:s2+s3], $0x80, v4, vm0, $0xb8;
	[tilespmem:$0x10400] =	vst v63  }
0x272: {  	s16 =	simm.s32 $0x2400  }
0x273: {  	[tilespmem:s16], [sflag:$0x1] =	stream.indirect_vreg.gather [hbm4b:s2+s3], $0x80, v3, vm0, $0xb8;
	[tilespmem:$0x10400] =	vst v63  }
0x274: {  	v3 =	vld [tilespmem:$0x250];
	_ =	sdelay $0x4  }
0x275: {  	v49 =	vshll.u32 v3, $0x1  }
0x276: {  	v3 =	vand.u32 $0x7, v3;
	v4 =	vand.u32 $0xFFFFFFF0, v49  }
0x277: {  	v3 =	vor.u32 v3, v4  }
0x278: {  	v4 =	vperm.xlane v3, v0;
	_ =	sdelay $0x1  }
0x279: {  	v3 =	vperm.xlane v3, v2;
	v4 =	vadd.s32 v1, v4;
	_ =	sdelay $0x1  }
0x27a: {  	v3 =	vadd.s32 v1, v3;
	_ =	sdelay $0x1  }
0x27b: {  	s16 =	simm.s32 $0x4400  }
0x27c: {  	[tilespmem:s16], [sflag:$0x1] =	stream.indirect_vreg.gather [hbm4b:s2+s3], $0x80, v4, vm0, $0xb8;
	[tilespmem:$0x10400] =	vst v63  }
0x27d: {  	s19 =	simm.s32 $0x6400  }
0x27e: {  	[tilespmem:s19], [sflag:$0x1] =	stream.indirect_vreg.gather [hbm4b:s2+s3], $0x80, v3, vm0, $0xb8;
	[tilespmem:$0x10400] =	vst v63  }
0x27f: {  	v3 =	vld [tilespmem:$0x2C0];
	_ =	sdelay $0x4  }
0x280: {  	v50 =	vshll.u32 v3, $0x1  }
0x281: {  	v3 =	vand.u32 $0x7, v3;
	v4 =	vand.u32 $0xFFFFFFF0, v50  }
0x282: {  	v3 =	vor.u32 v3, v4  }
0x283: {  	v4 =	vperm.xlane v3, v0;
	_ =	sdelay $0x1  }
0x284: {  	v3 =	vperm.xlane v3, v2;
	v4 =	vadd.s32 v1, v4;
	_ =	sdelay $0x1  }
0x285: {  	v3 =	vadd.s32 v1, v3;
	_ =	sdelay $0x1  }
0x286: {  	s19 =	simm.s32 $0xC00  }
0x287: {  	[tilespmem:s19], [sflag:$0x1] =	stream.indirect_vreg.gather [hbm4b:s2+s3], $0x80, v4, vm0, $0xb8;
	[tilespmem:$0x10400] =	vst v63  }
0x288: {  	s20 =	simm.s32 $0x2C00  }
0x289: {  	[tilespmem:s20], [sflag:$0x1] =	stream.indirect_vreg.gather [hbm4b:s2+s3], $0x80, v3, vm0, $0xb8;
	[tilespmem:$0x10400] =	vst v63  }
0x28a: {  	v3 =	vld [tilespmem:$0x2D0];
	_ =	sdelay $0x4  }
0x28b: {  	v51 =	vshll.u32 v3, $0x1  }
0x28c: {  	v3 =	vand.u32 $0x7, v3;
	v4 =	vand.u32 $0xFFFFFFF0, v51  }
0x28d: {  	v3 =	vor.u32 v3, v4  }
0x28e: {  	v4 =	vperm.xlane v3, v0;
	_ =	sdelay $0x1  }
0x28f: {  	v3 =	vperm.xlane v3, v2;
	v4 =	vadd.s32 v1, v4;
	_ =	sdelay $0x1  }
0x290: {  	v3 =	vadd.s32 v1, v3;
	_ =	sdelay $0x1  }
0x291: {  	s7 =	simm.s32 $0x4C00  }
0x292: {  	[tilespmem:s7], [sflag:$0x1] =	stream.indirect_vreg.gather [hbm4b:s2+s3], $0x80, v4, vm0, $0xb8;
	[tilespmem:$0x10400] =	vst v63  }
0x293: {  	s20 =	simm.s32 $0x6C00  }
0x294: {  	[tilespmem:s20], [sflag:$0x1] =	stream.indirect_vreg.gather [hbm4b:s2+s3], $0x80, v3, vm0, $0xb8;
	[tilespmem:$0x10400] =	vst v63  }
0x295: {  	v3 =	vld [tilespmem:$0x340];
	_ =	sdelay $0x4  }
0x296: {  	v52 =	vshll.u32 v3, $0x1  }
0x297: {  	v3 =	vand.u32 $0x7, v3;
	v4 =	vand.u32 $0xFFFFFFF0, v52  }
0x298: {  	v3 =	vor.u32 v3, v4  }
0x299: {  	v4 =	vperm.xlane v3, v0;
	_ =	sdelay $0x1  }
0x29a: {  	v3 =	vperm.xlane v3, v2;
	v4 =	vadd.s32 v1, v4;
	_ =	sdelay $0x1  }
0x29b: {  	v3 =	vadd.s32 v1, v3;
	_ =	sdelay $0x1  }
0x29c: {  	s16 =	simm.s32 $0x1400  }
0x29d: {  	[tilespmem:s16], [sflag:$0x1] =	stream.indirect_vreg.gather [hbm4b:s2+s3], $0x80, v4, vm0, $0xb8;
	[tilespmem:$0x10400] =	vst v63  }
0x29e: {  	s24 =	simm.s32 $0x3400  }
0x29f: {  	[tilespmem:s24], [sflag:$0x1] =	stream.indirect_vreg.gather [hbm4b:s2+s3], $0x80, v3, vm0, $0xb8;
	[tilespmem:$0x10400] =	vst v63  }
0x2a0: {  	v3 =	vld [tilespmem:$0x350];
	_ =	sdelay $0x4  }
0x2a1: {  	v53 =	vshll.u32 v3, $0x1  }
0x2a2: {  	v3 =	vand.u32 $0x7, v3;
	v4 =	vand.u32 $0xFFFFFFF0, v53  }
0x2a3: {  	v3 =	vor.u32 v3, v4  }
0x2a4: {  	v4 =	vperm.xlane v3, v0;
	_ =	sdelay $0x1  }
0x2a5: {  	v3 =	vperm.xlane v3, v2;
	v4 =	vadd.s32 v1, v4;
	_ =	sdelay $0x1  }
0x2a6: {  	v3 =	vadd.s32 v1, v3;
	_ =	sdelay $0x1  }
0x2a7: {  	s9 =	simm.s32 $0x5400  }
0x2a8: {  	[tilespmem:s9], [sflag:$0x1] =	stream.indirect_vreg.gather [hbm4b:s2+s3], $0x80, v4, vm0, $0xb8;
	[tilespmem:$0x10400] =	vst v63  }
0x2a9: {  	s11 =	simm.s32 $0x7400  }
0x2aa: {  	[tilespmem:s11], [sflag:$0x1] =	stream.indirect_vreg.gather [hbm4b:s2+s3], $0x80, v3, vm0, $0xb8;
	[tilespmem:$0x10400] =	vst v63  }
0x2ab: {  	v3 =	vld [tilespmem:$0x3C0];
	_ =	sdelay $0x4  }
0x2ac: {  	v54 =	vshll.u32 v3, $0x1  }
0x2ad: {  	v3 =	vand.u32 $0x7, v3;
	v4 =	vand.u32 $0xFFFFFFF0, v54  }
0x2ae: {  	v3 =	vor.u32 v3, v4  }
0x2af: {  	v4 =	vperm.xlane v3, v0;
	_ =	sdelay $0x1  }
0x2b0: {  	v3 =	vperm.xlane v3, v2;
	v4 =	vadd.s32 v1, v4;
	_ =	sdelay $0x1  }
0x2b1: {  	v3 =	vadd.s32 v1, v3;
	_ =	sdelay $0x1  }
0x2b2: {  	s19 =	simm.s32 $0x1C00  }
0x2b3: {  	[tilespmem:s19], [sflag:$0x1] =	stream.indirect_vreg.gather [hbm4b:s2+s3], $0x80, v4, vm0, $0xb8;
	[tilespmem:$0x10400] =	vst v63  }
0x2b4: {  	s26 =	simm.s32 $0x3C00  }
0x2b5: {  	[tilespmem:s26], [sflag:$0x1] =	stream.indirect_vreg.gather [hbm4b:s2+s3], $0x80, v3, vm0, $0xb8;
	[tilespmem:$0x10400] =	vst v63  }
0x2b6: {  	v3 =	vld [tilespmem:$0x3D0];
	_ =	sdelay $0x4  }
0x2b7: {  	v55 =	vshll.u32 v3, $0x1  }
0x2b8: {  	v3 =	vand.u32 $0x7, v3;
	v4 =	vand.u32 $0xFFFFFFF0, v55  }
0x2b9: {  	v3 =	vor.u32 v3, v4  }
0x2ba: {  	v4 =	vperm.xlane v3, v0;
	_ =	sdelay $0x1  }
0x2bb: {  	v3 =	vperm.xlane v3, v2;
	v4 =	vadd.s32 v1, v4;
	_ =	sdelay $0x1  }
0x2bc: {  	v3 =	vadd.s32 v1, v3;
	_ =	sdelay $0x1  }
0x2bd: {  	s8 =	simm.s32 $0x5C00  }
0x2be: {  	[tilespmem:s8], [sflag:$0x1] =	stream.indirect_vreg.gather [hbm4b:s2+s3], $0x80, v4, vm0, $0xb8;
	[tilespmem:$0x10400] =	vst v63  }
0x2bf: {  	s10 =	simm.s32 $0x7C00  }
0x2c0: {  	[tilespmem:s10], [sflag:$0x1] =	stream.indirect_vreg.gather [hbm4b:s2+s3], $0x80, v3, vm0, $0xb8;
	[tilespmem:$0x10400] =	vst v63  }
0x2c1: {  	_ =	swait.ge [sflag:s14], $0x2000  }
0x2c2: {  	[sflag:s14] =	ssyncset.done $0x0  }
0x2c3: {  	[sflag:s14] =	ssyncadd.s32 $0xFFFFE000  }
0x2c4: {  	_ =	swait.ge [sflag:s14], $0x2000  }
0x2c5: {  	[sflag:s14] =	ssyncset.done $0x0  }
0x2c6: {  	[sflag:s14] =	ssyncadd.s32 $0xFFFFE000  }
0x2c7: {  	_ =	swait.ge [sflag:s14], $0x2000  }
0x2c8: {  	[sflag:s14] =	ssyncset.done $0x0  }
0x2c9: {  	[sflag:s14] =	ssyncadd.s32 $0xFFFFE000  }
0x2ca: {  	_ =	swait.ge [sflag:s14], $0x2000  }
0x2cb: {  	[sflag:s14] =	ssyncset.done $0x0  }
0x2cc: {  	s20 =	rddreg [dreg:$0x9];
	[sflag:s14] =	ssyncadd.s32 $0xFFFFE000  }
0x2cd: {  	[hbm4b:s20+s3] =	stream.linear.scatter [tilespmem:s23], [sflag:$0x4], $0x8000, $0x38;
	[tilespmem:$0x10400] =	vst v63  }
0x2ce: {  	_ =	swait.ge [sflag:s15], $0x8000  }
0x2cf: {  	[sflag:s15] =	ssyncset.done $0x0  }
0x2d0: {  	[sflag:s15] =	ssyncadd.s32 $0xFFFF8000  }
0x2d1: {  	v3 =	vld [tilespmem:$0x260];
	_ =	sdelay $0x4  }
0x2d2: {  	v56 =	vshll.u32 v3, $0x1  }
0x2d3: {  	v3 =	vand.u32 $0x7, v3;
	v4 =	vand.u32 $0xFFFFFFF0, v56  }
0x2d4: {  	v3 =	vor.u32 v3, v4  }
0x2d5: {  	v4 =	vperm.xlane v3, v0;
	_ =	sdelay $0x1  }
0x2d6: {  	v3 =	vperm.xlane v3, v2;
	v4 =	vadd.s32 v1, v4;
	_ =	sdelay $0x1  }
0x2d7: {  	v3 =	vadd.s32 v1, v3;
	_ =	sdelay $0x2  }
0x2d8: {  	[tilespmem:s23], [sflag:$0x2] =	stream.indirect_vreg.gather [hbm4b:s2+s3], $0x80, v4, vm0, $0xb8;
	[tilespmem:$0x10400] =	vst v63  }
0x2d9: {  	s24 =	simm.s32 $0xA400  }
0x2da: {  	[tilespmem:s24], [sflag:$0x2] =	stream.indirect_vreg.gather [hbm4b:s2+s3], $0x80, v3, vm0, $0xb8;
	[tilespmem:$0x10400] =	vst v63  }
0x2db: {  	v3 =	vld [tilespmem:$0x270];
	_ =	sdelay $0x4  }
0x2dc: {  	v57 =	vshll.u32 v3, $0x1  }
0x2dd: {  	v3 =	vand.u32 $0x7, v3;
	v4 =	vand.u32 $0xFFFFFFF0, v57  }
0x2de: {  	v3 =	vor.u32 v3, v4  }
0x2df: {  	v4 =	vperm.xlane v3, v0;
	_ =	sdelay $0x1  }
0x2e0: {  	v3 =	vperm.xlane v3, v2;
	v4 =	vadd.s32 v1, v4;
	_ =	sdelay $0x1  }
0x2e1: {  	v3 =	vadd.s32 v1, v3;
	_ =	sdelay $0x1  }
0x2e2: {  	s0 =	simm.s32 $0xC400  }
0x2e3: {  	[tilespmem:s0], [sflag:$0x2] =	stream.indirect_vreg.gather [hbm4b:s2+s3], $0x80, v4, vm0, $0xb8;
	[tilespmem:$0x10400] =	vst v63  }
0x2e4: {  	s4 =	simm.s32 $0xE400  }
0x2e5: {  	[tilespmem:s4], [sflag:$0x2] =	stream.indirect_vreg.gather [hbm4b:s2+s3], $0x80, v3, vm0, $0xb8;
	[tilespmem:$0x10400] =	vst v63  }
0x2e6: {  	v3 =	vld [tilespmem:$0x2E0];
	_ =	sdelay $0x4  }
0x2e7: {  	v58 =	vshll.u32 v3, $0x1  }
0x2e8: {  	v3 =	vand.u32 $0x7, v3;
	v4 =	vand.u32 $0xFFFFFFF0, v58  }
0x2e9: {  	v3 =	vor.u32 v3, v4  }
0x2ea: {  	v4 =	vperm.xlane v3, v0;
	_ =	sdelay $0x1  }
0x2eb: {  	v3 =	vperm.xlane v3, v2;
	v4 =	vadd.s32 v1, v4;
	_ =	sdelay $0x1  }
0x2ec: {  	v3 =	vadd.s32 v1, v3;
	_ =	sdelay $0x1  }
0x2ed: {  	s1 =	simm.s32 $0x8C00  }
0x2ee: {  	[tilespmem:s1], [sflag:$0x2] =	stream.indirect_vreg.gather [hbm4b:s2+s3], $0x80, v4, vm0, $0xb8;
	[tilespmem:$0x10400] =	vst v63  }
0x2ef: {  	s6 =	simm.s32 $0xAC00  }
0x2f0: {  	[tilespmem:s6], [sflag:$0x2] =	stream.indirect_vreg.gather [hbm4b:s2+s3], $0x80, v3, vm0, $0xb8;
	[tilespmem:$0x10400] =	vst v63  }
0x2f1: {  	v3 =	vld [tilespmem:$0x2F0];
	_ =	sdelay $0x4  }
0x2f2: {  	v59 =	vshll.u32 v3, $0x1  }
0x2f3: {  	v3 =	vand.u32 $0x7, v3;
	v4 =	vand.u32 $0xFFFFFFF0, v59  }
0x2f4: {  	v3 =	vor.u32 v3, v4  }
0x2f5: {  	v4 =	vperm.xlane v3, v0;
	_ =	sdelay $0x1  }
0x2f6: {  	v3 =	vperm.xlane v3, v2;
	v4 =	vadd.s32 v1, v4;
	_ =	sdelay $0x1  }
0x2f7: {  	v3 =	vadd.s32 v1, v3;
	_ =	sdelay $0x1  }
0x2f8: {  	s31 =	simm.s32 $0xCC00  }
0x2f9: {  	[tilespmem:s31], [sflag:$0x2] =	stream.indirect_vreg.gather [hbm4b:s2+s3], $0x80, v4, vm0, $0xb8;
	[tilespmem:$0x10400] =	vst v63  }
0x2fa: {  	s25 =	simm.s32 $0xEC00  }
0x2fb: {  	[tilespmem:s25], [sflag:$0x2] =	stream.indirect_vreg.gather [hbm4b:s2+s3], $0x80, v3, vm0, $0xb8;
	[tilespmem:$0x10400] =	vst v63  }
0x2fc: {  	v3 =	vld [tilespmem:$0x360];
	_ =	sdelay $0x4  }
0x2fd: {  	v60 =	vshll.u32 v3, $0x1  }
0x2fe: {  	v3 =	vand.u32 $0x7, v3;
	v4 =	vand.u32 $0xFFFFFFF0, v60  }
0x2ff: {  	v3 =	vor.u32 v3, v4  }
0x300: {  	v4 =	vperm.xlane v3, v0;
	_ =	sdelay $0x1  }
0x301: {  	v3 =	vperm.xlane v3, v2;
	v4 =	vadd.s32 v1, v4;
	_ =	sdelay $0x1  }
0x302: {  	v3 =	vadd.s32 v1, v3;
	_ =	sdelay $0x1  }
0x303: {  	s30 =	simm.s32 $0x9400  }
0x304: {  	[tilespmem:s30], [sflag:$0x2] =	stream.indirect_vreg.gather [hbm4b:s2+s3], $0x80, v4, vm0, $0xb8;
	[tilespmem:$0x10400] =	vst v63  }
0x305: {  	s26 =	simm.s32 $0xB400  }
0x306: {  	[tilespmem:s26], [sflag:$0x2] =	stream.indirect_vreg.gather [hbm4b:s2+s3], $0x80, v3, vm0, $0xb8;
	[tilespmem:$0x10400] =	vst v63  }
0x307: {  	v3 =	vld [tilespmem:$0x370];
	_ =	sdelay $0x4  }
0x308: {  	v61 =	vshll.u32 v3, $0x1  }
0x309: {  	v3 =	vand.u32 $0x7, v3;
	v4 =	vand.u32 $0xFFFFFFF0, v61  }
0x30a: {  	v3 =	vor.u32 v3, v4  }
0x30b: {  	v4 =	vperm.xlane v3, v0;
	_ =	sdelay $0x1  }
0x30c: {  	v3 =	vperm.xlane v3, v2;
	v4 =	vadd.s32 v1, v4;
	_ =	sdelay $0x1  }
0x30d: {  	v3 =	vadd.s32 v1, v3;
	_ =	sdelay $0x1  }
0x30e: {  	s28 =	simm.s32 $0xD400  }
0x30f: {  	[tilespmem:s28], [sflag:$0x2] =	stream.indirect_vreg.gather [hbm4b:s2+s3], $0x80, v4, vm0, $0xb8;
	[tilespmem:$0x10400] =	vst v63  }
0x310: {  	s28 =	simm.s32 $0xF400  }
0x311: {  	[tilespmem:s28], [sflag:$0x2] =	stream.indirect_vreg.gather [hbm4b:s2+s3], $0x80, v3, vm0, $0xb8;
	[tilespmem:$0x10400] =	vst v63  }
0x312: {  	v3 =	vld [tilespmem:$0x3E0];
	_ =	sdelay $0x4  }
0x313: {  	v62 =	vshll.u32 v3, $0x1  }
0x314: {  	v3 =	vand.u32 $0x7, v3;
	v4 =	vand.u32 $0xFFFFFFF0, v62  }
0x315: {  	v3 =	vor.u32 v3, v4  }
0x316: {  	v4 =	vperm.xlane v3, v0;
	_ =	sdelay $0x1  }
0x317: {  	v3 =	vperm.xlane v3, v2;
	v4 =	vadd.s32 v1, v4;
	_ =	sdelay $0x1  }
0x318: {  	v3 =	vadd.s32 v1, v3;
	_ =	sdelay $0x1  }
0x319: {  	s21 =	simm.s32 $0x9C00  }
0x31a: {  	[tilespmem:s21], [sflag:$0x2] =	stream.indirect_vreg.gather [hbm4b:s2+s3], $0x80, v4, vm0, $0xb8;
	[tilespmem:$0x10400] =	vst v63  }
0x31b: {  	s29 =	simm.s32 $0xBC00  }
0x31c: {  	[tilespmem:s29], [sflag:$0x2] =	stream.indirect_vreg.gather [hbm4b:s2+s3], $0x80, v3, vm0, $0xb8;
	[tilespmem:$0x10400] =	vst v63  }
0x31d: {  	v3 =	vld [tilespmem:$0x3F0];
	_ =	sdelay $0x4  }
0x31e: {  	v63 =	vshll.u32 v3, $0x1  }
0x31f: {  	v3 =	vand.u32 $0x7, v3;
	v4 =	vand.u32 $0xFFFFFFF0, v63  }
0x320: {  	v3 =	vor.u32 v3, v4  }
0x321: {  	v4 =	vperm.xlane v3, v0;
	_ =	sdelay $0x1  }
0x322: {  	v3 =	vperm.xlane v3, v2;
	v4 =	vadd.s32 v1, v4;
	_ =	sdelay $0x1  }
0x323: {  	v3 =	vadd.s32 v1, v3;
	_ =	sdelay $0x1  }
0x324: {  	s17 =	simm.s32 $0xDC00  }
0x325: {  	[tilespmem:s17], [sflag:$0x2] =	stream.indirect_vreg.gather [hbm4b:s2+s3], $0x80, v4, vm0, $0xb8;
	[tilespmem:$0x10400] =	vst v63  }
0x326: {  	s18 =	simm.s32 $0xFC00  }
0x327: {  	[tilespmem:s18], [sflag:$0x2] =	stream.indirect_vreg.gather [hbm4b:s2+s3], $0x80, v3, vm0, $0xb8;
	[tilespmem:$0x10400] =	vst v63  }
0x328: {  	_ =	swait.ge [sflag:s12], $0x2000  }
0x329: {  	[sflag:s12] =	ssyncset.done $0x0  }
0x32a: {  	[sflag:s12] =	ssyncadd.s32 $0xFFFFE000  }
0x32b: {  	_ =	swait.ge [sflag:s12], $0x2000  }
0x32c: {  	[sflag:s12] =	ssyncset.done $0x0  }
0x32d: {  	[sflag:s12] =	ssyncadd.s32 $0xFFFFE000  }
0x32e: {  	_ =	swait.ge [sflag:s12], $0x2000  }
0x32f: {  	[sflag:s12] =	ssyncset.done $0x0  }
0x330: {  	[sflag:s12] =	ssyncadd.s32 $0xFFFFE000  }
0x331: {  	_ =	swait.ge [sflag:s12], $0x2000  }
0x332: {  	[sflag:s12] =	ssyncset.done $0x0  }
0x333: {  	s30 =	rddreg [dreg:$0xa];
	[sflag:s12] =	ssyncadd.s32 $0xFFFFE000  }
0x334: {  	[hbm4b:s30+s3] =	stream.linear.scatter [tilespmem:s22], [sflag:$0x3], $0x8000, $0x38;
	[tilespmem:$0x10400] =	vst v63  }
0x335: {  	_ =	swait.ge [sflag:s14], $0x2000  }
0x336: {  	[sflag:s14] =	ssyncset.done $0x0  }
0x337: {  	[sflag:s14] =	ssyncadd.s32 $0xFFFFE000  }
0x338: {  	_ =	swait.ge [sflag:s14], $0x2000  }
0x339: {  	[sflag:s14] =	ssyncset.done $0x0  }
0x33a: {  	[sflag:s14] =	ssyncadd.s32 $0xFFFFE000  }
0x33b: {  	_ =	swait.ge [sflag:s14], $0x2000  }
0x33c: {  	[sflag:s14] =	ssyncset.done $0x0  }
0x33d: {  	[sflag:s14] =	ssyncadd.s32 $0xFFFFE000  }
0x33e: {  	_ =	swait.ge [sflag:s14], $0x2000  }
0x33f: {  	[sflag:s14] =	ssyncset.done $0x0  }
0x340: {  	s31 =	rddreg [dreg:$0xb];
	[sflag:s14] =	ssyncadd.s32 $0xFFFFE000  }
0x341: {  	[hbm4b:s31+s3] =	stream.linear.scatter [tilespmem:s23], [sflag:$0x4], $0x8000, $0x38;
	[tilespmem:$0x10400] =	vst v63  }
0x342: {  	p0 =	sne.s32 s5, $0x1;
	_ =	swait.ge [sflag:s13], $0x8000  }
.Ltmp0:
0x343: {  	[sflag:s13] =	ssyncset.done $0x0;
	(pc) =	sbr.rel @p0 .LBB2_1-.Ltmp0, $4  }
0x344: {  	[sflag:s13] =	ssyncadd.s32 $0xFFFF8000  }
0x345: {  	_ =	swait.ge [sflag:s15], $0x8000  }
0x346: {  	[sflag:s15] =	ssyncset.done $0x0  }
0x347: {  	s5 =	sadd.s32 $0xFFFFFFFF, s5;
	[sflag:s15] =	ssyncadd.s32 $0xFFFF8000  }
0x348: {  	_ =	sfence.sel $0x180000  }
0x349: {  	[bflag:$0x0] =	sbarrier.arrive $0xFFFF  }
0x34a: {  	_ =	strace $0x90000047  }
0x34b: {  	s0 =	stileid.u32;
	[bflag:$0x2] =	sbarrier.arrive $0xFFFF  }
0x34c: {  	p0 =	sne.s32 s0, $0x0;
	s0 =	rddreg [dreg:$0x3]  }
0x34d: {  	s0 =	sadd.s32 @!p0 $0x100000, s0  }
0x34e: {  	[sflag:s0] =	ssyncadd.tile.s32 @!p0 $0x1;
	_ =	shalt  }
.Lfunc_end2:
_tile_overlayer_lowered:
.L_overlay_start_2:
0x34f: {  	(tag) =	ssettag $0x2  }
0x350: {  	s0 =	rddreg [dreg:$0x0];
	s2 =	stileid.u32  }
0x351: {  	s1 =	rddreg [dreg:$0x1];
	p0 =	sne.s32 s2, $0x0  }
0x352: {  	s3 =	rddreg [dreg:$0x2];
	[bflag:$0x3] =	sbarrier.arrive $0xFFFF;
	s2 =	simm.s32 @!p0 $0x1C05  }
0x353: {  	[timem:s3], [sflag:s2] =	dma.local @!p0 [hbm:s0], s1  }
0x354: {  	s0 =	simm.s32 @!p0 $0x5  }
0x355: {  	_ =	swait.ge @!p0 [sflag:s0], s1  }
0x356: {  	s1 =	ssub.s32 @!p0 $0x0, s1;
	[sflag:s0] =	ssyncset.done @!p0 $0x0  }
0x357: {  	[sflag:s0] =	ssyncadd.s32 @!p0 s1  }
0x358: {  	[bflag:$0x3] =	sbarrier.arrive $0xFFFF  }
0x359: {  	_ =	shalt  }

</sc_bundles>
